<compile_context>
chip_gen: v7x
topology: tpu7x:2x2x1
jax: 0.10.2.dev20260603
libtpu: 0.0.44.dev20260713+nightly
codegen_flags: <defaults>
</compile_context>

<pallas_src>
import functools

import jax
import jax.numpy as jnp
from jax import lax
from jax.experimental import pallas as pl
from jax.experimental.pallas import tpu as pltpu
from jax.experimental.pallas import tpu_sc as plsc

NN = 10000
EE = 320000
E2 = EE + NN
NP = 10240
NCORE = 2
NSUB = 16
CH = 128
GG = 8
TCH1 = 168
TCH2 = 88
RPT = NP // NSUB
BM = 2000


def _gat_pre_l1(x_ref, w_ref, as_ref, ad_ref, hs_ref, als_ref, ald_ref):
    h = jnp.dot(x_ref[...], w_ref[...], preferred_element_type=jnp.float32)
    hs_ref[0] = h[:, :128]
    hs_ref[1] = h[:, 128:]
    als_ref[...] = h @ as_ref[...]
    ald_ref[...] = h @ ad_ref[...]


def _gat_pre_l2(y_ref, b_ref, w_ref, as_ref, ad_ref, h_ref, als_ref, ald_ref):
    ya = jnp.maximum(y_ref[0] + b_ref[0, :128], 0.0)
    yb = jnp.maximum(y_ref[1] + b_ref[0, 128:], 0.0)
    h = (jnp.dot(ya, w_ref[:128, :], preferred_element_type=jnp.float32)
         + jnp.dot(yb, w_ref[128:, :], preferred_element_type=jnp.float32))
    h_ref[...] = h
    als_ref[...] = h @ as_ref[...]
    ald_ref[...] = h @ ad_ref[...]


def _final_body(acc_ref, den_ref, b_ref, o_ref):
    den = den_ref[0] + den_ref[1]
    row = (acc_ref[0] + acc_ref[1]) / den + b_ref[...]
    m = jnp.max(row, axis=-1, keepdims=True)
    ex = jnp.exp(row - m)
    o_ref[...] = row - m - jnp.log(jnp.sum(ex, axis=-1, keepdims=True))


def _make_sc_gat(feature_split):
    mesh = plsc.VectorSubcoreMesh(core_axis_name="c", subcore_axis_name="s")
    TCH = TCH1 if feature_split else TCH2
    NG = TCH // GG
    EPT = TCH * CH
    if feature_split:
        out_type = jax.ShapeDtypeStruct((NCORE, NP, 128), jnp.float32)
    else:
        out_type = [jax.ShapeDtypeStruct((NCORE, NP, 128), jnp.float32),
                    jax.ShapeDtypeStruct((NCORE, NP), jnp.float32)]

    @functools.partial(
        pl.kernel,
        mesh=mesh,
        out_type=out_type,
        compiler_params=pltpu.CompilerParams(needs_layout_passes=False),
        scratch_types=[
            pltpu.VMEM((NN,), jnp.float32),
            pltpu.VMEM((NN,), jnp.float32),
            pltpu.VMEM((GG, CH), jnp.int32),
            pltpu.VMEM((GG, CH), jnp.int32),
            pltpu.VMEM((GG, CH), jnp.float32),
            pltpu.VMEM((CH, 128), jnp.float32),
            pltpu.VMEM((RPT,), jnp.float32),
            pltpu.VMEM_SHARED((NP, 128), jnp.float32),
            pltpu.VMEM_SHARED((NP,), jnp.float32),
            pltpu.SemaphoreType.DMA,
        ],
    )
    def sc_gat(hs_hbm, als_hbm, ald_hbm, src_hbm, dst_hbm, *refs):
        if feature_split:
            (out_hbm, als_v, ald_v, src_v, dst_v, ex_v, rows_v, den_v,
             acc_sh, den_sh, sem) = refs
        else:
            (out_hbm, dout_hbm, als_v, ald_v, src_v, dst_v, ex_v, rows_v,
             den_v, acc_sh, den_sh, sem) = refs
        c = lax.axis_index("c")
        s = lax.axis_index("s")
        zero16 = jnp.zeros((16,), jnp.float32)

        def _zrow(r, _):
            for f in range(8):
                rows_v[r, pl.ds(f * 16, 16)] = zero16
            return 0
        lax.fori_loop(0, CH, _zrow, 0)

        def _zden(r, _):
            den_v[pl.ds(r * 16, 16)] = zero16
            return 0
        lax.fori_loop(0, RPT // 16, _zden, 0)

        base_row = s * RPT
        for kk in range(RPT // CH):
            pltpu.sync_copy(rows_v, acc_sh.at[pl.ds(base_row + kk * CH, CH)])
        pltpu.sync_copy(den_v, den_sh.at[pl.ds(base_row, RPT)])

        pltpu.sync_copy(als_hbm, als_v)
        pltpu.sync_copy(ald_hbm, ald_v)

        plsc.subcore_barrier()

        if feature_split:
            ebase = s * EPT
            coff = c * NN
        else:
            ebase = (c * NSUB + s) * EPT
            coff = 0
        lane = jnp.arange(16, dtype=jnp.int32)

        def _group(g, _):
            if feature_split:
                pltpu.sync_copy(src_hbm.at[s, pl.ds(g * GG, GG)], src_v)
                pltpu.sync_copy(dst_hbm.at[s, pl.ds(g * GG, GG)], dst_v)
            else:
                pltpu.sync_copy(src_hbm.at[c, s, pl.ds(g * GG, GG)], src_v)
                pltpu.sync_copy(dst_hbm.at[c, s, pl.ds(g * GG, GG)], dst_v)

            def _chunk(jj, _):
                for k in range(CH // 16):
                    sl = pl.ds(k * 16, 16)
                    s16 = src_v[jj, sl]
                    d16 = dst_v[jj, sl]
                    av = plsc.load_gather(als_v, [s16])
                    dv = plsc.load_gather(ald_v, [d16])
                    z = av + dv
                    z = jnp.maximum(z, 0.2 * z)
                    exv = jnp.exp(z)
                    eid = ebase + (g * GG + jj) * CH + k * 16 + lane
                    exv = jnp.where(eid < E2, exv, 0.0)
                    ex_v[jj, sl] = exv
                    if feature_split:
                        src_v[jj, sl] = s16 + coff
                pltpu.sync_copy(ex_v.at[jj], den_sh.at[dst_v.at[jj]], add=True)
                pltpu.async_copy(hs_hbm.at[src_v.at[jj]], rows_v, sem).wait()

                def _scale(i, _):
                    exi = plsc.load_gather(
                        ex_v, [jnp.full((16,), jj, jnp.int32),
                               jnp.full((16,), i, jnp.int32)])
                    for f in range(8):
                        fl = pl.ds(f * 16, 16)
                        rows_v[i, fl] = rows_v[i, fl] * exi
                    return 0
                lax.fori_loop(0, CH, _scale, 0)
                pltpu.sync_copy(rows_v, acc_sh.at[dst_v.at[jj]], add=True)
                return 0
            lax.fori_loop(0, GG, _chunk, 0)
            return 0
        lax.fori_loop(0, NG, _group, 0)

        plsc.subcore_barrier()

        if feature_split:
            pltpu.sync_copy(den_sh.at[pl.ds(base_row, RPT)], den_v)

            def _recip(r, _):
                sl = pl.ds(r * 16, 16)
                den_v[sl] = 1.0 / den_v[sl]
                return 0
            lax.fori_loop(0, RPT // 16, _recip, 0)

            for kk in range(RPT // CH):
                pltpu.sync_copy(acc_sh.at[pl.ds(base_row + kk * CH, CH)],
                                rows_v)

                def _norm(i, _):
                    ri = plsc.load_gather(
                        den_v, [jnp.full((16,), kk * CH + i, jnp.int32)])
                    for f in range(8):
                        fl = pl.ds(f * 16, 16)
                        rows_v[i, fl] = rows_v[i, fl] * ri
                    return 0
                lax.fori_loop(0, CH, _norm, 0)
                pltpu.sync_copy(rows_v,
                                out_hbm.at[c, pl.ds(base_row + kk * CH, CH)])
        else:
            for kk in range(RPT // CH):
                sl = pl.ds(base_row + kk * CH, CH)
                pltpu.sync_copy(acc_sh.at[sl], out_hbm.at[c, sl])
            pltpu.sync_copy(den_sh.at[pl.ds(base_row, RPT)],
                            dout_hbm.at[c, pl.ds(base_row, RPT)])

    return sc_gat


_sc_gat_l1 = _make_sc_gat(True)
_sc_gat_l2 = _make_sc_gat(False)


def _pad_edges(v, tch, split_cores):
    ncore = NCORE if split_cores else 1
    total = tch * CH * NSUB * ncore
    pad = jnp.arange(total - E2, dtype=jnp.int32) % NN
    flat = jnp.concatenate([v, pad])
    if split_cores:
        return flat.reshape(NCORE, NSUB, tch, CH)
    return flat.reshape(NSUB, tch, CH)


def kernel(x, edge_index, W1, a1s, a1d, b1, W2, a2s, a2d, b2):
    loop = jnp.arange(NN, dtype=jnp.int32)
    src = jnp.concatenate([edge_index[0], loop])
    dst = jnp.concatenate([edge_index[1], loop])
    src1, dst1 = _pad_edges(src, TCH1, False), _pad_edges(dst, TCH1, False)
    src2, dst2 = _pad_edges(src, TCH2, True), _pad_edges(dst, TCH2, True)

    grid = NN // BM

    hs1, als1, ald1 = pl.pallas_call(
        _gat_pre_l1,
        grid=(grid,),
        in_specs=[
            pl.BlockSpec((BM, 128), lambda i: (i, 0)),
            pl.BlockSpec((128, 256), lambda i: (0, 0)),
            pl.BlockSpec((256, 1), lambda i: (0, 0)),
            pl.BlockSpec((256, 1), lambda i: (0, 0)),
        ],
        out_specs=[
            pl.BlockSpec((2, BM, 128), lambda i: (0, i, 0)),
            pl.BlockSpec((BM, 1), lambda i: (i, 0)),
            pl.BlockSpec((BM, 1), lambda i: (i, 0)),
        ],
        out_shape=[
            jax.ShapeDtypeStruct((2, NN, 128), jnp.float32),
            jax.ShapeDtypeStruct((NN, 1), jnp.float32),
            jax.ShapeDtypeStruct((NN, 1), jnp.float32),
        ],
    )(x, W1, a1s.reshape(256, 1), a1d.reshape(256, 1))

    y1 = _sc_gat_l1(hs1.reshape(2 * NN, 128), als1.reshape(NN),
                    ald1.reshape(NN), src1, dst1)

    h2, als2, ald2 = pl.pallas_call(
        _gat_pre_l2,
        grid=(grid,),
        in_specs=[
            pl.BlockSpec((2, BM, 128), lambda i: (0, i, 0)),
            pl.BlockSpec((1, 256), lambda i: (0, 0)),
            pl.BlockSpec((256, 128), lambda i: (0, 0)),
            pl.BlockSpec((128, 1), lambda i: (0, 0)),
            pl.BlockSpec((128, 1), lambda i: (0, 0)),
        ],
        out_specs=[
            pl.BlockSpec((BM, 128), lambda i: (i, 0)),
            pl.BlockSpec((BM, 1), lambda i: (i, 0)),
            pl.BlockSpec((BM, 1), lambda i: (i, 0)),
        ],
        out_shape=[
            jax.ShapeDtypeStruct((NN, 128), jnp.float32),
            jax.ShapeDtypeStruct((NN, 1), jnp.float32),
            jax.ShapeDtypeStruct((NN, 1), jnp.float32),
        ],
    )(y1, b1.reshape(1, 256), W2, a2s.reshape(128, 1), a2d.reshape(128, 1))

    y2, d2 = _sc_gat_l2(h2, als2.reshape(NN), ald2.reshape(NN), src2, dst2)

    out = pl.pallas_call(
        _final_body,
        grid=(grid,),
        in_specs=[
            pl.BlockSpec((2, BM, 128), lambda i: (0, i, 0)),
            pl.BlockSpec((2, BM, 1), lambda i: (0, i, 0)),
            pl.BlockSpec((1, 128), lambda i: (0, 0)),
        ],
        out_specs=pl.BlockSpec((BM, 128), lambda i: (i, 0)),
        out_shape=jax.ShapeDtypeStruct((NN, 128), jnp.float32),
    )(y2, d2.reshape(2, NP, 1), b2.reshape(1, 128))
    return out

# --- scband reference (transcript-rebuilt; emitter-appended) ---
"""Pipeline reference for scband-your-gcn-69011534512459 (READ-ONLY COPY).

The authoritative reference and input builder live on the scoring server;
editing this copy changes nothing except your own understanding.
"""

import jax, jax.numpy as jnp
import numpy as np

N = 10000
E = 320000
IN_C = 128
HID_C = 256
OUT_C = 128


def _glorot(key, shape):
    fan_in, fan_out = shape[0], shape[-1]
    lim = (6.0 / (fan_in + fan_out)) ** 0.5
    return jax.random.uniform(key, shape, minval=-lim, maxval=lim, dtype=jnp.float32)


def setup_inputs(seed: int = 0) -> dict:
    key = jax.random.key(seed)
    ks = jax.random.split(key, 12)
    x = jax.random.normal(ks[0], (N, IN_C), dtype=jnp.float32)
    edge_index = jax.random.randint(ks[1], (2, E), 0, N, dtype=jnp.int32)
    W1 = _glorot(ks[2], (IN_C, HID_C))
    a1s = _glorot(ks[3], (HID_C,))
    a1d = _glorot(ks[4], (HID_C,))
    b1 = jnp.zeros((HID_C,), dtype=jnp.float32)
    W2 = _glorot(ks[5], (HID_C, OUT_C))
    a2s = _glorot(ks[6], (OUT_C,))
    a2d = _glorot(ks[7], (OUT_C,))
    b2 = jnp.zeros((OUT_C,), dtype=jnp.float32)
    return {"x": x, "edge_index": edge_index, "W1": W1, "a1s": a1s, "a1d": a1d, "b1": b1,
            "W2": W2, "a2s": a2s, "a2d": a2d, "b2": b2}


def _gat_layer(x, edge_index, W, a_src, a_dst, b):
    # PyG GATConv, heads=1, concat=True, negative_slope=0.2, add_self_loops=True
    n = x.shape[0]
    loop = jnp.arange(n, dtype=edge_index.dtype)
    src = jnp.concatenate([edge_index[0], loop])
    dst = jnp.concatenate([edge_index[1], loop])
    h = x @ W                                   # [n, out]
    al_s = h @ a_src                            # [n]
    al_d = h @ a_dst                            # [n]
    e = jax.nn.leaky_relu(al_s[src] + al_d[dst], negative_slope=0.2)
    # softmax over incoming edges per destination node
    m = jax.ops.segment_max(e, dst, num_segments=n)
    ex = jnp.exp(e - m[dst])
    denom = jax.ops.segment_sum(ex, dst, num_segments=n)
    alpha = ex / denom[dst]
    out = jax.ops.segment_sum(h[src] * alpha[:, None], dst, num_segments=n)
    return out + b


def reference(x, edge_index, W1, a1s, a1d, b1, W2, a2s, a2d, b2):
    hid = _gat_layer(x, edge_index, W1, a1s, a1d, b1)
    hid = jax.nn.relu(hid)
    out = _gat_layer(hid, edge_index, W2, a2s, a2d, b2)
    return jax.nn.log_softmax(out, axis=1)

if __name__ == "__main__":
    import jax
    _d = setup_inputs()
    print(jax.jit(kernel)(*tuple(_d.values())))

</pallas_src>

<mosaic_0001>
#map = affine_map<(d0, d1) -> (0, 0)>
#map1 = affine_map<(d0, d1) -> (0)>
#map2 = affine_map<(d0, d1) -> (0, 0, 0)>
module attributes {stable_mosaic.version = 14 : i64} {
  func.func @sc_gat(%arg0: i32, %arg1: i32, %arg2: memref<20000x128xf32, #tpu.memory_space<hbm>>, %arg3: memref<10000xf32, #tpu.memory_space<hbm>>, %arg4: memref<10000xf32, #tpu.memory_space<hbm>>, %arg5: memref<16x168x128xi32, #tpu.memory_space<hbm>>, %arg6: memref<16x168x128xi32, #tpu.memory_space<hbm>>, %arg7: memref<2x10240x128xf32, #tpu.memory_space<hbm>>, %arg8: memref<10000xf32, #tpu.memory_space<vmem>>, %arg9: memref<10000xf32, #tpu.memory_space<vmem>>, %arg10: memref<8x128xi32, #tpu.memory_space<vmem>>, %arg11: memref<8x128xi32, #tpu.memory_space<vmem>>, %arg12: memref<8x128xf32, #tpu.memory_space<vmem>>, %arg13: memref<128x128xf32, #tpu.memory_space<vmem>>, %arg14: memref<640xf32, #tpu.memory_space<vmem>>, %arg15: memref<10240x128xf32, #tpu.memory_space<vmem_shared>>, %arg16: memref<10240xf32, #tpu.memory_space<vmem_shared>>, %arg17: memref<!tpu.dma_semaphore, #tpu.memory_space<semaphore_mem>>) attributes {dimension_semantics = [#tpu.dimension_semantics<core_parallel>, #tpu.dimension_semantics<subcore_parallel>], iteration_bounds = array<i64: 2, 16>, scalar_prefetch = 0 : i64, scratch_operands = 10 : i64, tpu.core_type = #tpu.core_type<sc_vector_subcore>, window_params = [{transform_indices = #map}, {transform_indices = #map1}, {transform_indices = #map1}, {transform_indices = #map2}, {transform_indices = #map2}, {transform_indices = #map2}]} {
    %broadcast_in_dim3A = arith.constant 0.000000e+00 : f32
    %broadcast_in_dim3A_0 = vector.broadcast %broadcast_in_dim3A : f32 to vector<16xf32>
    %scan3A = arith.constant 0 : i32
    %scan3A_1 = arith.constant 0 : i32
    %scan3A_2 = arith.constant 128 : i32
    %scan3A_3 = arith.addi %scan3A_1, %scan3A_2 : i32
    %scan3A_4 = arith.constant 1 : i32
    %scan3A_5 = scf.for %scan3A_98 = %scan3A_1 to %scan3A_3 step %scan3A_4 iter_args(%scan3A_99 = %scan3A) -> (i32)  : i32 {
      %swap3A = arith.index_cast %scan3A_98 : i32 to index
      %swap3A_100 = arith.constant 0 : index
      %swap3A_101 = tpu.vector_load %arg13[%swap3A, %swap3A_100] {strides = array<i32>} : memref<128x128xf32, #tpu.memory_space<vmem>>, vector<16xf32>,
      tpu.vector_store %arg13[%swap3A, %swap3A_100], %broadcast_in_dim3A_0 {strides = array<i32>} : memref<128x128xf32, #tpu.memory_space<vmem>>, vector<16xf32>,
      %swap3A_102 = arith.index_cast %scan3A_98 : i32 to index
      %swap3A_103 = arith.constant 16 : index
      %swap3A_104 = tpu.vector_load %arg13[%swap3A_102, %swap3A_103] {strides = array<i32>} : memref<128x128xf32, #tpu.memory_space<vmem>>, vector<16xf32>,
      tpu.vector_store %arg13[%swap3A_102, %swap3A_103], %broadcast_in_dim3A_0 {strides = array<i32>} : memref<128x128xf32, #tpu.memory_space<vmem>>, vector<16xf32>,
      %swap3A_105 = arith.index_cast %scan3A_98 : i32 to index
      %swap3A_106 = arith.constant 32 : index
      %swap3A_107 = tpu.vector_load %arg13[%swap3A_105, %swap3A_106] {strides = array<i32>} : memref<128x128xf32, #tpu.memory_space<vmem>>, vector<16xf32>,
      tpu.vector_store %arg13[%swap3A_105, %swap3A_106], %broadcast_in_dim3A_0 {strides = array<i32>} : memref<128x128xf32, #tpu.memory_space<vmem>>, vector<16xf32>,
      %swap3A_108 = arith.index_cast %scan3A_98 : i32 to index
      %swap3A_109 = arith.constant 48 : index
      %swap3A_110 = tpu.vector_load %arg13[%swap3A_108, %swap3A_109] {strides = array<i32>} : memref<128x128xf32, #tpu.memory_space<vmem>>, vector<16xf32>,
      tpu.vector_store %arg13[%swap3A_108, %swap3A_109], %broadcast_in_dim3A_0 {strides = array<i32>} : memref<128x128xf32, #tpu.memory_space<vmem>>, vector<16xf32>,
      %swap3A_111 = arith.index_cast %scan3A_98 : i32 to index
      %swap3A_112 = arith.constant 64 : index
      %swap3A_113 = tpu.vector_load %arg13[%swap3A_111, %swap3A_112] {strides = array<i32>} : memref<128x128xf32, #tpu.memory_space<vmem>>, vector<16xf32>,
      tpu.vector_store %arg13[%swap3A_111, %swap3A_112], %broadcast_in_dim3A_0 {strides = array<i32>} : memref<128x128xf32, #tpu.memory_space<vmem>>, vector<16xf32>,
      %swap3A_114 = arith.index_cast %scan3A_98 : i32 to index
      %swap3A_115 = arith.constant 80 : index
      %swap3A_116 = tpu.vector_load %arg13[%swap3A_114, %swap3A_115] {strides = array<i32>} : memref<128x128xf32, #tpu.memory_space<vmem>>, vector<16xf32>,
      tpu.vector_store %arg13[%swap3A_114, %swap3A_115], %broadcast_in_dim3A_0 {strides = array<i32>} : memref<128x128xf32, #tpu.memory_space<vmem>>, vector<16xf32>,
      %swap3A_117 = arith.index_cast %scan3A_98 : i32 to index
      %swap3A_118 = arith.constant 96 : index
      %swap3A_119 = tpu.vector_load %arg13[%swap3A_117, %swap3A_118] {strides = array<i32>} : memref<128x128xf32, #tpu.memory_space<vmem>>, vector<16xf32>,
      tpu.vector_store %arg13[%swap3A_117, %swap3A_118], %broadcast_in_dim3A_0 {strides = array<i32>} : memref<128x128xf32, #tpu.memory_space<vmem>>, vector<16xf32>,
      %swap3A_120 = arith.index_cast %scan3A_98 : i32 to index
      %swap3A_121 = arith.constant 112 : index
      %swap3A_122 = tpu.vector_load %arg13[%swap3A_120, %swap3A_121] {strides = array<i32>} : memref<128x128xf32, #tpu.memory_space<vmem>>, vector<16xf32>,
      tpu.vector_store %arg13[%swap3A_120, %swap3A_121], %broadcast_in_dim3A_0 {strides = array<i32>} : memref<128x128xf32, #tpu.memory_space<vmem>>, vector<16xf32>,
      %scan3A_123 = arith.constant 0 : i32
      scf.yield %scan3A_123 : i32
    }
    %scan3A_6 = arith.constant 128 : i32
    %scan3A_7 = arith.constant 0 : i32
    %scan3A_8 = arith.constant 0 : i32
    %scan3A_9 = arith.constant 40 : i32
    %scan3A_10 = arith.addi %scan3A_8, %scan3A_9 : i32
    %scan3A_11 = arith.constant 1 : i32
    %scan3A_12 = scf.for %scan3A_98 = %scan3A_8 to %scan3A_10 step %scan3A_11 iter_args(%scan3A_99 = %scan3A_7) -> (i32)  : i32 {
      %mul3A_100 = arith.constant 16 : i32
      %mul3A_101 = arith.muli %scan3A_98, %mul3A_100 : i32
      %swap3A = arith.index_cast %mul3A_101 : i32 to index
      %swap3A_102 = tpu.vector_load %arg14[%swap3A] {strides = array<i32>} : memref<640xf32, #tpu.memory_space<vmem>>, vector<16xf32>,
      tpu.vector_store %arg14[%swap3A], %broadcast_in_dim3A_0 {strides = array<i32>} : memref<640xf32, #tpu.memory_space<vmem>>, vector<16xf32>,
      %scan3A_103 = arith.constant 0 : i32
      scf.yield %scan3A_103 : i32
    }
    %scan3A_13 = arith.constant 40 : i32
    %mul3A = arith.constant 640 : i32
    %mul3A_14 = arith.muli %arg1, %mul3A : i32
    %add3A = arith.constant 0 : i32
    %add3A_15 = arith.addi %mul3A_14, %add3A : i32
    "tpu.region"() ({
      %run_scoped3A = tpu.sem_alloc : memref<!tpu.dma_semaphore, #tpu.memory_space<semaphore_mem>>
      %dma_start3A = arith.constant 0 : i32
      %dma_start3A_98 = tpu.memref_slice %arg15[%add3A_15, %dma_start3A] : memref<10240x128xf32, #tpu.memory_space<vmem_shared>> -> memref<128x128xf32, #tpu.memory_space<vmem_shared>>
      %dma_start3A_99 = arith.constant 0 : i32
      %dma_start3A_100 = tpu.memref_slice %arg15[%add3A_15, %dma_start3A_99] : memref<10240x128xf32, #tpu.memory_space<vmem_shared>> -> memref<128x128xf32, #tpu.memory_space<vmem_shared>>
      tpu.enqueue_dma source(%arg13 : memref<128x128xf32, #tpu.memory_space<vmem>>) target(%dma_start3A_100 : memref<128x128xf32, #tpu.memory_space<vmem_shared>>) target_semaphore(%run_scoped3A : memref<!tpu.dma_semaphore, #tpu.memory_space<semaphore_mem>>)
      %dma_wait3A = arith.constant 0 : i32
      %dma_wait3A_101 = tpu.memref_slice %arg15[%add3A_15, %dma_wait3A] : memref<10240x128xf32, #tpu.memory_space<vmem_shared>> -> memref<128x128xf32, #tpu.memory_space<vmem_shared>>
      %dma_wait3A_102 = arith.constant 0 : i32
      %dma_wait3A_103 = tpu.memref_slice %arg15[%add3A_15, %dma_wait3A_102] : memref<10240x128xf32, #tpu.memory_space<vmem_shared>> -> memref<128x128xf32, #tpu.memory_space<vmem_shared>>
      tpu.wait_dma2 semaphore(%run_scoped3A : memref<!tpu.dma_semaphore, #tpu.memory_space<semaphore_mem>>) src(%arg13 : memref<128x128xf32, #tpu.memory_space<vmem>>) dst(%dma_wait3A_103 : memref<128x128xf32, #tpu.memory_space<vmem_shared>>)
      tpu.yield
    }) : () -> ()
    %add3A_16 = arith.constant 128 : i32
    %add3A_17 = arith.addi %mul3A_14, %add3A_16 : i32
    "tpu.region"() ({
      %run_scoped3A = tpu.sem_alloc : memref<!tpu.dma_semaphore, #tpu.memory_space<semaphore_mem>>
      %dma_start3A = arith.constant 0 : i32
      %dma_start3A_98 = tpu.memref_slice %arg15[%add3A_17, %dma_start3A] : memref<10240x128xf32, #tpu.memory_space<vmem_shared>> -> memref<128x128xf32, #tpu.memory_space<vmem_shared>>
      %dma_start3A_99 = arith.constant 0 : i32
      %dma_start3A_100 = tpu.memref_slice %arg15[%add3A_17, %dma_start3A_99] : memref<10240x128xf32, #tpu.memory_space<vmem_shared>> -> memref<128x128xf32, #tpu.memory_space<vmem_shared>>
      tpu.enqueue_dma source(%arg13 : memref<128x128xf32, #tpu.memory_space<vmem>>) target(%dma_start3A_100 : memref<128x128xf32, #tpu.memory_space<vmem_shared>>) target_semaphore(%run_scoped3A : memref<!tpu.dma_semaphore, #tpu.memory_space<semaphore_mem>>)
      %dma_wait3A = arith.constant 0 : i32
      %dma_wait3A_101 = tpu.memref_slice %arg15[%add3A_17, %dma_wait3A] : memref<10240x128xf32, #tpu.memory_space<vmem_shared>> -> memref<128x128xf32, #tpu.memory_space<vmem_shared>>
      %dma_wait3A_102 = arith.constant 0 : i32
      %dma_wait3A_103 = tpu.memref_slice %arg15[%add3A_17, %dma_wait3A_102] : memref<10240x128xf32, #tpu.memory_space<vmem_shared>> -> memref<128x128xf32, #tpu.memory_space<vmem_shared>>
      tpu.wait_dma2 semaphore(%run_scoped3A : memref<!tpu.dma_semaphore, #tpu.memory_space<semaphore_mem>>) src(%arg13 : memref<128x128xf32, #tpu.memory_space<vmem>>) dst(%dma_wait3A_103 : memref<128x128xf32, #tpu.memory_space<vmem_shared>>)
      tpu.yield
    }) : () -> ()
    %add3A_18 = arith.constant 256 : i32
    %add3A_19 = arith.addi %mul3A_14, %add3A_18 : i32
    "tpu.region"() ({
      %run_scoped3A = tpu.sem_alloc : memref<!tpu.dma_semaphore, #tpu.memory_space<semaphore_mem>>
      %dma_start3A = arith.constant 0 : i32
      %dma_start3A_98 = tpu.memref_slice %arg15[%add3A_19, %dma_start3A] : memref<10240x128xf32, #tpu.memory_space<vmem_shared>> -> memref<128x128xf32, #tpu.memory_space<vmem_shared>>
      %dma_start3A_99 = arith.constant 0 : i32
      %dma_start3A_100 = tpu.memref_slice %arg15[%add3A_19, %dma_start3A_99] : memref<10240x128xf32, #tpu.memory_space<vmem_shared>> -> memref<128x128xf32, #tpu.memory_space<vmem_shared>>
      tpu.enqueue_dma source(%arg13 : memref<128x128xf32, #tpu.memory_space<vmem>>) target(%dma_start3A_100 : memref<128x128xf32, #tpu.memory_space<vmem_shared>>) target_semaphore(%run_scoped3A : memref<!tpu.dma_semaphore, #tpu.memory_space<semaphore_mem>>)
      %dma_wait3A = arith.constant 0 : i32
      %dma_wait3A_101 = tpu.memref_slice %arg15[%add3A_19, %dma_wait3A] : memref<10240x128xf32, #tpu.memory_space<vmem_shared>> -> memref<128x128xf32, #tpu.memory_space<vmem_shared>>
      %dma_wait3A_102 = arith.constant 0 : i32
      %dma_wait3A_103 = tpu.memref_slice %arg15[%add3A_19, %dma_wait3A_102] : memref<10240x128xf32, #tpu.memory_space<vmem_shared>> -> memref<128x128xf32, #tpu.memory_space<vmem_shared>>
      tpu.wait_dma2 semaphore(%run_scoped3A : memref<!tpu.dma_semaphore, #tpu.memory_space<semaphore_mem>>) src(%arg13 : memref<128x128xf32, #tpu.memory_space<vmem>>) dst(%dma_wait3A_103 : memref<128x128xf32, #tpu.memory_space<vmem_shared>>)
      tpu.yield
    }) : () -> ()
    %add3A_20 = arith.constant 384 : i32
    %add3A_21 = arith.addi %mul3A_14, %add3A_20 : i32
    "tpu.region"() ({
      %run_scoped3A = tpu.sem_alloc : memref<!tpu.dma_semaphore, #tpu.memory_space<semaphore_mem>>
      %dma_start3A = arith.constant 0 : i32
      %dma_start3A_98 = tpu.memref_slice %arg15[%add3A_21, %dma_start3A] : memref<10240x128xf32, #tpu.memory_space<vmem_shared>> -> memref<128x128xf32, #tpu.memory_space<vmem_shared>>
      %dma_start3A_99 = arith.constant 0 : i32
      %dma_start3A_100 = tpu.memref_slice %arg15[%add3A_21, %dma_start3A_99] : memref<10240x128xf32, #tpu.memory_space<vmem_shared>> -> memref<128x128xf32, #tpu.memory_space<vmem_shared>>
      tpu.enqueue_dma source(%arg13 : memref<128x128xf32, #tpu.memory_space<vmem>>) target(%dma_start3A_100 : memref<128x128xf32, #tpu.memory_space<vmem_shared>>) target_semaphore(%run_scoped3A : memref<!tpu.dma_semaphore, #tpu.memory_space<semaphore_mem>>)
      %dma_wait3A = arith.constant 0 : i32
      %dma_wait3A_101 = tpu.memref_slice %arg15[%add3A_21, %dma_wait3A] : memref<10240x128xf32, #tpu.memory_space<vmem_shared>> -> memref<128x128xf32, #tpu.memory_space<vmem_shared>>
      %dma_wait3A_102 = arith.constant 0 : i32
      %dma_wait3A_103 = tpu.memref_slice %arg15[%add3A_21, %dma_wait3A_102] : memref<10240x128xf32, #tpu.memory_space<vmem_shared>> -> memref<128x128xf32, #tpu.memory_space<vmem_shared>>
      tpu.wait_dma2 semaphore(%run_scoped3A : memref<!tpu.dma_semaphore, #tpu.memory_space<semaphore_mem>>) src(%arg13 : memref<128x128xf32, #tpu.memory_space<vmem>>) dst(%dma_wait3A_103 : memref<128x128xf32, #tpu.memory_space<vmem_shared>>)
      tpu.yield
    }) : () -> ()
    %add3A_22 = arith.constant 512 : i32
    %add3A_23 = arith.addi %mul3A_14, %add3A_22 : i32
    "tpu.region"() ({
      %run_scoped3A = tpu.sem_alloc : memref<!tpu.dma_semaphore, #tpu.memory_space<semaphore_mem>>
      %dma_start3A = arith.constant 0 : i32
      %dma_start3A_98 = tpu.memref_slice %arg15[%add3A_23, %dma_start3A] : memref<10240x128xf32, #tpu.memory_space<vmem_shared>> -> memref<128x128xf32, #tpu.memory_space<vmem_shared>>
      %dma_start3A_99 = arith.constant 0 : i32
      %dma_start3A_100 = tpu.memref_slice %arg15[%add3A_23, %dma_start3A_99] : memref<10240x128xf32, #tpu.memory_space<vmem_shared>> -> memref<128x128xf32, #tpu.memory_space<vmem_shared>>
      tpu.enqueue_dma source(%arg13 : memref<128x128xf32, #tpu.memory_space<vmem>>) target(%dma_start3A_100 : memref<128x128xf32, #tpu.memory_space<vmem_shared>>) target_semaphore(%run_scoped3A : memref<!tpu.dma_semaphore, #tpu.memory_space<semaphore_mem>>)
      %dma_wait3A = arith.constant 0 : i32
      %dma_wait3A_101 = tpu.memref_slice %arg15[%add3A_23, %dma_wait3A] : memref<10240x128xf32, #tpu.memory_space<vmem_shared>> -> memref<128x128xf32, #tpu.memory_space<vmem_shared>>
      %dma_wait3A_102 = arith.constant 0 : i32
      %dma_wait3A_103 = tpu.memref_slice %arg15[%add3A_23, %dma_wait3A_102] : memref<10240x128xf32, #tpu.memory_space<vmem_shared>> -> memref<128x128xf32, #tpu.memory_space<vmem_shared>>
      tpu.wait_dma2 semaphore(%run_scoped3A : memref<!tpu.dma_semaphore, #tpu.memory_space<semaphore_mem>>) src(%arg13 : memref<128x128xf32, #tpu.memory_space<vmem>>) dst(%dma_wait3A_103 : memref<128x128xf32, #tpu.memory_space<vmem_shared>>)
      tpu.yield
    }) : () -> ()
    "tpu.region"() ({
      %run_scoped3A = tpu.sem_alloc : memref<!tpu.dma_semaphore, #tpu.memory_space<semaphore_mem>>
      %dma_start3A = tpu.memref_slice %arg16[%mul3A_14] : memref<10240xf32, #tpu.memory_space<vmem_shared>> -> memref<640xf32, #tpu.memory_space<vmem_shared>>
      %dma_start3A_98 = tpu.memref_slice %arg16[%mul3A_14] : memref<10240xf32, #tpu.memory_space<vmem_shared>> -> memref<640xf32, #tpu.memory_space<vmem_shared>>
      tpu.enqueue_dma source(%arg14 : memref<640xf32, #tpu.memory_space<vmem>>) target(%dma_start3A_98 : memref<640xf32, #tpu.memory_space<vmem_shared>>) target_semaphore(%run_scoped3A : memref<!tpu.dma_semaphore, #tpu.memory_space<semaphore_mem>>)
      %dma_wait3A = tpu.memref_slice %arg16[%mul3A_14] : memref<10240xf32, #tpu.memory_space<vmem_shared>> -> memref<640xf32, #tpu.memory_space<vmem_shared>>
      %dma_wait3A_99 = tpu.memref_slice %arg16[%mul3A_14] : memref<10240xf32, #tpu.memory_space<vmem_shared>> -> memref<640xf32, #tpu.memory_space<vmem_shared>>
      tpu.wait_dma2 semaphore(%run_scoped3A : memref<!tpu.dma_semaphore, #tpu.memory_space<semaphore_mem>>) src(%arg14 : memref<640xf32, #tpu.memory_space<vmem>>) dst(%dma_wait3A_99 : memref<640xf32, #tpu.memory_space<vmem_shared>>)
      tpu.yield
    }) : () -> ()
    "tpu.region"() ({
      %run_scoped3A = tpu.sem_alloc : memref<!tpu.dma_semaphore, #tpu.memory_space<semaphore_mem>>
      tpu.enqueue_dma source(%arg3 : memref<10000xf32, #tpu.memory_space<hbm>>) target(%arg8 : memref<10000xf32, #tpu.memory_space<vmem>>) target_semaphore(%run_scoped3A : memref<!tpu.dma_semaphore, #tpu.memory_space<semaphore_mem>>)
      tpu.wait_dma2 semaphore(%run_scoped3A : memref<!tpu.dma_semaphore, #tpu.memory_space<semaphore_mem>>) src(%arg3 : memref<10000xf32, #tpu.memory_space<hbm>>) dst(%arg8 : memref<10000xf32, #tpu.memory_space<vmem>>)
      tpu.yield
    }) : () -> ()
    "tpu.region"() ({
      %run_scoped3A = tpu.sem_alloc : memref<!tpu.dma_semaphore, #tpu.memory_space<semaphore_mem>>
      tpu.enqueue_dma source(%arg4 : memref<10000xf32, #tpu.memory_space<hbm>>) target(%arg9 : memref<10000xf32, #tpu.memory_space<vmem>>) target_semaphore(%run_scoped3A : memref<!tpu.dma_semaphore, #tpu.memory_space<semaphore_mem>>)
      tpu.wait_dma2 semaphore(%run_scoped3A : memref<!tpu.dma_semaphore, #tpu.memory_space<semaphore_mem>>) src(%arg4 : memref<10000xf32, #tpu.memory_space<hbm>>) dst(%arg9 : memref<10000xf32, #tpu.memory_space<vmem>>)
      tpu.yield
    }) : () -> ()
    %barrier3A = arith.constant 0 : index
    tpu.barrier barrier_id(%barrier3A)
    %mul3A_24 = arith.constant 21504 : i32
    %mul3A_25 = arith.muli %arg1, %mul3A_24 : i32
    %mul3A_26 = arith.constant 10000 : i32
    %mul3A_27 = arith.muli %arg0, %mul3A_26 : i32
    %iota3A = tpu.iota {dimensions = array<i32: 0>} : vector<16xi32>
    %scan3A_28 = arith.constant 0 : i32
    %scan3A_29 = arith.constant 0 : i32
    %scan3A_30 = arith.constant 21 : i32
    %scan3A_31 = arith.addi %scan3A_29, %scan3A_30 : i32
    %scan3A_32 = arith.constant 1 : i32
    %scan3A_33 = scf.for %scan3A_98 = %scan3A_29 to %scan3A_31 step %scan3A_32 iter_args(%scan3A_99 = %scan3A_28) -> (i32)  : i32 {
      %mul3A_100 = arith.constant 8 : i32
      %mul3A_101 = arith.muli %scan3A_98, %mul3A_100 : i32
      "tpu.region"() ({
        %run_scoped3A = tpu.sem_alloc : memref<!tpu.dma_semaphore, #tpu.memory_space<semaphore_mem>>
        %dma_start3A = arith.constant 0 : i32
        %dma_start3A_112 = tpu.memref_slice %arg5[%arg1, %mul3A_101, %dma_start3A] : memref<16x168x128xi32, #tpu.memory_space<hbm>> -> memref<1x8x128xi32, #tpu.memory_space<hbm>>
        %dma_start3A_113 = tpu.memref_squeeze %dma_start3A_112 : memref<1x8x128xi32, #tpu.memory_space<hbm>> -> memref<8x128xi32, #tpu.memory_space<hbm>>
        %dma_start3A_114 = arith.constant 0 : i32
        %dma_start3A_115 = tpu.memref_slice %arg5[%arg1, %mul3A_101, %dma_start3A_114] : memref<16x168x128xi32, #tpu.memory_space<hbm>> -> memref<1x8x128xi32, #tpu.memory_space<hbm>>
        %dma_start3A_116 = tpu.memref_squeeze %dma_start3A_115 : memref<1x8x128xi32, #tpu.memory_space<hbm>> -> memref<8x128xi32, #tpu.memory_space<hbm>>
        tpu.enqueue_dma source(%dma_start3A_116 : memref<8x128xi32, #tpu.memory_space<hbm>>) target(%arg10 : memref<8x128xi32, #tpu.memory_space<vmem>>) target_semaphore(%run_scoped3A : memref<!tpu.dma_semaphore, #tpu.memory_space<semaphore_mem>>)
        %dma_wait3A = arith.constant 0 : i32
        %dma_wait3A_117 = tpu.memref_slice %arg5[%arg1, %mul3A_101, %dma_wait3A] : memref<16x168x128xi32, #tpu.memory_space<hbm>> -> memref<1x8x128xi32, #tpu.memory_space<hbm>>
        %dma_wait3A_118 = tpu.memref_squeeze %dma_wait3A_117 : memref<1x8x128xi32, #tpu.memory_space<hbm>> -> memref<8x128xi32, #tpu.memory_space<hbm>>
        %dma_wait3A_119 = arith.constant 0 : i32
        %dma_wait3A_120 = tpu.memref_slice %arg5[%arg1, %mul3A_101, %dma_wait3A_119] : memref<16x168x128xi32, #tpu.memory_space<hbm>> -> memref<1x8x128xi32, #tpu.memory_space<hbm>>
        %dma_wait3A_121 = tpu.memref_squeeze %dma_wait3A_120 : memref<1x8x128xi32, #tpu.memory_space<hbm>> -> memref<8x128xi32, #tpu.memory_space<hbm>>
        tpu.wait_dma2 semaphore(%run_scoped3A : memref<!tpu.dma_semaphore, #tpu.memory_space<semaphore_mem>>) src(%dma_wait3A_121 : memref<8x128xi32, #tpu.memory_space<hbm>>) dst(%arg10 : memref<8x128xi32, #tpu.memory_space<vmem>>)
        tpu.yield
      }) : () -> ()
      %mul3A_102 = arith.constant 8 : i32
      %mul3A_103 = arith.muli %scan3A_98, %mul3A_102 : i32
      "tpu.region"() ({
        %run_scoped3A = tpu.sem_alloc : memref<!tpu.dma_semaphore, #tpu.memory_space<semaphore_mem>>
        %dma_start3A = arith.constant 0 : i32
        %dma_start3A_112 = tpu.memref_slice %arg6[%arg1, %mul3A_103, %dma_start3A] : memref<16x168x128xi32, #tpu.memory_space<hbm>> -> memref<1x8x128xi32, #tpu.memory_space<hbm>>
        %dma_start3A_113 = tpu.memref_squeeze %dma_start3A_112 : memref<1x8x128xi32, #tpu.memory_space<hbm>> -> memref<8x128xi32, #tpu.memory_space<hbm>>
        %dma_start3A_114 = arith.constant 0 : i32
        %dma_start3A_115 = tpu.memref_slice %arg6[%arg1, %mul3A_103, %dma_start3A_114] : memref<16x168x128xi32, #tpu.memory_space<hbm>> -> memref<1x8x128xi32, #tpu.memory_space<hbm>>
        %dma_start3A_116 = tpu.memref_squeeze %dma_start3A_115 : memref<1x8x128xi32, #tpu.memory_space<hbm>> -> memref<8x128xi32, #tpu.memory_space<hbm>>
        tpu.enqueue_dma source(%dma_start3A_116 : memref<8x128xi32, #tpu.memory_space<hbm>>) target(%arg11 : memref<8x128xi32, #tpu.memory_space<vmem>>) target_semaphore(%run_scoped3A : memref<!tpu.dma_semaphore, #tpu.memory_space<semaphore_mem>>)
        %dma_wait3A = arith.constant 0 : i32
        %dma_wait3A_117 = tpu.memref_slice %arg6[%arg1, %mul3A_103, %dma_wait3A] : memref<16x168x128xi32, #tpu.memory_space<hbm>> -> memref<1x8x128xi32, #tpu.memory_space<hbm>>
        %dma_wait3A_118 = tpu.memref_squeeze %dma_wait3A_117 : memref<1x8x128xi32, #tpu.memory_space<hbm>> -> memref<8x128xi32, #tpu.memory_space<hbm>>
        %dma_wait3A_119 = arith.constant 0 : i32
        %dma_wait3A_120 = tpu.memref_slice %arg6[%arg1, %mul3A_103, %dma_wait3A_119] : memref<16x168x128xi32, #tpu.memory_space<hbm>> -> memref<1x8x128xi32, #tpu.memory_space<hbm>>
        %dma_wait3A_121 = tpu.memref_squeeze %dma_wait3A_120 : memref<1x8x128xi32, #tpu.memory_space<hbm>> -> memref<8x128xi32, #tpu.memory_space<hbm>>
        tpu.wait_dma2 semaphore(%run_scoped3A : memref<!tpu.dma_semaphore, #tpu.memory_space<semaphore_mem>>) src(%dma_wait3A_121 : memref<8x128xi32, #tpu.memory_space<hbm>>) dst(%arg11 : memref<8x128xi32, #tpu.memory_space<vmem>>)
        tpu.yield
      }) : () -> ()
      %scan3A_104 = arith.constant 0 : i32
      %scan3A_105 = arith.constant 0 : i32
      %scan3A_106 = arith.constant 8 : i32
      %scan3A_107 = arith.addi %scan3A_105, %scan3A_106 : i32
      %scan3A_108 = arith.constant 1 : i32
      %scan3A_109 = scf.for %scan3A_112 = %scan3A_105 to %scan3A_107 step %scan3A_108 iter_args(%scan3A_113 = %scan3A_104) -> (i32)  : i32 {
        %get3A = arith.index_cast %scan3A_112 : i32 to index
        %get3A_114 = arith.constant 0 : index
        %get3A_115 = tpu.vector_load %arg10[%get3A, %get3A_114] {strides = array<i32>} : memref<8x128xi32, #tpu.memory_space<vmem>>, vector<16xi32>,
        %get3A_116 = arith.index_cast %scan3A_112 : i32 to index
        %get3A_117 = arith.constant 0 : index
        %get3A_118 = tpu.vector_load %arg11[%get3A_116, %get3A_117] {strides = array<i32>} : memref<8x128xi32, #tpu.memory_space<vmem>>, vector<16xi32>,
        %gather3A = tpu.vector_load_idx %arg8[%get3A_115] : memref<10000xf32, #tpu.memory_space<vmem>>[vector<16xi32>], vector<16xf32>,
        %gather3A_119 = tpu.vector_load_idx %arg9[%get3A_118] : memref<10000xf32, #tpu.memory_space<vmem>>[vector<16xi32>], vector<16xf32>,
        %add3A_120 = arith.addf %gather3A, %gather3A_119 : vector<16xf32>
        %mul3A_121 = arith.constant 2.000000e-01 : f32
        %mul3A_122 = vector.broadcast %mul3A_121 : f32 to vector<16xf32>
        %mul3A_123 = arith.mulf %mul3A_122, %add3A_120 : vector<16xf32>
        %max3A = arith.maximumf %add3A_120, %mul3A_123 : vector<16xf32>
        %exp3A = math.exp %max3A : vector<16xf32>
        %mul3A_124 = arith.constant 8 : i32
        %mul3A_125 = arith.muli %scan3A_98, %mul3A_124 : i32
        %add3A_126 = arith.addi %mul3A_125, %scan3A_112 : i32
        %mul3A_127 = arith.constant 128 : i32
        %mul3A_128 = arith.muli %add3A_126, %mul3A_127 : i32
        %add3A_129 = arith.addi %mul3A_25, %mul3A_128 : i32
        %add3A_130 = arith.constant 0 : i32
        %add3A_131 = arith.addi %add3A_129, %add3A_130 : i32
        %add3A_132 = vector.broadcast %add3A_131 : i32 to vector<16xi32>
        %add3A_133 = arith.addi %add3A_132, %iota3A : vector<16xi32>
        %lt3A = arith.constant 330000 : i32
        %lt3A_134 = vector.broadcast %lt3A : i32 to vector<16xi32>
        %lt3A_135 = arith.cmpi slt, %add3A_133, %lt3A_134 : vector<16xi32>
        %jit3A = arith.constant 0.000000e+00 : f32
        %broadcast_in_dim3A_136 = vector.broadcast %jit3A : f32 to vector<16xf32>
        %select_n3A = arith.select %lt3A_135, %exp3A, %broadcast_in_dim3A_136 : vector<16xi1>, vector<16xf32>
        %swap3A = arith.index_cast %scan3A_112 : i32 to index
        %swap3A_137 = arith.constant 0 : index
        %swap3A_138 = tpu.vector_load %arg12[%swap3A, %swap3A_137] {strides = array<i32>} : memref<8x128xf32, #tpu.memory_space<vmem>>, vector<16xf32>,
        tpu.vector_store %arg12[%swap3A, %swap3A_137], %select_n3A {strides = array<i32>} : memref<8x128xf32, #tpu.memory_space<vmem>>, vector<16xf32>,
        %add3A_139 = vector.broadcast %mul3A_27 : i32 to vector<16xi32>
        %add3A_140 = arith.addi %get3A_115, %add3A_139 : vector<16xi32>
        %swap3A_141 = arith.index_cast %scan3A_112 : i32 to index
        %swap3A_142 = arith.constant 0 : index
        %swap3A_143 = tpu.vector_load %arg10[%swap3A_141, %swap3A_142] {strides = array<i32>} : memref<8x128xi32, #tpu.memory_space<vmem>>, vector<16xi32>,
        tpu.vector_store %arg10[%swap3A_141, %swap3A_142], %add3A_140 {strides = array<i32>} : memref<8x128xi32, #tpu.memory_space<vmem>>, vector<16xi32>,
        %get3A_144 = arith.index_cast %scan3A_112 : i32 to index
        %get3A_145 = arith.constant 16 : index
        %get3A_146 = tpu.vector_load %arg10[%get3A_144, %get3A_145] {strides = array<i32>} : memref<8x128xi32, #tpu.memory_space<vmem>>, vector<16xi32>,
        %get3A_147 = arith.index_cast %scan3A_112 : i32 to index
        %get3A_148 = arith.constant 16 : index
        %get3A_149 = tpu.vector_load %arg11[%get3A_147, %get3A_148] {strides = array<i32>} : memref<8x128xi32, #tpu.memory_space<vmem>>, vector<16xi32>,
        %gather3A_150 = tpu.vector_load_idx %arg8[%get3A_146] : memref<10000xf32, #tpu.memory_space<vmem>>[vector<16xi32>], vector<16xf32>,
        %gather3A_151 = tpu.vector_load_idx %arg9[%get3A_149] : memref<10000xf32, #tpu.memory_space<vmem>>[vector<16xi32>], vector<16xf32>,
        %add3A_152 = arith.addf %gather3A_150, %gather3A_151 : vector<16xf32>
        %mul3A_153 = arith.constant 2.000000e-01 : f32
        %mul3A_154 = vector.broadcast %mul3A_153 : f32 to vector<16xf32>
        %mul3A_155 = arith.mulf %mul3A_154, %add3A_152 : vector<16xf32>
        %max3A_156 = arith.maximumf %add3A_152, %mul3A_155 : vector<16xf32>
        %exp3A_157 = math.exp %max3A_156 : vector<16xf32>
        %mul3A_158 = arith.constant 8 : i32
        %mul3A_159 = arith.muli %scan3A_98, %mul3A_158 : i32
        %add3A_160 = arith.addi %mul3A_159, %scan3A_112 : i32
        %mul3A_161 = arith.constant 128 : i32
        %mul3A_162 = arith.muli %add3A_160, %mul3A_161 : i32
        %add3A_163 = arith.addi %mul3A_25, %mul3A_162 : i32
        %add3A_164 = arith.constant 16 : i32
        %add3A_165 = arith.addi %add3A_163, %add3A_164 : i32
        %add3A_166 = vector.broadcast %add3A_165 : i32 to vector<16xi32>
        %add3A_167 = arith.addi %add3A_166, %iota3A : vector<16xi32>
        %lt3A_168 = arith.constant 330000 : i32
        %lt3A_169 = vector.broadcast %lt3A_168 : i32 to vector<16xi32>
        %lt3A_170 = arith.cmpi slt, %add3A_167, %lt3A_169 : vector<16xi32>
        %jit3A_171 = arith.constant 0.000000e+00 : f32
        %broadcast_in_dim3A_172 = vector.broadcast %jit3A_171 : f32 to vector<16xf32>
        %select_n3A_173 = arith.select %lt3A_170, %exp3A_157, %broadcast_in_dim3A_172 : vector<16xi1>, vector<16xf32>
        %swap3A_174 = arith.index_cast %scan3A_112 : i32 to index
        %swap3A_175 = arith.constant 16 : index
        %swap3A_176 = tpu.vector_load %arg12[%swap3A_174, %swap3A_175] {strides = array<i32>} : memref<8x128xf32, #tpu.memory_space<vmem>>, vector<16xf32>,
        tpu.vector_store %arg12[%swap3A_174, %swap3A_175], %select_n3A_173 {strides = array<i32>} : memref<8x128xf32, #tpu.memory_space<vmem>>, vector<16xf32>,
        %add3A_177 = vector.broadcast %mul3A_27 : i32 to vector<16xi32>
        %add3A_178 = arith.addi %get3A_146, %add3A_177 : vector<16xi32>
        %swap3A_179 = arith.index_cast %scan3A_112 : i32 to index
        %swap3A_180 = arith.constant 16 : index
        %swap3A_181 = tpu.vector_load %arg10[%swap3A_179, %swap3A_180] {strides = array<i32>} : memref<8x128xi32, #tpu.memory_space<vmem>>, vector<16xi32>,
        tpu.vector_store %arg10[%swap3A_179, %swap3A_180], %add3A_178 {strides = array<i32>} : memref<8x128xi32, #tpu.memory_space<vmem>>, vector<16xi32>,
        %get3A_182 = arith.index_cast %scan3A_112 : i32 to index
        %get3A_183 = arith.constant 32 : index
        %get3A_184 = tpu.vector_load %arg10[%get3A_182, %get3A_183] {strides = array<i32>} : memref<8x128xi32, #tpu.memory_space<vmem>>, vector<16xi32>,
        %get3A_185 = arith.index_cast %scan3A_112 : i32 to index
        %get3A_186 = arith.constant 32 : index
        %get3A_187 = tpu.vector_load %arg11[%get3A_185, %get3A_186] {strides = array<i32>} : memref<8x128xi32, #tpu.memory_space<vmem>>, vector<16xi32>,
        %gather3A_188 = tpu.vector_load_idx %arg8[%get3A_184] : memref<10000xf32, #tpu.memory_space<vmem>>[vector<16xi32>], vector<16xf32>,
        %gather3A_189 = tpu.vector_load_idx %arg9[%get3A_187] : memref<10000xf32, #tpu.memory_space<vmem>>[vector<16xi32>], vector<16xf32>,
        %add3A_190 = arith.addf %gather3A_188, %gather3A_189 : vector<16xf32>
        %mul3A_191 = arith.constant 2.000000e-01 : f32
        %mul3A_192 = vector.broadcast %mul3A_191 : f32 to vector<16xf32>
        %mul3A_193 = arith.mulf %mul3A_192, %add3A_190 : vector<16xf32>
        %max3A_194 = arith.maximumf %add3A_190, %mul3A_193 : vector<16xf32>
        %exp3A_195 = math.exp %max3A_194 : vector<16xf32>
        %mul3A_196 = arith.constant 8 : i32
        %mul3A_197 = arith.muli %scan3A_98, %mul3A_196 : i32
        %add3A_198 = arith.addi %mul3A_197, %scan3A_112 : i32
        %mul3A_199 = arith.constant 128 : i32
        %mul3A_200 = arith.muli %add3A_198, %mul3A_199 : i32
        %add3A_201 = arith.addi %mul3A_25, %mul3A_200 : i32
        %add3A_202 = arith.constant 32 : i32
        %add3A_203 = arith.addi %add3A_201, %add3A_202 : i32
        %add3A_204 = vector.broadcast %add3A_203 : i32 to vector<16xi32>
        %add3A_205 = arith.addi %add3A_204, %iota3A : vector<16xi32>
        %lt3A_206 = arith.constant 330000 : i32
        %lt3A_207 = vector.broadcast %lt3A_206 : i32 to vector<16xi32>
        %lt3A_208 = arith.cmpi slt, %add3A_205, %lt3A_207 : vector<16xi32>
        %jit3A_209 = arith.constant 0.000000e+00 : f32
        %broadcast_in_dim3A_210 = vector.broadcast %jit3A_209 : f32 to vector<16xf32>
        %select_n3A_211 = arith.select %lt3A_208, %exp3A_195, %broadcast_in_dim3A_210 : vector<16xi1>, vector<16xf32>
        %swap3A_212 = arith.index_cast %scan3A_112 : i32 to index
        %swap3A_213 = arith.constant 32 : index
        %swap3A_214 = tpu.vector_load %arg12[%swap3A_212, %swap3A_213] {strides = array<i32>} : memref<8x128xf32, #tpu.memory_space<vmem>>, vector<16xf32>,
        tpu.vector_store %arg12[%swap3A_212, %swap3A_213], %select_n3A_211 {strides = array<i32>} : memref<8x128xf32, #tpu.memory_space<vmem>>, vector<16xf32>,
        %add3A_215 = vector.broadcast %mul3A_27 : i32 to vector<16xi32>
        %add3A_216 = arith.addi %get3A_184, %add3A_215 : vector<16xi32>
        %swap3A_217 = arith.index_cast %scan3A_112 : i32 to index
        %swap3A_218 = arith.constant 32 : index
        %swap3A_219 = tpu.vector_load %arg10[%swap3A_217, %swap3A_218] {strides = array<i32>} : memref<8x128xi32, #tpu.memory_space<vmem>>, vector<16xi32>,
        tpu.vector_store %arg10[%swap3A_217, %swap3A_218], %add3A_216 {strides = array<i32>} : memref<8x128xi32, #tpu.memory_space<vmem>>, vector<16xi32>,
        %get3A_220 = arith.index_cast %scan3A_112 : i32 to index
        %get3A_221 = arith.constant 48 : index
        %get3A_222 = tpu.vector_load %arg10[%get3A_220, %get3A_221] {strides = array<i32>} : memref<8x128xi32, #tpu.memory_space<vmem>>, vector<16xi32>,
        %get3A_223 = arith.index_cast %scan3A_112 : i32 to index
        %get3A_224 = arith.constant 48 : index
        %get3A_225 = tpu.vector_load %arg11[%get3A_223, %get3A_224] {strides = array<i32>} : memref<8x128xi32, #tpu.memory_space<vmem>>, vector<16xi32>,
        %gather3A_226 = tpu.vector_load_idx %arg8[%get3A_222] : memref<10000xf32, #tpu.memory_space<vmem>>[vector<16xi32>], vector<16xf32>,
        %gather3A_227 = tpu.vector_load_idx %arg9[%get3A_225] : memref<10000xf32, #tpu.memory_space<vmem>>[vector<16xi32>], vector<16xf32>,
        %add3A_228 = arith.addf %gather3A_226, %gather3A_227 : vector<16xf32>
        %mul3A_229 = arith.constant 2.000000e-01 : f32
        %mul3A_230 = vector.broadcast %mul3A_229 : f32 to vector<16xf32>
        %mul3A_231 = arith.mulf %mul3A_230, %add3A_228 : vector<16xf32>
        %max3A_232 = arith.maximumf %add3A_228, %mul3A_231 : vector<16xf32>
        %exp3A_233 = math.exp %max3A_232 : vector<16xf32>
        %mul3A_234 = arith.constant 8 : i32
        %mul3A_235 = arith.muli %scan3A_98, %mul3A_234 : i32
        %add3A_236 = arith.addi %mul3A_235, %scan3A_112 : i32
        %mul3A_237 = arith.constant 128 : i32
        %mul3A_238 = arith.muli %add3A_236, %mul3A_237 : i32
        %add3A_239 = arith.addi %mul3A_25, %mul3A_238 : i32
        %add3A_240 = arith.constant 48 : i32
        %add3A_241 = arith.addi %add3A_239, %add3A_240 : i32
        %add3A_242 = vector.broadcast %add3A_241 : i32 to vector<16xi32>
        %add3A_243 = arith.addi %add3A_242, %iota3A : vector<16xi32>
        %lt3A_244 = arith.constant 330000 : i32
        %lt3A_245 = vector.broadcast %lt3A_244 : i32 to vector<16xi32>
        %lt3A_246 = arith.cmpi slt, %add3A_243, %lt3A_245 : vector<16xi32>
        %jit3A_247 = arith.constant 0.000000e+00 : f32
        %broadcast_in_dim3A_248 = vector.broadcast %jit3A_247 : f32 to vector<16xf32>
        %select_n3A_249 = arith.select %lt3A_246, %exp3A_233, %broadcast_in_dim3A_248 : vector<16xi1>, vector<16xf32>
        %swap3A_250 = arith.index_cast %scan3A_112 : i32 to index
        %swap3A_251 = arith.constant 48 : index
        %swap3A_252 = tpu.vector_load %arg12[%swap3A_250, %swap3A_251] {strides = array<i32>} : memref<8x128xf32, #tpu.memory_space<vmem>>, vector<16xf32>,
        tpu.vector_store %arg12[%swap3A_250, %swap3A_251], %select_n3A_249 {strides = array<i32>} : memref<8x128xf32, #tpu.memory_space<vmem>>, vector<16xf32>,
        %add3A_253 = vector.broadcast %mul3A_27 : i32 to vector<16xi32>
        %add3A_254 = arith.addi %get3A_222, %add3A_253 : vector<16xi32>
        %swap3A_255 = arith.index_cast %scan3A_112 : i32 to index
        %swap3A_256 = arith.constant 48 : index
        %swap3A_257 = tpu.vector_load %arg10[%swap3A_255, %swap3A_256] {strides = array<i32>} : memref<8x128xi32, #tpu.memory_space<vmem>>, vector<16xi32>,
        tpu.vector_store %arg10[%swap3A_255, %swap3A_256], %add3A_254 {strides = array<i32>} : memref<8x128xi32, #tpu.memory_space<vmem>>, vector<16xi32>,
        %get3A_258 = arith.index_cast %scan3A_112 : i32 to index
        %get3A_259 = arith.constant 64 : index
        %get3A_260 = tpu.vector_load %arg10[%get3A_258, %get3A_259] {strides = array<i32>} : memref<8x128xi32, #tpu.memory_space<vmem>>, vector<16xi32>,
        %get3A_261 = arith.index_cast %scan3A_112 : i32 to index
        %get3A_262 = arith.constant 64 : index
        %get3A_263 = tpu.vector_load %arg11[%get3A_261, %get3A_262] {strides = array<i32>} : memref<8x128xi32, #tpu.memory_space<vmem>>, vector<16xi32>,
        %gather3A_264 = tpu.vector_load_idx %arg8[%get3A_260] : memref<10000xf32, #tpu.memory_space<vmem>>[vector<16xi32>], vector<16xf32>,
        %gather3A_265 = tpu.vector_load_idx %arg9[%get3A_263] : memref<10000xf32, #tpu.memory_space<vmem>>[vector<16xi32>], vector<16xf32>,
        %add3A_266 = arith.addf %gather3A_264, %gather3A_265 : vector<16xf32>
        %mul3A_267 = arith.constant 2.000000e-01 : f32
        %mul3A_268 = vector.broadcast %mul3A_267 : f32 to vector<16xf32>
        %mul3A_269 = arith.mulf %mul3A_268, %add3A_266 : vector<16xf32>
        %max3A_270 = arith.maximumf %add3A_266, %mul3A_269 : vector<16xf32>
        %exp3A_271 = math.exp %max3A_270 : vector<16xf32>
        %mul3A_272 = arith.constant 8 : i32
        %mul3A_273 = arith.muli %scan3A_98, %mul3A_272 : i32
        %add3A_274 = arith.addi %mul3A_273, %scan3A_112 : i32
        %mul3A_275 = arith.constant 128 : i32
        %mul3A_276 = arith.muli %add3A_274, %mul3A_275 : i32
        %add3A_277 = arith.addi %mul3A_25, %mul3A_276 : i32
        %add3A_278 = arith.constant 64 : i32
        %add3A_279 = arith.addi %add3A_277, %add3A_278 : i32
        %add3A_280 = vector.broadcast %add3A_279 : i32 to vector<16xi32>
        %add3A_281 = arith.addi %add3A_280, %iota3A : vector<16xi32>
        %lt3A_282 = arith.constant 330000 : i32
        %lt3A_283 = vector.broadcast %lt3A_282 : i32 to vector<16xi32>
        %lt3A_284 = arith.cmpi slt, %add3A_281, %lt3A_283 : vector<16xi32>
        %jit3A_285 = arith.constant 0.000000e+00 : f32
        %broadcast_in_dim3A_286 = vector.broadcast %jit3A_285 : f32 to vector<16xf32>
        %select_n3A_287 = arith.select %lt3A_284, %exp3A_271, %broadcast_in_dim3A_286 : vector<16xi1>, vector<16xf32>
        %swap3A_288 = arith.index_cast %scan3A_112 : i32 to index
        %swap3A_289 = arith.constant 64 : index
        %swap3A_290 = tpu.vector_load %arg12[%swap3A_288, %swap3A_289] {strides = array<i32>} : memref<8x128xf32, #tpu.memory_space<vmem>>, vector<16xf32>,
        tpu.vector_store %arg12[%swap3A_288, %swap3A_289], %select_n3A_287 {strides = array<i32>} : memref<8x128xf32, #tpu.memory_space<vmem>>, vector<16xf32>,
        %add3A_291 = vector.broadcast %mul3A_27 : i32 to vector<16xi32>
        %add3A_292 = arith.addi %get3A_260, %add3A_291 : vector<16xi32>
        %swap3A_293 = arith.index_cast %scan3A_112 : i32 to index
        %swap3A_294 = arith.constant 64 : index
        %swap3A_295 = tpu.vector_load %arg10[%swap3A_293, %swap3A_294] {strides = array<i32>} : memref<8x128xi32, #tpu.memory_space<vmem>>, vector<16xi32>,
        tpu.vector_store %arg10[%swap3A_293, %swap3A_294], %add3A_292 {strides = array<i32>} : memref<8x128xi32, #tpu.memory_space<vmem>>, vector<16xi32>,
        %get3A_296 = arith.index_cast %scan3A_112 : i32 to index
        %get3A_297 = arith.constant 80 : index
        %get3A_298 = tpu.vector_load %arg10[%get3A_296, %get3A_297] {strides = array<i32>} : memref<8x128xi32, #tpu.memory_space<vmem>>, vector<16xi32>,
        %get3A_299 = arith.index_cast %scan3A_112 : i32 to index
        %get3A_300 = arith.constant 80 : index
        %get3A_301 = tpu.vector_load %arg11[%get3A_299, %get3A_300] {strides = array<i32>} : memref<8x128xi32, #tpu.memory_space<vmem>>, vector<16xi32>,
        %gather3A_302 = tpu.vector_load_idx %arg8[%get3A_298] : memref<10000xf32, #tpu.memory_space<vmem>>[vector<16xi32>], vector<16xf32>,
        %gather3A_303 = tpu.vector_load_idx %arg9[%get3A_301] : memref<10000xf32, #tpu.memory_space<vmem>>[vector<16xi32>], vector<16xf32>,
        %add3A_304 = arith.addf %gather3A_302, %gather3A_303 : vector<16xf32>
        %mul3A_305 = arith.constant 2.000000e-01 : f32
        %mul3A_306 = vector.broadcast %mul3A_305 : f32 to vector<16xf32>
        %mul3A_307 = arith.mulf %mul3A_306, %add3A_304 : vector<16xf32>
        %max3A_308 = arith.maximumf %add3A_304, %mul3A_307 : vector<16xf32>
        %exp3A_309 = math.exp %max3A_308 : vector<16xf32>
        %mul3A_310 = arith.constant 8 : i32
        %mul3A_311 = arith.muli %scan3A_98, %mul3A_310 : i32
        %add3A_312 = arith.addi %mul3A_311, %scan3A_112 : i32
        %mul3A_313 = arith.constant 128 : i32
        %mul3A_314 = arith.muli %add3A_312, %mul3A_313 : i32
        %add3A_315 = arith.addi %mul3A_25, %mul3A_314 : i32
        %add3A_316 = arith.constant 80 : i32
        %add3A_317 = arith.addi %add3A_315, %add3A_316 : i32
        %add3A_318 = vector.broadcast %add3A_317 : i32 to vector<16xi32>
        %add3A_319 = arith.addi %add3A_318, %iota3A : vector<16xi32>
        %lt3A_320 = arith.constant 330000 : i32
        %lt3A_321 = vector.broadcast %lt3A_320 : i32 to vector<16xi32>
        %lt3A_322 = arith.cmpi slt, %add3A_319, %lt3A_321 : vector<16xi32>
        %jit3A_323 = arith.constant 0.000000e+00 : f32
        %broadcast_in_dim3A_324 = vector.broadcast %jit3A_323 : f32 to vector<16xf32>
        %select_n3A_325 = arith.select %lt3A_322, %exp3A_309, %broadcast_in_dim3A_324 : vector<16xi1>, vector<16xf32>
        %swap3A_326 = arith.index_cast %scan3A_112 : i32 to index
        %swap3A_327 = arith.constant 80 : index
        %swap3A_328 = tpu.vector_load %arg12[%swap3A_326, %swap3A_327] {strides = array<i32>} : memref<8x128xf32, #tpu.memory_space<vmem>>, vector<16xf32>,
        tpu.vector_store %arg12[%swap3A_326, %swap3A_327], %select_n3A_325 {strides = array<i32>} : memref<8x128xf32, #tpu.memory_space<vmem>>, vector<16xf32>,
        %add3A_329 = vector.broadcast %mul3A_27 : i32 to vector<16xi32>
        %add3A_330 = arith.addi %get3A_298, %add3A_329 : vector<16xi32>
        %swap3A_331 = arith.index_cast %scan3A_112 : i32 to index
        %swap3A_332 = arith.constant 80 : index
        %swap3A_333 = tpu.vector_load %arg10[%swap3A_331, %swap3A_332] {strides = array<i32>} : memref<8x128xi32, #tpu.memory_space<vmem>>, vector<16xi32>,
        tpu.vector_store %arg10[%swap3A_331, %swap3A_332], %add3A_330 {strides = array<i32>} : memref<8x128xi32, #tpu.memory_space<vmem>>, vector<16xi32>,
        %get3A_334 = arith.index_cast %scan3A_112 : i32 to index
        %get3A_335 = arith.constant 96 : index
        %get3A_336 = tpu.vector_load %arg10[%get3A_334, %get3A_335] {strides = array<i32>} : memref<8x128xi32, #tpu.memory_space<vmem>>, vector<16xi32>,
        %get3A_337 = arith.index_cast %scan3A_112 : i32 to index
        %get3A_338 = arith.constant 96 : index
        %get3A_339 = tpu.vector_load %arg11[%get3A_337, %get3A_338] {strides = array<i32>} : memref<8x128xi32, #tpu.memory_space<vmem>>, vector<16xi32>,
        %gather3A_340 = tpu.vector_load_idx %arg8[%get3A_336] : memref<10000xf32, #tpu.memory_space<vmem>>[vector<16xi32>], vector<16xf32>,
        %gather3A_341 = tpu.vector_load_idx %arg9[%get3A_339] : memref<10000xf32, #tpu.memory_space<vmem>>[vector<16xi32>], vector<16xf32>,
        %add3A_342 = arith.addf %gather3A_340, %gather3A_341 : vector<16xf32>
        %mul3A_343 = arith.constant 2.000000e-01 : f32
        %mul3A_344 = vector.broadcast %mul3A_343 : f32 to vector<16xf32>
        %mul3A_345 = arith.mulf %mul3A_344, %add3A_342 : vector<16xf32>
        %max3A_346 = arith.maximumf %add3A_342, %mul3A_345 : vector<16xf32>
        %exp3A_347 = math.exp %max3A_346 : vector<16xf32>
        %mul3A_348 = arith.constant 8 : i32
        %mul3A_349 = arith.muli %scan3A_98, %mul3A_348 : i32
        %add3A_350 = arith.addi %mul3A_349, %scan3A_112 : i32
        %mul3A_351 = arith.constant 128 : i32
        %mul3A_352 = arith.muli %add3A_350, %mul3A_351 : i32
        %add3A_353 = arith.addi %mul3A_25, %mul3A_352 : i32
        %add3A_354 = arith.constant 96 : i32
        %add3A_355 = arith.addi %add3A_353, %add3A_354 : i32
        %add3A_356 = vector.broadcast %add3A_355 : i32 to vector<16xi32>
        %add3A_357 = arith.addi %add3A_356, %iota3A : vector<16xi32>
        %lt3A_358 = arith.constant 330000 : i32
        %lt3A_359 = vector.broadcast %lt3A_358 : i32 to vector<16xi32>
        %lt3A_360 = arith.cmpi slt, %add3A_357, %lt3A_359 : vector<16xi32>
        %jit3A_361 = arith.constant 0.000000e+00 : f32
        %broadcast_in_dim3A_362 = vector.broadcast %jit3A_361 : f32 to vector<16xf32>
        %select_n3A_363 = arith.select %lt3A_360, %exp3A_347, %broadcast_in_dim3A_362 : vector<16xi1>, vector<16xf32>
        %swap3A_364 = arith.index_cast %scan3A_112 : i32 to index
        %swap3A_365 = arith.constant 96 : index
        %swap3A_366 = tpu.vector_load %arg12[%swap3A_364, %swap3A_365] {strides = array<i32>} : memref<8x128xf32, #tpu.memory_space<vmem>>, vector<16xf32>,
        tpu.vector_store %arg12[%swap3A_364, %swap3A_365], %select_n3A_363 {strides = array<i32>} : memref<8x128xf32, #tpu.memory_space<vmem>>, vector<16xf32>,
        %add3A_367 = vector.broadcast %mul3A_27 : i32 to vector<16xi32>
        %add3A_368 = arith.addi %get3A_336, %add3A_367 : vector<16xi32>
        %swap3A_369 = arith.index_cast %scan3A_112 : i32 to index
        %swap3A_370 = arith.constant 96 : index
        %swap3A_371 = tpu.vector_load %arg10[%swap3A_369, %swap3A_370] {strides = array<i32>} : memref<8x128xi32, #tpu.memory_space<vmem>>, vector<16xi32>,
        tpu.vector_store %arg10[%swap3A_369, %swap3A_370], %add3A_368 {strides = array<i32>} : memref<8x128xi32, #tpu.memory_space<vmem>>, vector<16xi32>,
        %get3A_372 = arith.index_cast %scan3A_112 : i32 to index
        %get3A_373 = arith.constant 112 : index
        %get3A_374 = tpu.vector_load %arg10[%get3A_372, %get3A_373] {strides = array<i32>} : memref<8x128xi32, #tpu.memory_space<vmem>>, vector<16xi32>,
        %get3A_375 = arith.index_cast %scan3A_112 : i32 to index
        %get3A_376 = arith.constant 112 : index
        %get3A_377 = tpu.vector_load %arg11[%get3A_375, %get3A_376] {strides = array<i32>} : memref<8x128xi32, #tpu.memory_space<vmem>>, vector<16xi32>,
        %gather3A_378 = tpu.vector_load_idx %arg8[%get3A_374] : memref<10000xf32, #tpu.memory_space<vmem>>[vector<16xi32>], vector<16xf32>,
        %gather3A_379 = tpu.vector_load_idx %arg9[%get3A_377] : memref<10000xf32, #tpu.memory_space<vmem>>[vector<16xi32>], vector<16xf32>,
        %add3A_380 = arith.addf %gather3A_378, %gather3A_379 : vector<16xf32>
        %mul3A_381 = arith.constant 2.000000e-01 : f32
        %mul3A_382 = vector.broadcast %mul3A_381 : f32 to vector<16xf32>
        %mul3A_383 = arith.mulf %mul3A_382, %add3A_380 : vector<16xf32>
        %max3A_384 = arith.maximumf %add3A_380, %mul3A_383 : vector<16xf32>
        %exp3A_385 = math.exp %max3A_384 : vector<16xf32>
        %mul3A_386 = arith.constant 8 : i32
        %mul3A_387 = arith.muli %scan3A_98, %mul3A_386 : i32
        %add3A_388 = arith.addi %mul3A_387, %scan3A_112 : i32
        %mul3A_389 = arith.constant 128 : i32
        %mul3A_390 = arith.muli %add3A_388, %mul3A_389 : i32
        %add3A_391 = arith.addi %mul3A_25, %mul3A_390 : i32
        %add3A_392 = arith.constant 112 : i32
        %add3A_393 = arith.addi %add3A_391, %add3A_392 : i32
        %add3A_394 = vector.broadcast %add3A_393 : i32 to vector<16xi32>
        %add3A_395 = arith.addi %add3A_394, %iota3A : vector<16xi32>
        %lt3A_396 = arith.constant 330000 : i32
        %lt3A_397 = vector.broadcast %lt3A_396 : i32 to vector<16xi32>
        %lt3A_398 = arith.cmpi slt, %add3A_395, %lt3A_397 : vector<16xi32>
        %jit3A_399 = arith.constant 0.000000e+00 : f32
        %broadcast_in_dim3A_400 = vector.broadcast %jit3A_399 : f32 to vector<16xf32>
        %select_n3A_401 = arith.select %lt3A_398, %exp3A_385, %broadcast_in_dim3A_400 : vector<16xi1>, vector<16xf32>
        %swap3A_402 = arith.index_cast %scan3A_112 : i32 to index
        %swap3A_403 = arith.constant 112 : index
        %swap3A_404 = tpu.vector_load %arg12[%swap3A_402, %swap3A_403] {strides = array<i32>} : memref<8x128xf32, #tpu.memory_space<vmem>>, vector<16xf32>,
        tpu.vector_store %arg12[%swap3A_402, %swap3A_403], %select_n3A_401 {strides = array<i32>} : memref<8x128xf32, #tpu.memory_space<vmem>>, vector<16xf32>,
        %add3A_405 = vector.broadcast %mul3A_27 : i32 to vector<16xi32>
        %add3A_406 = arith.addi %get3A_374, %add3A_405 : vector<16xi32>
        %swap3A_407 = arith.index_cast %scan3A_112 : i32 to index
        %swap3A_408 = arith.constant 112 : index
        %swap3A_409 = tpu.vector_load %arg10[%swap3A_407, %swap3A_408] {strides = array<i32>} : memref<8x128xi32, #tpu.memory_space<vmem>>, vector<16xi32>,
        tpu.vector_store %arg10[%swap3A_407, %swap3A_408], %add3A_406 {strides = array<i32>} : memref<8x128xi32, #tpu.memory_space<vmem>>, vector<16xi32>,
        "tpu.region"() ({
          %run_scoped3A = tpu.sem_alloc : memref<!tpu.dma_semaphore, #tpu.memory_space<semaphore_mem>>
          %dma_start3A_428 = arith.constant 0 : i32
          %dma_start3A_429 = tpu.memref_slice %arg12[%scan3A_112, %dma_start3A_428] : memref<8x128xf32, #tpu.memory_space<vmem>> -> memref<1x128xf32, #tpu.memory_space<vmem>>
          %dma_start3A_430 = tpu.memref_squeeze %dma_start3A_429 : memref<1x128xf32, #tpu.memory_space<vmem>> -> memref<128xf32, #tpu.memory_space<vmem>>
          %dma_start3A_431 = arith.constant 0 : i32
          %dma_start3A_432 = tpu.memref_slice %arg11[%scan3A_112, %dma_start3A_431] : memref<8x128xi32, #tpu.memory_space<vmem>> -> memref<1x128xi32, #tpu.memory_space<vmem>>
          %dma_start3A_433 = tpu.memref_squeeze %dma_start3A_432 : memref<1x128xi32, #tpu.memory_space<vmem>> -> memref<128xi32, #tpu.memory_space<vmem>>
          %dma_start3A_434 = arith.constant 0 : i32
          %dma_start3A_435 = tpu.memref_slice %arg16[%dma_start3A_434] : memref<10240xf32, #tpu.memory_space<vmem_shared>> -> memref<10240xf32, #tpu.memory_space<vmem_shared>>
          tpu.enqueue_indirect_dma source(%dma_start3A_430 : memref<128xf32, #tpu.memory_space<vmem>>) target(%dma_start3A_435 : memref<10240xf32, #tpu.memory_space<vmem_shared>>) offsets(%dma_start3A_433 : memref<128xi32, #tpu.memory_space<vmem>>) semaphore(%run_scoped3A : memref<!tpu.dma_semaphore, #tpu.memory_space<semaphore_mem>>) {add = true}
          %dma_wait3A_436 = arith.constant 0 : i32
          %dma_wait3A_437 = tpu.memref_slice %arg12[%scan3A_112, %dma_wait3A_436] : memref<8x128xf32, #tpu.memory_space<vmem>> -> memref<1x128xf32, #tpu.memory_space<vmem>>
          %dma_wait3A_438 = tpu.memref_squeeze %dma_wait3A_437 : memref<1x128xf32, #tpu.memory_space<vmem>> -> memref<128xf32, #tpu.memory_space<vmem>>
          %dma_wait3A_439 = arith.constant 0 : i32
          %dma_wait3A_440 = tpu.memref_slice %arg11[%scan3A_112, %dma_wait3A_439] : memref<8x128xi32, #tpu.memory_space<vmem>> -> memref<1x128xi32, #tpu.memory_space<vmem>>
          %dma_wait3A_441 = tpu.memref_squeeze %dma_wait3A_440 : memref<1x128xi32, #tpu.memory_space<vmem>> -> memref<128xi32, #tpu.memory_space<vmem>>
          %dma_wait3A_442 = arith.constant 0 : i32
          %dma_wait3A_443 = tpu.memref_slice %arg16[%dma_wait3A_442] : memref<10240xf32, #tpu.memory_space<vmem_shared>> -> memref<10240xf32, #tpu.memory_space<vmem_shared>>
          tpu.wait_indirect_dma semaphore(%run_scoped3A : memref<!tpu.dma_semaphore, #tpu.memory_space<semaphore_mem>>) src(%dma_wait3A_438 : memref<128xf32, #tpu.memory_space<vmem>>) dst(%dma_wait3A_443 : memref<10240xf32, #tpu.memory_space<vmem_shared>>)
          tpu.yield
        }) : () -> ()
        %dma_start3A = arith.constant 0 : i32
        %dma_start3A_410 = tpu.memref_slice %arg10[%scan3A_112, %dma_start3A] : memref<8x128xi32, #tpu.memory_space<vmem>> -> memref<1x128xi32, #tpu.memory_space<vmem>>
        %dma_start3A_411 = tpu.memref_squeeze %dma_start3A_410 : memref<1x128xi32, #tpu.memory_space<vmem>> -> memref<128xi32, #tpu.memory_space<vmem>>
        %dma_start3A_412 = arith.constant 0 : i32
        %dma_start3A_413 = arith.constant 0 : i32
        %dma_start3A_414 = tpu.memref_slice %arg2[%dma_start3A_412, %dma_start3A_413] : memref<20000x128xf32, #tpu.memory_space<hbm>> -> memref<20000x128xf32, #tpu.memory_space<hbm>>
        tpu.enqueue_indirect_dma source(%dma_start3A_414 : memref<20000x128xf32, #tpu.memory_space<hbm>>) target(%arg13 : memref<128x128xf32, #tpu.memory_space<vmem>>) offsets(%dma_start3A_411 : memref<128xi32, #tpu.memory_space<vmem>>) semaphore(%arg17 : memref<!tpu.dma_semaphore, #tpu.memory_space<semaphore_mem>>)
        %dma_wait3A = arith.constant 0 : i32
        %dma_wait3A_415 = tpu.memref_slice %arg10[%scan3A_112, %dma_wait3A] : memref<8x128xi32, #tpu.memory_space<vmem>> -> memref<1x128xi32, #tpu.memory_space<vmem>>
        %dma_wait3A_416 = tpu.memref_squeeze %dma_wait3A_415 : memref<1x128xi32, #tpu.memory_space<vmem>> -> memref<128xi32, #tpu.memory_space<vmem>>
        %dma_wait3A_417 = arith.constant 0 : i32
        %dma_wait3A_418 = arith.constant 0 : i32
        %dma_wait3A_419 = tpu.memref_slice %arg2[%dma_wait3A_417, %dma_wait3A_418] : memref<20000x128xf32, #tpu.memory_space<hbm>> -> memref<20000x128xf32, #tpu.memory_space<hbm>>
        tpu.wait_indirect_dma semaphore(%arg17 : memref<!tpu.dma_semaphore, #tpu.memory_space<semaphore_mem>>) src(%dma_wait3A_419 : memref<20000x128xf32, #tpu.memory_space<hbm>>) dst(%arg13 : memref<128x128xf32, #tpu.memory_space<vmem>>)
        %scan3A_420 = arith.constant 0 : i32
        %scan3A_421 = arith.constant 0 : i32
        %scan3A_422 = arith.constant 128 : i32
        %scan3A_423 = arith.addi %scan3A_421, %scan3A_422 : i32
        %scan3A_424 = arith.constant 1 : i32
        %scan3A_425 = scf.for %scan3A_428 = %scan3A_421 to %scan3A_423 step %scan3A_424 iter_args(%scan3A_429 = %scan3A_420) -> (i32)  : i32 {
          %broadcast_in_dim3A_430 = vector.broadcast %scan3A_112 : i32 to vector<16xi32>
          %broadcast_in_dim3A_431 = vector.broadcast %scan3A_428 : i32 to vector<16xi32>
          %gather3A_432 = tpu.vector_load_idx %arg12[%broadcast_in_dim3A_430, %broadcast_in_dim3A_431] : memref<8x128xf32, #tpu.memory_space<vmem>>[vector<16xi32>, vector<16xi32>], vector<16xf32>,
          %get3A_433 = arith.index_cast %scan3A_428 : i32 to index
          %get3A_434 = arith.constant 0 : index
          %get3A_435 = tpu.vector_load %arg13[%get3A_433, %get3A_434] {strides = array<i32>} : memref<128x128xf32, #tpu.memory_space<vmem>>, vector<16xf32>,
          %mul3A_436 = arith.mulf %get3A_435, %gather3A_432 : vector<16xf32>
          %swap3A_437 = arith.index_cast %scan3A_428 : i32 to index
          %swap3A_438 = arith.constant 0 : index
          %swap3A_439 = tpu.vector_load %arg13[%swap3A_437, %swap3A_438] {strides = array<i32>} : memref<128x128xf32, #tpu.memory_space<vmem>>, vector<16xf32>,
          tpu.vector_store %arg13[%swap3A_437, %swap3A_438], %mul3A_436 {strides = array<i32>} : memref<128x128xf32, #tpu.memory_space<vmem>>, vector<16xf32>,
          %get3A_440 = arith.index_cast %scan3A_428 : i32 to index
          %get3A_441 = arith.constant 16 : index
          %get3A_442 = tpu.vector_load %arg13[%get3A_440, %get3A_441] {strides = array<i32>} : memref<128x128xf32, #tpu.memory_space<vmem>>, vector<16xf32>,
          %mul3A_443 = arith.mulf %get3A_442, %gather3A_432 : vector<16xf32>
          %swap3A_444 = arith.index_cast %scan3A_428 : i32 to index
          %swap3A_445 = arith.constant 16 : index
          %swap3A_446 = tpu.vector_load %arg13[%swap3A_444, %swap3A_445] {strides = array<i32>} : memref<128x128xf32, #tpu.memory_space<vmem>>, vector<16xf32>,
          tpu.vector_store %arg13[%swap3A_444, %swap3A_445], %mul3A_443 {strides = array<i32>} : memref<128x128xf32, #tpu.memory_space<vmem>>, vector<16xf32>,
          %get3A_447 = arith.index_cast %scan3A_428 : i32 to index
          %get3A_448 = arith.constant 32 : index
          %get3A_449 = tpu.vector_load %arg13[%get3A_447, %get3A_448] {strides = array<i32>} : memref<128x128xf32, #tpu.memory_space<vmem>>, vector<16xf32>,
          %mul3A_450 = arith.mulf %get3A_449, %gather3A_432 : vector<16xf32>
          %swap3A_451 = arith.index_cast %scan3A_428 : i32 to index
          %swap3A_452 = arith.constant 32 : index
          %swap3A_453 = tpu.vector_load %arg13[%swap3A_451, %swap3A_452] {strides = array<i32>} : memref<128x128xf32, #tpu.memory_space<vmem>>, vector<16xf32>,
          tpu.vector_store %arg13[%swap3A_451, %swap3A_452], %mul3A_450 {strides = array<i32>} : memref<128x128xf32, #tpu.memory_space<vmem>>, vector<16xf32>,
          %get3A_454 = arith.index_cast %scan3A_428 : i32 to index
          %get3A_455 = arith.constant 48 : index
          %get3A_456 = tpu.vector_load %arg13[%get3A_454, %get3A_455] {strides = array<i32>} : memref<128x128xf32, #tpu.memory_space<vmem>>, vector<16xf32>,
          %mul3A_457 = arith.mulf %get3A_456, %gather3A_432 : vector<16xf32>
          %swap3A_458 = arith.index_cast %scan3A_428 : i32 to index
          %swap3A_459 = arith.constant 48 : index
          %swap3A_460 = tpu.vector_load %arg13[%swap3A_458, %swap3A_459] {strides = array<i32>} : memref<128x128xf32, #tpu.memory_space<vmem>>, vector<16xf32>,
          tpu.vector_store %arg13[%swap3A_458, %swap3A_459], %mul3A_457 {strides = array<i32>} : memref<128x128xf32, #tpu.memory_space<vmem>>, vector<16xf32>,
          %get3A_461 = arith.index_cast %scan3A_428 : i32 to index
          %get3A_462 = arith.constant 64 : index
          %get3A_463 = tpu.vector_load %arg13[%get3A_461, %get3A_462] {strides = array<i32>} : memref<128x128xf32, #tpu.memory_space<vmem>>, vector<16xf32>,
          %mul3A_464 = arith.mulf %get3A_463, %gather3A_432 : vector<16xf32>
          %swap3A_465 = arith.index_cast %scan3A_428 : i32 to index
          %swap3A_466 = arith.constant 64 : index
          %swap3A_467 = tpu.vector_load %arg13[%swap3A_465, %swap3A_466] {strides = array<i32>} : memref<128x128xf32, #tpu.memory_space<vmem>>, vector<16xf32>,
          tpu.vector_store %arg13[%swap3A_465, %swap3A_466], %mul3A_464 {strides = array<i32>} : memref<128x128xf32, #tpu.memory_space<vmem>>, vector<16xf32>,
          %get3A_468 = arith.index_cast %scan3A_428 : i32 to index
          %get3A_469 = arith.constant 80 : index
          %get3A_470 = tpu.vector_load %arg13[%get3A_468, %get3A_469] {strides = array<i32>} : memref<128x128xf32, #tpu.memory_space<vmem>>, vector<16xf32>,
          %mul3A_471 = arith.mulf %get3A_470, %gather3A_432 : vector<16xf32>
          %swap3A_472 = arith.index_cast %scan3A_428 : i32 to index
          %swap3A_473 = arith.constant 80 : index
          %swap3A_474 = tpu.vector_load %arg13[%swap3A_472, %swap3A_473] {strides = array<i32>} : memref<128x128xf32, #tpu.memory_space<vmem>>, vector<16xf32>,
          tpu.vector_store %arg13[%swap3A_472, %swap3A_473], %mul3A_471 {strides = array<i32>} : memref<128x128xf32, #tpu.memory_space<vmem>>, vector<16xf32>,
          %get3A_475 = arith.index_cast %scan3A_428 : i32 to index
          %get3A_476 = arith.constant 96 : index
          %get3A_477 = tpu.vector_load %arg13[%get3A_475, %get3A_476] {strides = array<i32>} : memref<128x128xf32, #tpu.memory_space<vmem>>, vector<16xf32>,
          %mul3A_478 = arith.mulf %get3A_477, %gather3A_432 : vector<16xf32>
          %swap3A_479 = arith.index_cast %scan3A_428 : i32 to index
          %swap3A_480 = arith.constant 96 : index
          %swap3A_481 = tpu.vector_load %arg13[%swap3A_479, %swap3A_480] {strides = array<i32>} : memref<128x128xf32, #tpu.memory_space<vmem>>, vector<16xf32>,
          tpu.vector_store %arg13[%swap3A_479, %swap3A_480], %mul3A_478 {strides = array<i32>} : memref<128x128xf32, #tpu.memory_space<vmem>>, vector<16xf32>,
          %get3A_482 = arith.index_cast %scan3A_428 : i32 to index
          %get3A_483 = arith.constant 112 : index
          %get3A_484 = tpu.vector_load %arg13[%get3A_482, %get3A_483] {strides = array<i32>} : memref<128x128xf32, #tpu.memory_space<vmem>>, vector<16xf32>,
          %mul3A_485 = arith.mulf %get3A_484, %gather3A_432 : vector<16xf32>
          %swap3A_486 = arith.index_cast %scan3A_428 : i32 to index
          %swap3A_487 = arith.constant 112 : index
          %swap3A_488 = tpu.vector_load %arg13[%swap3A_486, %swap3A_487] {strides = array<i32>} : memref<128x128xf32, #tpu.memory_space<vmem>>, vector<16xf32>,
          tpu.vector_store %arg13[%swap3A_486, %swap3A_487], %mul3A_485 {strides = array<i32>} : memref<128x128xf32, #tpu.memory_space<vmem>>, vector<16xf32>,
          %scan3A_489 = arith.constant 0 : i32
          scf.yield %scan3A_489 : i32
        }
        %scan3A_426 = arith.constant 128 : i32
        "tpu.region"() ({
          %run_scoped3A = tpu.sem_alloc : memref<!tpu.dma_semaphore, #tpu.memory_space<semaphore_mem>>
          %dma_start3A_428 = arith.constant 0 : i32
          %dma_start3A_429 = tpu.memref_slice %arg11[%scan3A_112, %dma_start3A_428] : memref<8x128xi32, #tpu.memory_space<vmem>> -> memref<1x128xi32, #tpu.memory_space<vmem>>
          %dma_start3A_430 = tpu.memref_squeeze %dma_start3A_429 : memref<1x128xi32, #tpu.memory_space<vmem>> -> memref<128xi32, #tpu.memory_space<vmem>>
          %dma_start3A_431 = arith.constant 0 : i32
          %dma_start3A_432 = arith.constant 0 : i32
          %dma_start3A_433 = tpu.memref_slice %arg15[%dma_start3A_431, %dma_start3A_432] : memref<10240x128xf32, #tpu.memory_space<vmem_shared>> -> memref<10240x128xf32, #tpu.memory_space<vmem_shared>>
          tpu.enqueue_indirect_dma source(%arg13 : memref<128x128xf32, #tpu.memory_space<vmem>>) target(%dma_start3A_433 : memref<10240x128xf32, #tpu.memory_space<vmem_shared>>) offsets(%dma_start3A_430 : memref<128xi32, #tpu.memory_space<vmem>>) semaphore(%run_scoped3A : memref<!tpu.dma_semaphore, #tpu.memory_space<semaphore_mem>>) {add = true}
          %dma_wait3A_434 = arith.constant 0 : i32
          %dma_wait3A_435 = tpu.memref_slice %arg11[%scan3A_112, %dma_wait3A_434] : memref<8x128xi32, #tpu.memory_space<vmem>> -> memref<1x128xi32, #tpu.memory_space<vmem>>
          %dma_wait3A_436 = tpu.memref_squeeze %dma_wait3A_435 : memref<1x128xi32, #tpu.memory_space<vmem>> -> memref<128xi32, #tpu.memory_space<vmem>>
          %dma_wait3A_437 = arith.constant 0 : i32
          %dma_wait3A_438 = arith.constant 0 : i32
          %dma_wait3A_439 = tpu.memref_slice %arg15[%dma_wait3A_437, %dma_wait3A_438] : memref<10240x128xf32, #tpu.memory_space<vmem_shared>> -> memref<10240x128xf32, #tpu.memory_space<vmem_shared>>
          tpu.wait_indirect_dma semaphore(%run_scoped3A : memref<!tpu.dma_semaphore, #tpu.memory_space<semaphore_mem>>) src(%arg13 : memref<128x128xf32, #tpu.memory_space<vmem>>) dst(%dma_wait3A_439 : memref<10240x128xf32, #tpu.memory_space<vmem_shared>>)
          tpu.yield
        }) : () -> ()
        %scan3A_427 = arith.constant 0 : i32
        scf.yield %scan3A_427 : i32
      }
      %scan3A_110 = arith.constant 8 : i32
      %scan3A_111 = arith.constant 0 : i32
      scf.yield %scan3A_111 : i32
    }
    %scan3A_34 = arith.constant 21 : i32
    %barrier3A_35 = arith.constant 0 : index
    tpu.barrier barrier_id(%barrier3A_35)
    "tpu.region"() ({
      %run_scoped3A = tpu.sem_alloc : memref<!tpu.dma_semaphore, #tpu.memory_space<semaphore_mem>>
      %dma_start3A = tpu.memref_slice %arg16[%mul3A_14] : memref<10240xf32, #tpu.memory_space<vmem_shared>> -> memref<640xf32, #tpu.memory_space<vmem_shared>>
      %dma_start3A_98 = tpu.memref_slice %arg16[%mul3A_14] : memref<10240xf32, #tpu.memory_space<vmem_shared>> -> memref<640xf32, #tpu.memory_space<vmem_shared>>
      tpu.enqueue_dma source(%dma_start3A_98 : memref<640xf32, #tpu.memory_space<vmem_shared>>) target(%arg14 : memref<640xf32, #tpu.memory_space<vmem>>) target_semaphore(%run_scoped3A : memref<!tpu.dma_semaphore, #tpu.memory_space<semaphore_mem>>)
      %dma_wait3A = tpu.memref_slice %arg16[%mul3A_14] : memref<10240xf32, #tpu.memory_space<vmem_shared>> -> memref<640xf32, #tpu.memory_space<vmem_shared>>
      %dma_wait3A_99 = tpu.memref_slice %arg16[%mul3A_14] : memref<10240xf32, #tpu.memory_space<vmem_shared>> -> memref<640xf32, #tpu.memory_space<vmem_shared>>
      tpu.wait_dma2 semaphore(%run_scoped3A : memref<!tpu.dma_semaphore, #tpu.memory_space<semaphore_mem>>) src(%dma_wait3A_99 : memref<640xf32, #tpu.memory_space<vmem_shared>>) dst(%arg14 : memref<640xf32, #tpu.memory_space<vmem>>)
      tpu.yield
    }) : () -> ()
    %scan3A_36 = arith.constant 0 : i32
    %scan3A_37 = arith.constant 0 : i32
    %scan3A_38 = arith.constant 40 : i32
    %scan3A_39 = arith.addi %scan3A_37, %scan3A_38 : i32
    %scan3A_40 = arith.constant 1 : i32
    %scan3A_41 = scf.for %scan3A_98 = %scan3A_37 to %scan3A_39 step %scan3A_40 iter_args(%scan3A_99 = %scan3A_36) -> (i32)  : i32 {
      %mul3A_100 = arith.constant 16 : i32
      %mul3A_101 = arith.muli %scan3A_98, %mul3A_100 : i32
      %get3A = arith.index_cast %mul3A_101 : i32 to index
      %get3A_102 = tpu.vector_load %arg14[%get3A] {strides = array<i32>} : memref<640xf32, #tpu.memory_space<vmem>>, vector<16xf32>,
      %div3A = arith.constant 1.000000e+00 : f32
      %div3A_103 = vector.broadcast %div3A : f32 to vector<16xf32>
      %div3A_104 = arith.divf %div3A_103, %get3A_102 : vector<16xf32>
      %swap3A = arith.index_cast %mul3A_101 : i32 to index
      %swap3A_105 = tpu.vector_load %arg14[%swap3A] {strides = array<i32>} : memref<640xf32, #tpu.memory_space<vmem>>, vector<16xf32>,
      tpu.vector_store %arg14[%swap3A], %div3A_104 {strides = array<i32>} : memref<640xf32, #tpu.memory_space<vmem>>, vector<16xf32>,
      %scan3A_106 = arith.constant 0 : i32
      scf.yield %scan3A_106 : i32
    }
    %scan3A_42 = arith.constant 40 : i32
    %add3A_43 = arith.constant 0 : i32
    %add3A_44 = arith.addi %mul3A_14, %add3A_43 : i32
    "tpu.region"() ({
      %run_scoped3A = tpu.sem_alloc : memref<!tpu.dma_semaphore, #tpu.memory_space<semaphore_mem>>
      %dma_start3A = arith.constant 0 : i32
      %dma_start3A_98 = tpu.memref_slice %arg15[%add3A_44, %dma_start3A] : memref<10240x128xf32, #tpu.memory_space<vmem_shared>> -> memref<128x128xf32, #tpu.memory_space<vmem_shared>>
      %dma_start3A_99 = arith.constant 0 : i32
      %dma_start3A_100 = tpu.memref_slice %arg15[%add3A_44, %dma_start3A_99] : memref<10240x128xf32, #tpu.memory_space<vmem_shared>> -> memref<128x128xf32, #tpu.memory_space<vmem_shared>>
      tpu.enqueue_dma source(%dma_start3A_100 : memref<128x128xf32, #tpu.memory_space<vmem_shared>>) target(%arg13 : memref<128x128xf32, #tpu.memory_space<vmem>>) target_semaphore(%run_scoped3A : memref<!tpu.dma_semaphore, #tpu.memory_space<semaphore_mem>>)
      %dma_wait3A = arith.constant 0 : i32
      %dma_wait3A_101 = tpu.memref_slice %arg15[%add3A_44, %dma_wait3A] : memref<10240x128xf32, #tpu.memory_space<vmem_shared>> -> memref<128x128xf32, #tpu.memory_space<vmem_shared>>
      %dma_wait3A_102 = arith.constant 0 : i32
      %dma_wait3A_103 = tpu.memref_slice %arg15[%add3A_44, %dma_wait3A_102] : memref<10240x128xf32, #tpu.memory_space<vmem_shared>> -> memref<128x128xf32, #tpu.memory_space<vmem_shared>>
      tpu.wait_dma2 semaphore(%run_scoped3A : memref<!tpu.dma_semaphore, #tpu.memory_space<semaphore_mem>>) src(%dma_wait3A_103 : memref<128x128xf32, #tpu.memory_space<vmem_shared>>) dst(%arg13 : memref<128x128xf32, #tpu.memory_space<vmem>>)
      tpu.yield
    }) : () -> ()
    %scan3A_45 = arith.constant 0 : i32
    %scan3A_46 = arith.constant 0 : i32
    %scan3A_47 = arith.constant 128 : i32
    %scan3A_48 = arith.addi %scan3A_46, %scan3A_47 : i32
    %scan3A_49 = arith.constant 1 : i32
    %scan3A_50 = scf.for %scan3A_98 = %scan3A_46 to %scan3A_48 step %scan3A_49 iter_args(%scan3A_99 = %scan3A_45) -> (i32)  : i32 {
      %add3A_100 = arith.constant 0 : i32
      %add3A_101 = arith.addi %add3A_100, %scan3A_98 : i32
      %broadcast_in_dim3A_102 = vector.broadcast %add3A_101 : i32 to vector<16xi32>
      %gather3A = tpu.vector_load_idx %arg14[%broadcast_in_dim3A_102] : memref<640xf32, #tpu.memory_space<vmem>>[vector<16xi32>], vector<16xf32>,
      %get3A = arith.index_cast %scan3A_98 : i32 to index
      %get3A_103 = arith.constant 0 : index
      %get3A_104 = tpu.vector_load %arg13[%get3A, %get3A_103] {strides = array<i32>} : memref<128x128xf32, #tpu.memory_space<vmem>>, vector<16xf32>,
      %mul3A_105 = arith.mulf %get3A_104, %gather3A : vector<16xf32>
      %swap3A = arith.index_cast %scan3A_98 : i32 to index
      %swap3A_106 = arith.constant 0 : index
      %swap3A_107 = tpu.vector_load %arg13[%swap3A, %swap3A_106] {strides = array<i32>} : memref<128x128xf32, #tpu.memory_space<vmem>>, vector<16xf32>,
      tpu.vector_store %arg13[%swap3A, %swap3A_106], %mul3A_105 {strides = array<i32>} : memref<128x128xf32, #tpu.memory_space<vmem>>, vector<16xf32>,
      %get3A_108 = arith.index_cast %scan3A_98 : i32 to index
      %get3A_109 = arith.constant 16 : index
      %get3A_110 = tpu.vector_load %arg13[%get3A_108, %get3A_109] {strides = array<i32>} : memref<128x128xf32, #tpu.memory_space<vmem>>, vector<16xf32>,
      %mul3A_111 = arith.mulf %get3A_110, %gather3A : vector<16xf32>
      %swap3A_112 = arith.index_cast %scan3A_98 : i32 to index
      %swap3A_113 = arith.constant 16 : index
      %swap3A_114 = tpu.vector_load %arg13[%swap3A_112, %swap3A_113] {strides = array<i32>} : memref<128x128xf32, #tpu.memory_space<vmem>>, vector<16xf32>,
      tpu.vector_store %arg13[%swap3A_112, %swap3A_113], %mul3A_111 {strides = array<i32>} : memref<128x128xf32, #tpu.memory_space<vmem>>, vector<16xf32>,
      %get3A_115 = arith.index_cast %scan3A_98 : i32 to index
      %get3A_116 = arith.constant 32 : index
      %get3A_117 = tpu.vector_load %arg13[%get3A_115, %get3A_116] {strides = array<i32>} : memref<128x128xf32, #tpu.memory_space<vmem>>, vector<16xf32>,
      %mul3A_118 = arith.mulf %get3A_117, %gather3A : vector<16xf32>
      %swap3A_119 = arith.index_cast %scan3A_98 : i32 to index
      %swap3A_120 = arith.constant 32 : index
      %swap3A_121 = tpu.vector_load %arg13[%swap3A_119, %swap3A_120] {strides = array<i32>} : memref<128x128xf32, #tpu.memory_space<vmem>>, vector<16xf32>,
      tpu.vector_store %arg13[%swap3A_119, %swap3A_120], %mul3A_118 {strides = array<i32>} : memref<128x128xf32, #tpu.memory_space<vmem>>, vector<16xf32>,
      %get3A_122 = arith.index_cast %scan3A_98 : i32 to index
      %get3A_123 = arith.constant 48 : index
      %get3A_124 = tpu.vector_load %arg13[%get3A_122, %get3A_123] {strides = array<i32>} : memref<128x128xf32, #tpu.memory_space<vmem>>, vector<16xf32>,
      %mul3A_125 = arith.mulf %get3A_124, %gather3A : vector<16xf32>
      %swap3A_126 = arith.index_cast %scan3A_98 : i32 to index
      %swap3A_127 = arith.constant 48 : index
      %swap3A_128 = tpu.vector_load %arg13[%swap3A_126, %swap3A_127] {strides = array<i32>} : memref<128x128xf32, #tpu.memory_space<vmem>>, vector<16xf32>,
      tpu.vector_store %arg13[%swap3A_126, %swap3A_127], %mul3A_125 {strides = array<i32>} : memref<128x128xf32, #tpu.memory_space<vmem>>, vector<16xf32>,
      %get3A_129 = arith.index_cast %scan3A_98 : i32 to index
      %get3A_130 = arith.constant 64 : index
      %get3A_131 = tpu.vector_load %arg13[%get3A_129, %get3A_130] {strides = array<i32>} : memref<128x128xf32, #tpu.memory_space<vmem>>, vector<16xf32>,
      %mul3A_132 = arith.mulf %get3A_131, %gather3A : vector<16xf32>
      %swap3A_133 = arith.index_cast %scan3A_98 : i32 to index
      %swap3A_134 = arith.constant 64 : index
      %swap3A_135 = tpu.vector_load %arg13[%swap3A_133, %swap3A_134] {strides = array<i32>} : memref<128x128xf32, #tpu.memory_space<vmem>>, vector<16xf32>,
      tpu.vector_store %arg13[%swap3A_133, %swap3A_134], %mul3A_132 {strides = array<i32>} : memref<128x128xf32, #tpu.memory_space<vmem>>, vector<16xf32>,
      %get3A_136 = arith.index_cast %scan3A_98 : i32 to index
      %get3A_137 = arith.constant 80 : index
      %get3A_138 = tpu.vector_load %arg13[%get3A_136, %get3A_137] {strides = array<i32>} : memref<128x128xf32, #tpu.memory_space<vmem>>, vector<16xf32>,
      %mul3A_139 = arith.mulf %get3A_138, %gather3A : vector<16xf32>
      %swap3A_140 = arith.index_cast %scan3A_98 : i32 to index
      %swap3A_141 = arith.constant 80 : index
      %swap3A_142 = tpu.vector_load %arg13[%swap3A_140, %swap3A_141] {strides = array<i32>} : memref<128x128xf32, #tpu.memory_space<vmem>>, vector<16xf32>,
      tpu.vector_store %arg13[%swap3A_140, %swap3A_141], %mul3A_139 {strides = array<i32>} : memref<128x128xf32, #tpu.memory_space<vmem>>, vector<16xf32>,
      %get3A_143 = arith.index_cast %scan3A_98 : i32 to index
      %get3A_144 = arith.constant 96 : index
      %get3A_145 = tpu.vector_load %arg13[%get3A_143, %get3A_144] {strides = array<i32>} : memref<128x128xf32, #tpu.memory_space<vmem>>, vector<16xf32>,
      %mul3A_146 = arith.mulf %get3A_145, %gather3A : vector<16xf32>
      %swap3A_147 = arith.index_cast %scan3A_98 : i32 to index
      %swap3A_148 = arith.constant 96 : index
      %swap3A_149 = tpu.vector_load %arg13[%swap3A_147, %swap3A_148] {strides = array<i32>} : memref<128x128xf32, #tpu.memory_space<vmem>>, vector<16xf32>,
      tpu.vector_store %arg13[%swap3A_147, %swap3A_148], %mul3A_146 {strides = array<i32>} : memref<128x128xf32, #tpu.memory_space<vmem>>, vector<16xf32>,
      %get3A_150 = arith.index_cast %scan3A_98 : i32 to index
      %get3A_151 = arith.constant 112 : index
      %get3A_152 = tpu.vector_load %arg13[%get3A_150, %get3A_151] {strides = array<i32>} : memref<128x128xf32, #tpu.memory_space<vmem>>, vector<16xf32>,
      %mul3A_153 = arith.mulf %get3A_152, %gather3A : vector<16xf32>
      %swap3A_154 = arith.index_cast %scan3A_98 : i32 to index
      %swap3A_155 = arith.constant 112 : index
      %swap3A_156 = tpu.vector_load %arg13[%swap3A_154, %swap3A_155] {strides = array<i32>} : memref<128x128xf32, #tpu.memory_space<vmem>>, vector<16xf32>,
      tpu.vector_store %arg13[%swap3A_154, %swap3A_155], %mul3A_153 {strides = array<i32>} : memref<128x128xf32, #tpu.memory_space<vmem>>, vector<16xf32>,
      %scan3A_157 = arith.constant 0 : i32
      scf.yield %scan3A_157 : i32
    }
    %scan3A_51 = arith.constant 128 : i32
    %add3A_52 = arith.constant 0 : i32
    %add3A_53 = arith.addi %mul3A_14, %add3A_52 : i32
    "tpu.region"() ({
      %run_scoped3A = tpu.sem_alloc : memref<!tpu.dma_semaphore, #tpu.memory_space<semaphore_mem>>
      %dma_start3A = arith.constant 0 : i32
      %dma_start3A_98 = tpu.memref_slice %arg7[%arg0, %add3A_53, %dma_start3A] : memref<2x10240x128xf32, #tpu.memory_space<hbm>> -> memref<1x128x128xf32, #tpu.memory_space<hbm>>
      %dma_start3A_99 = tpu.memref_squeeze %dma_start3A_98 : memref<1x128x128xf32, #tpu.memory_space<hbm>> -> memref<128x128xf32, #tpu.memory_space<hbm>>
      %dma_start3A_100 = arith.constant 0 : i32
      %dma_start3A_101 = tpu.memref_slice %arg7[%arg0, %add3A_53, %dma_start3A_100] : memref<2x10240x128xf32, #tpu.memory_space<hbm>> -> memref<1x128x128xf32, #tpu.memory_space<hbm>>
      %dma_start3A_102 = tpu.memref_squeeze %dma_start3A_101 : memref<1x128x128xf32, #tpu.memory_space<hbm>> -> memref<128x128xf32, #tpu.memory_space<hbm>>
      tpu.enqueue_dma source(%arg13 : memref<128x128xf32, #tpu.memory_space<vmem>>) target(%dma_start3A_102 : memref<128x128xf32, #tpu.memory_space<hbm>>) target_semaphore(%run_scoped3A : memref<!tpu.dma_semaphore, #tpu.memory_space<semaphore_mem>>)
      %dma_wait3A = arith.constant 0 : i32
      %dma_wait3A_103 = tpu.memref_slice %arg7[%arg0, %add3A_53, %dma_wait3A] : memref<2x10240x128xf32, #tpu.memory_space<hbm>> -> memref<1x128x128xf32, #tpu.memory_space<hbm>>
      %dma_wait3A_104 = tpu.memref_squeeze %dma_wait3A_103 : memref<1x128x128xf32, #tpu.memory_space<hbm>> -> memref<128x128xf32, #tpu.memory_space<hbm>>
      %dma_wait3A_105 = arith.constant 0 : i32
      %dma_wait3A_106 = tpu.memref_slice %arg7[%arg0, %add3A_53, %dma_wait3A_105] : memref<2x10240x128xf32, #tpu.memory_space<hbm>> -> memref<1x128x128xf32, #tpu.memory_space<hbm>>
      %dma_wait3A_107 = tpu.memref_squeeze %dma_wait3A_106 : memref<1x128x128xf32, #tpu.memory_space<hbm>> -> memref<128x128xf32, #tpu.memory_space<hbm>>
      tpu.wait_dma2 semaphore(%run_scoped3A : memref<!tpu.dma_semaphore, #tpu.memory_space<semaphore_mem>>) src(%arg13 : memref<128x128xf32, #tpu.memory_space<vmem>>) dst(%dma_wait3A_107 : memref<128x128xf32, #tpu.memory_space<hbm>>)
      tpu.yield
    }) : () -> ()
    %add3A_54 = arith.constant 128 : i32
    %add3A_55 = arith.addi %mul3A_14, %add3A_54 : i32
    "tpu.region"() ({
      %run_scoped3A = tpu.sem_alloc : memref<!tpu.dma_semaphore, #tpu.memory_space<semaphore_mem>>
      %dma_start3A = arith.constant 0 : i32
      %dma_start3A_98 = tpu.memref_slice %arg15[%add3A_55, %dma_start3A] : memref<10240x128xf32, #tpu.memory_space<vmem_shared>> -> memref<128x128xf32, #tpu.memory_space<vmem_shared>>
      %dma_start3A_99 = arith.constant 0 : i32
      %dma_start3A_100 = tpu.memref_slice %arg15[%add3A_55, %dma_start3A_99] : memref<10240x128xf32, #tpu.memory_space<vmem_shared>> -> memref<128x128xf32, #tpu.memory_space<vmem_shared>>
      tpu.enqueue_dma source(%dma_start3A_100 : memref<128x128xf32, #tpu.memory_space<vmem_shared>>) target(%arg13 : memref<128x128xf32, #tpu.memory_space<vmem>>) target_semaphore(%run_scoped3A : memref<!tpu.dma_semaphore, #tpu.memory_space<semaphore_mem>>)
      %dma_wait3A = arith.constant 0 : i32
      %dma_wait3A_101 = tpu.memref_slice %arg15[%add3A_55, %dma_wait3A] : memref<10240x128xf32, #tpu.memory_space<vmem_shared>> -> memref<128x128xf32, #tpu.memory_space<vmem_shared>>
      %dma_wait3A_102 = arith.constant 0 : i32
      %dma_wait3A_103 = tpu.memref_slice %arg15[%add3A_55, %dma_wait3A_102] : memref<10240x128xf32, #tpu.memory_space<vmem_shared>> -> memref<128x128xf32, #tpu.memory_space<vmem_shared>>
      tpu.wait_dma2 semaphore(%run_scoped3A : memref<!tpu.dma_semaphore, #tpu.memory_space<semaphore_mem>>) src(%dma_wait3A_103 : memref<128x128xf32, #tpu.memory_space<vmem_shared>>) dst(%arg13 : memref<128x128xf32, #tpu.memory_space<vmem>>)
      tpu.yield
    }) : () -> ()
    %scan3A_56 = arith.constant 0 : i32
    %scan3A_57 = arith.constant 0 : i32
    %scan3A_58 = arith.constant 128 : i32
    %scan3A_59 = arith.addi %scan3A_57, %scan3A_58 : i32
    %scan3A_60 = arith.constant 1 : i32
    %scan3A_61 = scf.for %scan3A_98 = %scan3A_57 to %scan3A_59 step %scan3A_60 iter_args(%scan3A_99 = %scan3A_56) -> (i32)  : i32 {
      %add3A_100 = arith.constant 128 : i32
      %add3A_101 = arith.addi %add3A_100, %scan3A_98 : i32
      %broadcast_in_dim3A_102 = vector.broadcast %add3A_101 : i32 to vector<16xi32>
      %gather3A = tpu.vector_load_idx %arg14[%broadcast_in_dim3A_102] : memref<640xf32, #tpu.memory_space<vmem>>[vector<16xi32>], vector<16xf32>,
      %get3A = arith.index_cast %scan3A_98 : i32 to index
      %get3A_103 = arith.constant 0 : index
      %get3A_104 = tpu.vector_load %arg13[%get3A, %get3A_103] {strides = array<i32>} : memref<128x128xf32, #tpu.memory_space<vmem>>, vector<16xf32>,
      %mul3A_105 = arith.mulf %get3A_104, %gather3A : vector<16xf32>
      %swap3A = arith.index_cast %scan3A_98 : i32 to index
      %swap3A_106 = arith.constant 0 : index
      %swap3A_107 = tpu.vector_load %arg13[%swap3A, %swap3A_106] {strides = array<i32>} : memref<128x128xf32, #tpu.memory_space<vmem>>, vector<16xf32>,
      tpu.vector_store %arg13[%swap3A, %swap3A_106], %mul3A_105 {strides = array<i32>} : memref<128x128xf32, #tpu.memory_space<vmem>>, vector<16xf32>,
      %get3A_108 = arith.index_cast %scan3A_98 : i32 to index
      %get3A_109 = arith.constant 16 : index
      %get3A_110 = tpu.vector_load %arg13[%get3A_108, %get3A_109] {strides = array<i32>} : memref<128x128xf32, #tpu.memory_space<vmem>>, vector<16xf32>,
      %mul3A_111 = arith.mulf %get3A_110, %gather3A : vector<16xf32>
      %swap3A_112 = arith.index_cast %scan3A_98 : i32 to index
      %swap3A_113 = arith.constant 16 : index
      %swap3A_114 = tpu.vector_load %arg13[%swap3A_112, %swap3A_113] {strides = array<i32>} : memref<128x128xf32, #tpu.memory_space<vmem>>, vector<16xf32>,
      tpu.vector_store %arg13[%swap3A_112, %swap3A_113], %mul3A_111 {strides = array<i32>} : memref<128x128xf32, #tpu.memory_space<vmem>>, vector<16xf32>,
      %get3A_115 = arith.index_cast %scan3A_98 : i32 to index
      %get3A_116 = arith.constant 32 : index
      %get3A_117 = tpu.vector_load %arg13[%get3A_115, %get3A_116] {strides = array<i32>} : memref<128x128xf32, #tpu.memory_space<vmem>>, vector<16xf32>,
      %mul3A_118 = arith.mulf %get3A_117, %gather3A : vector<16xf32>
      %swap3A_119 = arith.index_cast %scan3A_98 : i32 to index
      %swap3A_120 = arith.constant 32 : index
      %swap3A_121 = tpu.vector_load %arg13[%swap3A_119, %swap3A_120] {strides = array<i32>} : memref<128x128xf32, #tpu.memory_space<vmem>>, vector<16xf32>,
      tpu.vector_store %arg13[%swap3A_119, %swap3A_120], %mul3A_118 {strides = array<i32>} : memref<128x128xf32, #tpu.memory_space<vmem>>, vector<16xf32>,
      %get3A_122 = arith.index_cast %scan3A_98 : i32 to index
      %get3A_123 = arith.constant 48 : index
      %get3A_124 = tpu.vector_load %arg13[%get3A_122, %get3A_123] {strides = array<i32>} : memref<128x128xf32, #tpu.memory_space<vmem>>, vector<16xf32>,
      %mul3A_125 = arith.mulf %get3A_124, %gather3A : vector<16xf32>
      %swap3A_126 = arith.index_cast %scan3A_98 : i32 to index
      %swap3A_127 = arith.constant 48 : index
      %swap3A_128 = tpu.vector_load %arg13[%swap3A_126, %swap3A_127] {strides = array<i32>} : memref<128x128xf32, #tpu.memory_space<vmem>>, vector<16xf32>,
      tpu.vector_store %arg13[%swap3A_126, %swap3A_127], %mul3A_125 {strides = array<i32>} : memref<128x128xf32, #tpu.memory_space<vmem>>, vector<16xf32>,
      %get3A_129 = arith.index_cast %scan3A_98 : i32 to index
      %get3A_130 = arith.constant 64 : index
      %get3A_131 = tpu.vector_load %arg13[%get3A_129, %get3A_130] {strides = array<i32>} : memref<128x128xf32, #tpu.memory_space<vmem>>, vector<16xf32>,
      %mul3A_132 = arith.mulf %get3A_131, %gather3A : vector<16xf32>
      %swap3A_133 = arith.index_cast %scan3A_98 : i32 to index
      %swap3A_134 = arith.constant 64 : index
      %swap3A_135 = tpu.vector_load %arg13[%swap3A_133, %swap3A_134] {strides = array<i32>} : memref<128x128xf32, #tpu.memory_space<vmem>>, vector<16xf32>,
      tpu.vector_store %arg13[%swap3A_133, %swap3A_134], %mul3A_132 {strides = array<i32>} : memref<128x128xf32, #tpu.memory_space<vmem>>, vector<16xf32>,
      %get3A_136 = arith.index_cast %scan3A_98 : i32 to index
      %get3A_137 = arith.constant 80 : index
      %get3A_138 = tpu.vector_load %arg13[%get3A_136, %get3A_137] {strides = array<i32>} : memref<128x128xf32, #tpu.memory_space<vmem>>, vector<16xf32>,
      %mul3A_139 = arith.mulf %get3A_138, %gather3A : vector<16xf32>
      %swap3A_140 = arith.index_cast %scan3A_98 : i32 to index
      %swap3A_141 = arith.constant 80 : index
      %swap3A_142 = tpu.vector_load %arg13[%swap3A_140, %swap3A_141] {strides = array<i32>} : memref<128x128xf32, #tpu.memory_space<vmem>>, vector<16xf32>,
      tpu.vector_store %arg13[%swap3A_140, %swap3A_141], %mul3A_139 {strides = array<i32>} : memref<128x128xf32, #tpu.memory_space<vmem>>, vector<16xf32>,
      %get3A_143 = arith.index_cast %scan3A_98 : i32 to index
      %get3A_144 = arith.constant 96 : index
      %get3A_145 = tpu.vector_load %arg13[%get3A_143, %get3A_144] {strides = array<i32>} : memref<128x128xf32, #tpu.memory_space<vmem>>, vector<16xf32>,
      %mul3A_146 = arith.mulf %get3A_145, %gather3A : vector<16xf32>
      %swap3A_147 = arith.index_cast %scan3A_98 : i32 to index
      %swap3A_148 = arith.constant 96 : index
      %swap3A_149 = tpu.vector_load %arg13[%swap3A_147, %swap3A_148] {strides = array<i32>} : memref<128x128xf32, #tpu.memory_space<vmem>>, vector<16xf32>,
      tpu.vector_store %arg13[%swap3A_147, %swap3A_148], %mul3A_146 {strides = array<i32>} : memref<128x128xf32, #tpu.memory_space<vmem>>, vector<16xf32>,
      %get3A_150 = arith.index_cast %scan3A_98 : i32 to index
      %get3A_151 = arith.constant 112 : index
      %get3A_152 = tpu.vector_load %arg13[%get3A_150, %get3A_151] {strides = array<i32>} : memref<128x128xf32, #tpu.memory_space<vmem>>, vector<16xf32>,
      %mul3A_153 = arith.mulf %get3A_152, %gather3A : vector<16xf32>
      %swap3A_154 = arith.index_cast %scan3A_98 : i32 to index
      %swap3A_155 = arith.constant 112 : index
      %swap3A_156 = tpu.vector_load %arg13[%swap3A_154, %swap3A_155] {strides = array<i32>} : memref<128x128xf32, #tpu.memory_space<vmem>>, vector<16xf32>,
      tpu.vector_store %arg13[%swap3A_154, %swap3A_155], %mul3A_153 {strides = array<i32>} : memref<128x128xf32, #tpu.memory_space<vmem>>, vector<16xf32>,
      %scan3A_157 = arith.constant 0 : i32
      scf.yield %scan3A_157 : i32
    }
    %scan3A_62 = arith.constant 128 : i32
    %add3A_63 = arith.constant 128 : i32
    %add3A_64 = arith.addi %mul3A_14, %add3A_63 : i32
    "tpu.region"() ({
      %run_scoped3A = tpu.sem_alloc : memref<!tpu.dma_semaphore, #tpu.memory_space<semaphore_mem>>
      %dma_start3A = arith.constant 0 : i32
      %dma_start3A_98 = tpu.memref_slice %arg7[%arg0, %add3A_64, %dma_start3A] : memref<2x10240x128xf32, #tpu.memory_space<hbm>> -> memref<1x128x128xf32, #tpu.memory_space<hbm>>
      %dma_start3A_99 = tpu.memref_squeeze %dma_start3A_98 : memref<1x128x128xf32, #tpu.memory_space<hbm>> -> memref<128x128xf32, #tpu.memory_space<hbm>>
      %dma_start3A_100 = arith.constant 0 : i32
      %dma_start3A_101 = tpu.memref_slice %arg7[%arg0, %add3A_64, %dma_start3A_100] : memref<2x10240x128xf32, #tpu.memory_space<hbm>> -> memref<1x128x128xf32, #tpu.memory_space<hbm>>
      %dma_start3A_102 = tpu.memref_squeeze %dma_start3A_101 : memref<1x128x128xf32, #tpu.memory_space<hbm>> -> memref<128x128xf32, #tpu.memory_space<hbm>>
      tpu.enqueue_dma source(%arg13 : memref<128x128xf32, #tpu.memory_space<vmem>>) target(%dma_start3A_102 : memref<128x128xf32, #tpu.memory_space<hbm>>) target_semaphore(%run_scoped3A : memref<!tpu.dma_semaphore, #tpu.memory_space<semaphore_mem>>)
      %dma_wait3A = arith.constant 0 : i32
      %dma_wait3A_103 = tpu.memref_slice %arg7[%arg0, %add3A_64, %dma_wait3A] : memref<2x10240x128xf32, #tpu.memory_space<hbm>> -> memref<1x128x128xf32, #tpu.memory_space<hbm>>
      %dma_wait3A_104 = tpu.memref_squeeze %dma_wait3A_103 : memref<1x128x128xf32, #tpu.memory_space<hbm>> -> memref<128x128xf32, #tpu.memory_space<hbm>>
      %dma_wait3A_105 = arith.constant 0 : i32
      %dma_wait3A_106 = tpu.memref_slice %arg7[%arg0, %add3A_64, %dma_wait3A_105] : memref<2x10240x128xf32, #tpu.memory_space<hbm>> -> memref<1x128x128xf32, #tpu.memory_space<hbm>>
      %dma_wait3A_107 = tpu.memref_squeeze %dma_wait3A_106 : memref<1x128x128xf32, #tpu.memory_space<hbm>> -> memref<128x128xf32, #tpu.memory_space<hbm>>
      tpu.wait_dma2 semaphore(%run_scoped3A : memref<!tpu.dma_semaphore, #tpu.memory_space<semaphore_mem>>) src(%arg13 : memref<128x128xf32, #tpu.memory_space<vmem>>) dst(%dma_wait3A_107 : memref<128x128xf32, #tpu.memory_space<hbm>>)
      tpu.yield
    }) : () -> ()
    %add3A_65 = arith.constant 256 : i32
    %add3A_66 = arith.addi %mul3A_14, %add3A_65 : i32
    "tpu.region"() ({
      %run_scoped3A = tpu.sem_alloc : memref<!tpu.dma_semaphore, #tpu.memory_space<semaphore_mem>>
      %dma_start3A = arith.constant 0 : i32
      %dma_start3A_98 = tpu.memref_slice %arg15[%add3A_66, %dma_start3A] : memref<10240x128xf32, #tpu.memory_space<vmem_shared>> -> memref<128x128xf32, #tpu.memory_space<vmem_shared>>
      %dma_start3A_99 = arith.constant 0 : i32
      %dma_start3A_100 = tpu.memref_slice %arg15[%add3A_66, %dma_start3A_99] : memref<10240x128xf32, #tpu.memory_space<vmem_shared>> -> memref<128x128xf32, #tpu.memory_space<vmem_shared>>
      tpu.enqueue_dma source(%dma_start3A_100 : memref<128x128xf32, #tpu.memory_space<vmem_shared>>) target(%arg13 : memref<128x128xf32, #tpu.memory_space<vmem>>) target_semaphore(%run_scoped3A : memref<!tpu.dma_semaphore, #tpu.memory_space<semaphore_mem>>)
      %dma_wait3A = arith.constant 0 : i32
      %dma_wait3A_101 = tpu.memref_slice %arg15[%add3A_66, %dma_wait3A] : memref<10240x128xf32, #tpu.memory_space<vmem_shared>> -> memref<128x128xf32, #tpu.memory_space<vmem_shared>>
      %dma_wait3A_102 = arith.constant 0 : i32
      %dma_wait3A_103 = tpu.memref_slice %arg15[%add3A_66, %dma_wait3A_102] : memref<10240x128xf32, #tpu.memory_space<vmem_shared>> -> memref<128x128xf32, #tpu.memory_space<vmem_shared>>
      tpu.wait_dma2 semaphore(%run_scoped3A : memref<!tpu.dma_semaphore, #tpu.memory_space<semaphore_mem>>) src(%dma_wait3A_103 : memref<128x128xf32, #tpu.memory_space<vmem_shared>>) dst(%arg13 : memref<128x128xf32, #tpu.memory_space<vmem>>)
      tpu.yield
    }) : () -> ()
    %scan3A_67 = arith.constant 0 : i32
    %scan3A_68 = arith.constant 0 : i32
    %scan3A_69 = arith.constant 128 : i32
    %scan3A_70 = arith.addi %scan3A_68, %scan3A_69 : i32
    %scan3A_71 = arith.constant 1 : i32
    %scan3A_72 = scf.for %scan3A_98 = %scan3A_68 to %scan3A_70 step %scan3A_71 iter_args(%scan3A_99 = %scan3A_67) -> (i32)  : i32 {
      %add3A_100 = arith.constant 256 : i32
      %add3A_101 = arith.addi %add3A_100, %scan3A_98 : i32
      %broadcast_in_dim3A_102 = vector.broadcast %add3A_101 : i32 to vector<16xi32>
      %gather3A = tpu.vector_load_idx %arg14[%broadcast_in_dim3A_102] : memref<640xf32, #tpu.memory_space<vmem>>[vector<16xi32>], vector<16xf32>,
      %get3A = arith.index_cast %scan3A_98 : i32 to index
      %get3A_103 = arith.constant 0 : index
      %get3A_104 = tpu.vector_load %arg13[%get3A, %get3A_103] {strides = array<i32>} : memref<128x128xf32, #tpu.memory_space<vmem>>, vector<16xf32>,
      %mul3A_105 = arith.mulf %get3A_104, %gather3A : vector<16xf32>
      %swap3A = arith.index_cast %scan3A_98 : i32 to index
      %swap3A_106 = arith.constant 0 : index
      %swap3A_107 = tpu.vector_load %arg13[%swap3A, %swap3A_106] {strides = array<i32>} : memref<128x128xf32, #tpu.memory_space<vmem>>, vector<16xf32>,
      tpu.vector_store %arg13[%swap3A, %swap3A_106], %mul3A_105 {strides = array<i32>} : memref<128x128xf32, #tpu.memory_space<vmem>>, vector<16xf32>,
      %get3A_108 = arith.index_cast %scan3A_98 : i32 to index
      %get3A_109 = arith.constant 16 : index
      %get3A_110 = tpu.vector_load %arg13[%get3A_108, %get3A_109] {strides = array<i32>} : memref<128x128xf32, #tpu.memory_space<vmem>>, vector<16xf32>,
      %mul3A_111 = arith.mulf %get3A_110, %gather3A : vector<16xf32>
      %swap3A_112 = arith.index_cast %scan3A_98 : i32 to index
      %swap3A_113 = arith.constant 16 : index
      %swap3A_114 = tpu.vector_load %arg13[%swap3A_112, %swap3A_113] {strides = array<i32>} : memref<128x128xf32, #tpu.memory_space<vmem>>, vector<16xf32>,
      tpu.vector_store %arg13[%swap3A_112, %swap3A_113], %mul3A_111 {strides = array<i32>} : memref<128x128xf32, #tpu.memory_space<vmem>>, vector<16xf32>,
      %get3A_115 = arith.index_cast %scan3A_98 : i32 to index
      %get3A_116 = arith.constant 32 : index
      %get3A_117 = tpu.vector_load %arg13[%get3A_115, %get3A_116] {strides = array<i32>} : memref<128x128xf32, #tpu.memory_space<vmem>>, vector<16xf32>,
      %mul3A_118 = arith.mulf %get3A_117, %gather3A : vector<16xf32>
      %swap3A_119 = arith.index_cast %scan3A_98 : i32 to index
      %swap3A_120 = arith.constant 32 : index
      %swap3A_121 = tpu.vector_load %arg13[%swap3A_119, %swap3A_120] {strides = array<i32>} : memref<128x128xf32, #tpu.memory_space<vmem>>, vector<16xf32>,
      tpu.vector_store %arg13[%swap3A_119, %swap3A_120], %mul3A_118 {strides = array<i32>} : memref<128x128xf32, #tpu.memory_space<vmem>>, vector<16xf32>,
      %get3A_122 = arith.index_cast %scan3A_98 : i32 to index
      %get3A_123 = arith.constant 48 : index
      %get3A_124 = tpu.vector_load %arg13[%get3A_122, %get3A_123] {strides = array<i32>} : memref<128x128xf32, #tpu.memory_space<vmem>>, vector<16xf32>,
      %mul3A_125 = arith.mulf %get3A_124, %gather3A : vector<16xf32>
      %swap3A_126 = arith.index_cast %scan3A_98 : i32 to index
      %swap3A_127 = arith.constant 48 : index
      %swap3A_128 = tpu.vector_load %arg13[%swap3A_126, %swap3A_127] {strides = array<i32>} : memref<128x128xf32, #tpu.memory_space<vmem>>, vector<16xf32>,
      tpu.vector_store %arg13[%swap3A_126, %swap3A_127], %mul3A_125 {strides = array<i32>} : memref<128x128xf32, #tpu.memory_space<vmem>>, vector<16xf32>,
      %get3A_129 = arith.index_cast %scan3A_98 : i32 to index
      %get3A_130 = arith.constant 64 : index
      %get3A_131 = tpu.vector_load %arg13[%get3A_129, %get3A_130] {strides = array<i32>} : memref<128x128xf32, #tpu.memory_space<vmem>>, vector<16xf32>,
      %mul3A_132 = arith.mulf %get3A_131, %gather3A : vector<16xf32>
      %swap3A_133 = arith.index_cast %scan3A_98 : i32 to index
      %swap3A_134 = arith.constant 64 : index
      %swap3A_135 = tpu.vector_load %arg13[%swap3A_133, %swap3A_134] {strides = array<i32>} : memref<128x128xf32, #tpu.memory_space<vmem>>, vector<16xf32>,
      tpu.vector_store %arg13[%swap3A_133, %swap3A_134], %mul3A_132 {strides = array<i32>} : memref<128x128xf32, #tpu.memory_space<vmem>>, vector<16xf32>,
      %get3A_136 = arith.index_cast %scan3A_98 : i32 to index
      %get3A_137 = arith.constant 80 : index
      %get3A_138 = tpu.vector_load %arg13[%get3A_136, %get3A_137] {strides = array<i32>} : memref<128x128xf32, #tpu.memory_space<vmem>>, vector<16xf32>,
      %mul3A_139 = arith.mulf %get3A_138, %gather3A : vector<16xf32>
      %swap3A_140 = arith.index_cast %scan3A_98 : i32 to index
      %swap3A_141 = arith.constant 80 : index
      %swap3A_142 = tpu.vector_load %arg13[%swap3A_140, %swap3A_141] {strides = array<i32>} : memref<128x128xf32, #tpu.memory_space<vmem>>, vector<16xf32>,
      tpu.vector_store %arg13[%swap3A_140, %swap3A_141], %mul3A_139 {strides = array<i32>} : memref<128x128xf32, #tpu.memory_space<vmem>>, vector<16xf32>,
      %get3A_143 = arith.index_cast %scan3A_98 : i32 to index
      %get3A_144 = arith.constant 96 : index
      %get3A_145 = tpu.vector_load %arg13[%get3A_143, %get3A_144] {strides = array<i32>} : memref<128x128xf32, #tpu.memory_space<vmem>>, vector<16xf32>,
      %mul3A_146 = arith.mulf %get3A_145, %gather3A : vector<16xf32>
      %swap3A_147 = arith.index_cast %scan3A_98 : i32 to index
      %swap3A_148 = arith.constant 96 : index
      %swap3A_149 = tpu.vector_load %arg13[%swap3A_147, %swap3A_148] {strides = array<i32>} : memref<128x128xf32, #tpu.memory_space<vmem>>, vector<16xf32>,
      tpu.vector_store %arg13[%swap3A_147, %swap3A_148], %mul3A_146 {strides = array<i32>} : memref<128x128xf32, #tpu.memory_space<vmem>>, vector<16xf32>,
      %get3A_150 = arith.index_cast %scan3A_98 : i32 to index
      %get3A_151 = arith.constant 112 : index
      %get3A_152 = tpu.vector_load %arg13[%get3A_150, %get3A_151] {strides = array<i32>} : memref<128x128xf32, #tpu.memory_space<vmem>>, vector<16xf32>,
      %mul3A_153 = arith.mulf %get3A_152, %gather3A : vector<16xf32>
      %swap3A_154 = arith.index_cast %scan3A_98 : i32 to index
      %swap3A_155 = arith.constant 112 : index
      %swap3A_156 = tpu.vector_load %arg13[%swap3A_154, %swap3A_155] {strides = array<i32>} : memref<128x128xf32, #tpu.memory_space<vmem>>, vector<16xf32>,
      tpu.vector_store %arg13[%swap3A_154, %swap3A_155], %mul3A_153 {strides = array<i32>} : memref<128x128xf32, #tpu.memory_space<vmem>>, vector<16xf32>,
      %scan3A_157 = arith.constant 0 : i32
      scf.yield %scan3A_157 : i32
    }
    %scan3A_73 = arith.constant 128 : i32
    %add3A_74 = arith.constant 256 : i32
    %add3A_75 = arith.addi %mul3A_14, %add3A_74 : i32
    "tpu.region"() ({
      %run_scoped3A = tpu.sem_alloc : memref<!tpu.dma_semaphore, #tpu.memory_space<semaphore_mem>>
      %dma_start3A = arith.constant 0 : i32
      %dma_start3A_98 = tpu.memref_slice %arg7[%arg0, %add3A_75, %dma_start3A] : memref<2x10240x128xf32, #tpu.memory_space<hbm>> -> memref<1x128x128xf32, #tpu.memory_space<hbm>>
      %dma_start3A_99 = tpu.memref_squeeze %dma_start3A_98 : memref<1x128x128xf32, #tpu.memory_space<hbm>> -> memref<128x128xf32, #tpu.memory_space<hbm>>
      %dma_start3A_100 = arith.constant 0 : i32
      %dma_start3A_101 = tpu.memref_slice %arg7[%arg0, %add3A_75, %dma_start3A_100] : memref<2x10240x128xf32, #tpu.memory_space<hbm>> -> memref<1x128x128xf32, #tpu.memory_space<hbm>>
      %dma_start3A_102 = tpu.memref_squeeze %dma_start3A_101 : memref<1x128x128xf32, #tpu.memory_space<hbm>> -> memref<128x128xf32, #tpu.memory_space<hbm>>
      tpu.enqueue_dma source(%arg13 : memref<128x128xf32, #tpu.memory_space<vmem>>) target(%dma_start3A_102 : memref<128x128xf32, #tpu.memory_space<hbm>>) target_semaphore(%run_scoped3A : memref<!tpu.dma_semaphore, #tpu.memory_space<semaphore_mem>>)
      %dma_wait3A = arith.constant 0 : i32
      %dma_wait3A_103 = tpu.memref_slice %arg7[%arg0, %add3A_75, %dma_wait3A] : memref<2x10240x128xf32, #tpu.memory_space<hbm>> -> memref<1x128x128xf32, #tpu.memory_space<hbm>>
      %dma_wait3A_104 = tpu.memref_squeeze %dma_wait3A_103 : memref<1x128x128xf32, #tpu.memory_space<hbm>> -> memref<128x128xf32, #tpu.memory_space<hbm>>
      %dma_wait3A_105 = arith.constant 0 : i32
      %dma_wait3A_106 = tpu.memref_slice %arg7[%arg0, %add3A_75, %dma_wait3A_105] : memref<2x10240x128xf32, #tpu.memory_space<hbm>> -> memref<1x128x128xf32, #tpu.memory_space<hbm>>
      %dma_wait3A_107 = tpu.memref_squeeze %dma_wait3A_106 : memref<1x128x128xf32, #tpu.memory_space<hbm>> -> memref<128x128xf32, #tpu.memory_space<hbm>>
      tpu.wait_dma2 semaphore(%run_scoped3A : memref<!tpu.dma_semaphore, #tpu.memory_space<semaphore_mem>>) src(%arg13 : memref<128x128xf32, #tpu.memory_space<vmem>>) dst(%dma_wait3A_107 : memref<128x128xf32, #tpu.memory_space<hbm>>)
      tpu.yield
    }) : () -> ()
    %add3A_76 = arith.constant 384 : i32
    %add3A_77 = arith.addi %mul3A_14, %add3A_76 : i32
    "tpu.region"() ({
      %run_scoped3A = tpu.sem_alloc : memref<!tpu.dma_semaphore, #tpu.memory_space<semaphore_mem>>
      %dma_start3A = arith.constant 0 : i32
      %dma_start3A_98 = tpu.memref_slice %arg15[%add3A_77, %dma_start3A] : memref<10240x128xf32, #tpu.memory_space<vmem_shared>> -> memref<128x128xf32, #tpu.memory_space<vmem_shared>>
      %dma_start3A_99 = arith.constant 0 : i32
      %dma_start3A_100 = tpu.memref_slice %arg15[%add3A_77, %dma_start3A_99] : memref<10240x128xf32, #tpu.memory_space<vmem_shared>> -> memref<128x128xf32, #tpu.memory_space<vmem_shared>>
      tpu.enqueue_dma source(%dma_start3A_100 : memref<128x128xf32, #tpu.memory_space<vmem_shared>>) target(%arg13 : memref<128x128xf32, #tpu.memory_space<vmem>>) target_semaphore(%run_scoped3A : memref<!tpu.dma_semaphore, #tpu.memory_space<semaphore_mem>>)
      %dma_wait3A = arith.constant 0 : i32
      %dma_wait3A_101 = tpu.memref_slice %arg15[%add3A_77, %dma_wait3A] : memref<10240x128xf32, #tpu.memory_space<vmem_shared>> -> memref<128x128xf32, #tpu.memory_space<vmem_shared>>
      %dma_wait3A_102 = arith.constant 0 : i32
      %dma_wait3A_103 = tpu.memref_slice %arg15[%add3A_77, %dma_wait3A_102] : memref<10240x128xf32, #tpu.memory_space<vmem_shared>> -> memref<128x128xf32, #tpu.memory_space<vmem_shared>>
      tpu.wait_dma2 semaphore(%run_scoped3A : memref<!tpu.dma_semaphore, #tpu.memory_space<semaphore_mem>>) src(%dma_wait3A_103 : memref<128x128xf32, #tpu.memory_space<vmem_shared>>) dst(%arg13 : memref<128x128xf32, #tpu.memory_space<vmem>>)
      tpu.yield
    }) : () -> ()
    %scan3A_78 = arith.constant 0 : i32
    %scan3A_79 = arith.constant 0 : i32
    %scan3A_80 = arith.constant 128 : i32
    %scan3A_81 = arith.addi %scan3A_79, %scan3A_80 : i32
    %scan3A_82 = arith.constant 1 : i32
    %scan3A_83 = scf.for %scan3A_98 = %scan3A_79 to %scan3A_81 step %scan3A_82 iter_args(%scan3A_99 = %scan3A_78) -> (i32)  : i32 {
      %add3A_100 = arith.constant 384 : i32
      %add3A_101 = arith.addi %add3A_100, %scan3A_98 : i32
      %broadcast_in_dim3A_102 = vector.broadcast %add3A_101 : i32 to vector<16xi32>
      %gather3A = tpu.vector_load_idx %arg14[%broadcast_in_dim3A_102] : memref<640xf32, #tpu.memory_space<vmem>>[vector<16xi32>], vector<16xf32>,
      %get3A = arith.index_cast %scan3A_98 : i32 to index
      %get3A_103 = arith.constant 0 : index
      %get3A_104 = tpu.vector_load %arg13[%get3A, %get3A_103] {strides = array<i32>} : memref<128x128xf32, #tpu.memory_space<vmem>>, vector<16xf32>,
      %mul3A_105 = arith.mulf %get3A_104, %gather3A : vector<16xf32>
      %swap3A = arith.index_cast %scan3A_98 : i32 to index
      %swap3A_106 = arith.constant 0 : index
      %swap3A_107 = tpu.vector_load %arg13[%swap3A, %swap3A_106] {strides = array<i32>} : memref<128x128xf32, #tpu.memory_space<vmem>>, vector<16xf32>,
      tpu.vector_store %arg13[%swap3A, %swap3A_106], %mul3A_105 {strides = array<i32>} : memref<128x128xf32, #tpu.memory_space<vmem>>, vector<16xf32>,
      %get3A_108 = arith.index_cast %scan3A_98 : i32 to index
      %get3A_109 = arith.constant 16 : index
      %get3A_110 = tpu.vector_load %arg13[%get3A_108, %get3A_109] {strides = array<i32>} : memref<128x128xf32, #tpu.memory_space<vmem>>, vector<16xf32>,
      %mul3A_111 = arith.mulf %get3A_110, %gather3A : vector<16xf32>
      %swap3A_112 = arith.index_cast %scan3A_98 : i32 to index
      %swap3A_113 = arith.constant 16 : index
      %swap3A_114 = tpu.vector_load %arg13[%swap3A_112, %swap3A_113] {strides = array<i32>} : memref<128x128xf32, #tpu.memory_space<vmem>>, vector<16xf32>,
      tpu.vector_store %arg13[%swap3A_112, %swap3A_113], %mul3A_111 {strides = array<i32>} : memref<128x128xf32, #tpu.memory_space<vmem>>, vector<16xf32>,
      %get3A_115 = arith.index_cast %scan3A_98 : i32 to index
      %get3A_116 = arith.constant 32 : index
      %get3A_117 = tpu.vector_load %arg13[%get3A_115, %get3A_116] {strides = array<i32>} : memref<128x128xf32, #tpu.memory_space<vmem>>, vector<16xf32>,
      %mul3A_118 = arith.mulf %get3A_117, %gather3A : vector<16xf32>
      %swap3A_119 = arith.index_cast %scan3A_98 : i32 to index
      %swap3A_120 = arith.constant 32 : index
      %swap3A_121 = tpu.vector_load %arg13[%swap3A_119, %swap3A_120] {strides = array<i32>} : memref<128x128xf32, #tpu.memory_space<vmem>>, vector<16xf32>,
      tpu.vector_store %arg13[%swap3A_119, %swap3A_120], %mul3A_118 {strides = array<i32>} : memref<128x128xf32, #tpu.memory_space<vmem>>, vector<16xf32>,
      %get3A_122 = arith.index_cast %scan3A_98 : i32 to index
      %get3A_123 = arith.constant 48 : index
      %get3A_124 = tpu.vector_load %arg13[%get3A_122, %get3A_123] {strides = array<i32>} : memref<128x128xf32, #tpu.memory_space<vmem>>, vector<16xf32>,
      %mul3A_125 = arith.mulf %get3A_124, %gather3A : vector<16xf32>
      %swap3A_126 = arith.index_cast %scan3A_98 : i32 to index
      %swap3A_127 = arith.constant 48 : index
      %swap3A_128 = tpu.vector_load %arg13[%swap3A_126, %swap3A_127] {strides = array<i32>} : memref<128x128xf32, #tpu.memory_space<vmem>>, vector<16xf32>,
      tpu.vector_store %arg13[%swap3A_126, %swap3A_127], %mul3A_125 {strides = array<i32>} : memref<128x128xf32, #tpu.memory_space<vmem>>, vector<16xf32>,
      %get3A_129 = arith.index_cast %scan3A_98 : i32 to index
      %get3A_130 = arith.constant 64 : index
      %get3A_131 = tpu.vector_load %arg13[%get3A_129, %get3A_130] {strides = array<i32>} : memref<128x128xf32, #tpu.memory_space<vmem>>, vector<16xf32>,
      %mul3A_132 = arith.mulf %get3A_131, %gather3A : vector<16xf32>
      %swap3A_133 = arith.index_cast %scan3A_98 : i32 to index
      %swap3A_134 = arith.constant 64 : index
      %swap3A_135 = tpu.vector_load %arg13[%swap3A_133, %swap3A_134] {strides = array<i32>} : memref<128x128xf32, #tpu.memory_space<vmem>>, vector<16xf32>,
      tpu.vector_store %arg13[%swap3A_133, %swap3A_134], %mul3A_132 {strides = array<i32>} : memref<128x128xf32, #tpu.memory_space<vmem>>, vector<16xf32>,
      %get3A_136 = arith.index_cast %scan3A_98 : i32 to index
      %get3A_137 = arith.constant 80 : index
      %get3A_138 = tpu.vector_load %arg13[%get3A_136, %get3A_137] {strides = array<i32>} : memref<128x128xf32, #tpu.memory_space<vmem>>, vector<16xf32>,
      %mul3A_139 = arith.mulf %get3A_138, %gather3A : vector<16xf32>
      %swap3A_140 = arith.index_cast %scan3A_98 : i32 to index
      %swap3A_141 = arith.constant 80 : index
      %swap3A_142 = tpu.vector_load %arg13[%swap3A_140, %swap3A_141] {strides = array<i32>} : memref<128x128xf32, #tpu.memory_space<vmem>>, vector<16xf32>,
      tpu.vector_store %arg13[%swap3A_140, %swap3A_141], %mul3A_139 {strides = array<i32>} : memref<128x128xf32, #tpu.memory_space<vmem>>, vector<16xf32>,
      %get3A_143 = arith.index_cast %scan3A_98 : i32 to index
      %get3A_144 = arith.constant 96 : index
      %get3A_145 = tpu.vector_load %arg13[%get3A_143, %get3A_144] {strides = array<i32>} : memref<128x128xf32, #tpu.memory_space<vmem>>, vector<16xf32>,
      %mul3A_146 = arith.mulf %get3A_145, %gather3A : vector<16xf32>
      %swap3A_147 = arith.index_cast %scan3A_98 : i32 to index
      %swap3A_148 = arith.constant 96 : index
      %swap3A_149 = tpu.vector_load %arg13[%swap3A_147, %swap3A_148] {strides = array<i32>} : memref<128x128xf32, #tpu.memory_space<vmem>>, vector<16xf32>,
      tpu.vector_store %arg13[%swap3A_147, %swap3A_148], %mul3A_146 {strides = array<i32>} : memref<128x128xf32, #tpu.memory_space<vmem>>, vector<16xf32>,
      %get3A_150 = arith.index_cast %scan3A_98 : i32 to index
      %get3A_151 = arith.constant 112 : index
      %get3A_152 = tpu.vector_load %arg13[%get3A_150, %get3A_151] {strides = array<i32>} : memref<128x128xf32, #tpu.memory_space<vmem>>, vector<16xf32>,
      %mul3A_153 = arith.mulf %get3A_152, %gather3A : vector<16xf32>
      %swap3A_154 = arith.index_cast %scan3A_98 : i32 to index
      %swap3A_155 = arith.constant 112 : index
      %swap3A_156 = tpu.vector_load %arg13[%swap3A_154, %swap3A_155] {strides = array<i32>} : memref<128x128xf32, #tpu.memory_space<vmem>>, vector<16xf32>,
      tpu.vector_store %arg13[%swap3A_154, %swap3A_155], %mul3A_153 {strides = array<i32>} : memref<128x128xf32, #tpu.memory_space<vmem>>, vector<16xf32>,
      %scan3A_157 = arith.constant 0 : i32
      scf.yield %scan3A_157 : i32
    }
    %scan3A_84 = arith.constant 128 : i32
    %add3A_85 = arith.constant 384 : i32
    %add3A_86 = arith.addi %mul3A_14, %add3A_85 : i32
    "tpu.region"() ({
      %run_scoped3A = tpu.sem_alloc : memref<!tpu.dma_semaphore, #tpu.memory_space<semaphore_mem>>
      %dma_start3A = arith.constant 0 : i32
      %dma_start3A_98 = tpu.memref_slice %arg7[%arg0, %add3A_86, %dma_start3A] : memref<2x10240x128xf32, #tpu.memory_space<hbm>> -> memref<1x128x128xf32, #tpu.memory_space<hbm>>
      %dma_start3A_99 = tpu.memref_squeeze %dma_start3A_98 : memref<1x128x128xf32, #tpu.memory_space<hbm>> -> memref<128x128xf32, #tpu.memory_space<hbm>>
      %dma_start3A_100 = arith.constant 0 : i32
      %dma_start3A_101 = tpu.memref_slice %arg7[%arg0, %add3A_86, %dma_start3A_100] : memref<2x10240x128xf32, #tpu.memory_space<hbm>> -> memref<1x128x128xf32, #tpu.memory_space<hbm>>
      %dma_start3A_102 = tpu.memref_squeeze %dma_start3A_101 : memref<1x128x128xf32, #tpu.memory_space<hbm>> -> memref<128x128xf32, #tpu.memory_space<hbm>>
      tpu.enqueue_dma source(%arg13 : memref<128x128xf32, #tpu.memory_space<vmem>>) target(%dma_start3A_102 : memref<128x128xf32, #tpu.memory_space<hbm>>) target_semaphore(%run_scoped3A : memref<!tpu.dma_semaphore, #tpu.memory_space<semaphore_mem>>)
      %dma_wait3A = arith.constant 0 : i32
      %dma_wait3A_103 = tpu.memref_slice %arg7[%arg0, %add3A_86, %dma_wait3A] : memref<2x10240x128xf32, #tpu.memory_space<hbm>> -> memref<1x128x128xf32, #tpu.memory_space<hbm>>
      %dma_wait3A_104 = tpu.memref_squeeze %dma_wait3A_103 : memref<1x128x128xf32, #tpu.memory_space<hbm>> -> memref<128x128xf32, #tpu.memory_space<hbm>>
      %dma_wait3A_105 = arith.constant 0 : i32
      %dma_wait3A_106 = tpu.memref_slice %arg7[%arg0, %add3A_86, %dma_wait3A_105] : memref<2x10240x128xf32, #tpu.memory_space<hbm>> -> memref<1x128x128xf32, #tpu.memory_space<hbm>>
      %dma_wait3A_107 = tpu.memref_squeeze %dma_wait3A_106 : memref<1x128x128xf32, #tpu.memory_space<hbm>> -> memref<128x128xf32, #tpu.memory_space<hbm>>
      tpu.wait_dma2 semaphore(%run_scoped3A : memref<!tpu.dma_semaphore, #tpu.memory_space<semaphore_mem>>) src(%arg13 : memref<128x128xf32, #tpu.memory_space<vmem>>) dst(%dma_wait3A_107 : memref<128x128xf32, #tpu.memory_space<hbm>>)
      tpu.yield
    }) : () -> ()
    %add3A_87 = arith.constant 512 : i32
    %add3A_88 = arith.addi %mul3A_14, %add3A_87 : i32
    "tpu.region"() ({
      %run_scoped3A = tpu.sem_alloc : memref<!tpu.dma_semaphore, #tpu.memory_space<semaphore_mem>>
      %dma_start3A = arith.constant 0 : i32
      %dma_start3A_98 = tpu.memref_slice %arg15[%add3A_88, %dma_start3A] : memref<10240x128xf32, #tpu.memory_space<vmem_shared>> -> memref<128x128xf32, #tpu.memory_space<vmem_shared>>
      %dma_start3A_99 = arith.constant 0 : i32
      %dma_start3A_100 = tpu.memref_slice %arg15[%add3A_88, %dma_start3A_99] : memref<10240x128xf32, #tpu.memory_space<vmem_shared>> -> memref<128x128xf32, #tpu.memory_space<vmem_shared>>
      tpu.enqueue_dma source(%dma_start3A_100 : memref<128x128xf32, #tpu.memory_space<vmem_shared>>) target(%arg13 : memref<128x128xf32, #tpu.memory_space<vmem>>) target_semaphore(%run_scoped3A : memref<!tpu.dma_semaphore, #tpu.memory_space<semaphore_mem>>)
      %dma_wait3A = arith.constant 0 : i32
      %dma_wait3A_101 = tpu.memref_slice %arg15[%add3A_88, %dma_wait3A] : memref<10240x128xf32, #tpu.memory_space<vmem_shared>> -> memref<128x128xf32, #tpu.memory_space<vmem_shared>>
      %dma_wait3A_102 = arith.constant 0 : i32
      %dma_wait3A_103 = tpu.memref_slice %arg15[%add3A_88, %dma_wait3A_102] : memref<10240x128xf32, #tpu.memory_space<vmem_shared>> -> memref<128x128xf32, #tpu.memory_space<vmem_shared>>
      tpu.wait_dma2 semaphore(%run_scoped3A : memref<!tpu.dma_semaphore, #tpu.memory_space<semaphore_mem>>) src(%dma_wait3A_103 : memref<128x128xf32, #tpu.memory_space<vmem_shared>>) dst(%arg13 : memref<128x128xf32, #tpu.memory_space<vmem>>)
      tpu.yield
    }) : () -> ()
    %scan3A_89 = arith.constant 0 : i32
    %scan3A_90 = arith.constant 0 : i32
    %scan3A_91 = arith.constant 128 : i32
    %scan3A_92 = arith.addi %scan3A_90, %scan3A_91 : i32
    %scan3A_93 = arith.constant 1 : i32
    %scan3A_94 = scf.for %scan3A_98 = %scan3A_90 to %scan3A_92 step %scan3A_93 iter_args(%scan3A_99 = %scan3A_89) -> (i32)  : i32 {
      %add3A_100 = arith.constant 512 : i32
      %add3A_101 = arith.addi %add3A_100, %scan3A_98 : i32
      %broadcast_in_dim3A_102 = vector.broadcast %add3A_101 : i32 to vector<16xi32>
      %gather3A = tpu.vector_load_idx %arg14[%broadcast_in_dim3A_102] : memref<640xf32, #tpu.memory_space<vmem>>[vector<16xi32>], vector<16xf32>,
      %get3A = arith.index_cast %scan3A_98 : i32 to index
      %get3A_103 = arith.constant 0 : index
      %get3A_104 = tpu.vector_load %arg13[%get3A, %get3A_103] {strides = array<i32>} : memref<128x128xf32, #tpu.memory_space<vmem>>, vector<16xf32>,
      %mul3A_105 = arith.mulf %get3A_104, %gather3A : vector<16xf32>
      %swap3A = arith.index_cast %scan3A_98 : i32 to index
      %swap3A_106 = arith.constant 0 : index
      %swap3A_107 = tpu.vector_load %arg13[%swap3A, %swap3A_106] {strides = array<i32>} : memref<128x128xf32, #tpu.memory_space<vmem>>, vector<16xf32>,
      tpu.vector_store %arg13[%swap3A, %swap3A_106], %mul3A_105 {strides = array<i32>} : memref<128x128xf32, #tpu.memory_space<vmem>>, vector<16xf32>,
      %get3A_108 = arith.index_cast %scan3A_98 : i32 to index
      %get3A_109 = arith.constant 16 : index
      %get3A_110 = tpu.vector_load %arg13[%get3A_108, %get3A_109] {strides = array<i32>} : memref<128x128xf32, #tpu.memory_space<vmem>>, vector<16xf32>,
      %mul3A_111 = arith.mulf %get3A_110, %gather3A : vector<16xf32>
      %swap3A_112 = arith.index_cast %scan3A_98 : i32 to index
      %swap3A_113 = arith.constant 16 : index
      %swap3A_114 = tpu.vector_load %arg13[%swap3A_112, %swap3A_113] {strides = array<i32>} : memref<128x128xf32, #tpu.memory_space<vmem>>, vector<16xf32>,
      tpu.vector_store %arg13[%swap3A_112, %swap3A_113], %mul3A_111 {strides = array<i32>} : memref<128x128xf32, #tpu.memory_space<vmem>>, vector<16xf32>,
      %get3A_115 = arith.index_cast %scan3A_98 : i32 to index
      %get3A_116 = arith.constant 32 : index
      %get3A_117 = tpu.vector_load %arg13[%get3A_115, %get3A_116] {strides = array<i32>} : memref<128x128xf32, #tpu.memory_space<vmem>>, vector<16xf32>,
      %mul3A_118 = arith.mulf %get3A_117, %gather3A : vector<16xf32>
      %swap3A_119 = arith.index_cast %scan3A_98 : i32 to index
      %swap3A_120 = arith.constant 32 : index
      %swap3A_121 = tpu.vector_load %arg13[%swap3A_119, %swap3A_120] {strides = array<i32>} : memref<128x128xf32, #tpu.memory_space<vmem>>, vector<16xf32>,
      tpu.vector_store %arg13[%swap3A_119, %swap3A_120], %mul3A_118 {strides = array<i32>} : memref<128x128xf32, #tpu.memory_space<vmem>>, vector<16xf32>,
      %get3A_122 = arith.index_cast %scan3A_98 : i32 to index
      %get3A_123 = arith.constant 48 : index
      %get3A_124 = tpu.vector_load %arg13[%get3A_122, %get3A_123] {strides = array<i32>} : memref<128x128xf32, #tpu.memory_space<vmem>>, vector<16xf32>,
      %mul3A_125 = arith.mulf %get3A_124, %gather3A : vector<16xf32>
      %swap3A_126 = arith.index_cast %scan3A_98 : i32 to index
      %swap3A_127 = arith.constant 48 : index
      %swap3A_128 = tpu.vector_load %arg13[%swap3A_126, %swap3A_127] {strides = array<i32>} : memref<128x128xf32, #tpu.memory_space<vmem>>, vector<16xf32>,
      tpu.vector_store %arg13[%swap3A_126, %swap3A_127], %mul3A_125 {strides = array<i32>} : memref<128x128xf32, #tpu.memory_space<vmem>>, vector<16xf32>,
      %get3A_129 = arith.index_cast %scan3A_98 : i32 to index
      %get3A_130 = arith.constant 64 : index
      %get3A_131 = tpu.vector_load %arg13[%get3A_129, %get3A_130] {strides = array<i32>} : memref<128x128xf32, #tpu.memory_space<vmem>>, vector<16xf32>,
      %mul3A_132 = arith.mulf %get3A_131, %gather3A : vector<16xf32>
      %swap3A_133 = arith.index_cast %scan3A_98 : i32 to index
      %swap3A_134 = arith.constant 64 : index
      %swap3A_135 = tpu.vector_load %arg13[%swap3A_133, %swap3A_134] {strides = array<i32>} : memref<128x128xf32, #tpu.memory_space<vmem>>, vector<16xf32>,
      tpu.vector_store %arg13[%swap3A_133, %swap3A_134], %mul3A_132 {strides = array<i32>} : memref<128x128xf32, #tpu.memory_space<vmem>>, vector<16xf32>,
      %get3A_136 = arith.index_cast %scan3A_98 : i32 to index
      %get3A_137 = arith.constant 80 : index
      %get3A_138 = tpu.vector_load %arg13[%get3A_136, %get3A_137] {strides = array<i32>} : memref<128x128xf32, #tpu.memory_space<vmem>>, vector<16xf32>,
      %mul3A_139 = arith.mulf %get3A_138, %gather3A : vector<16xf32>
      %swap3A_140 = arith.index_cast %scan3A_98 : i32 to index
      %swap3A_141 = arith.constant 80 : index
      %swap3A_142 = tpu.vector_load %arg13[%swap3A_140, %swap3A_141] {strides = array<i32>} : memref<128x128xf32, #tpu.memory_space<vmem>>, vector<16xf32>,
      tpu.vector_store %arg13[%swap3A_140, %swap3A_141], %mul3A_139 {strides = array<i32>} : memref<128x128xf32, #tpu.memory_space<vmem>>, vector<16xf32>,
      %get3A_143 = arith.index_cast %scan3A_98 : i32 to index
      %get3A_144 = arith.constant 96 : index
      %get3A_145 = tpu.vector_load %arg13[%get3A_143, %get3A_144] {strides = array<i32>} : memref<128x128xf32, #tpu.memory_space<vmem>>, vector<16xf32>,
      %mul3A_146 = arith.mulf %get3A_145, %gather3A : vector<16xf32>
      %swap3A_147 = arith.index_cast %scan3A_98 : i32 to index
      %swap3A_148 = arith.constant 96 : index
      %swap3A_149 = tpu.vector_load %arg13[%swap3A_147, %swap3A_148] {strides = array<i32>} : memref<128x128xf32, #tpu.memory_space<vmem>>, vector<16xf32>,
      tpu.vector_store %arg13[%swap3A_147, %swap3A_148], %mul3A_146 {strides = array<i32>} : memref<128x128xf32, #tpu.memory_space<vmem>>, vector<16xf32>,
      %get3A_150 = arith.index_cast %scan3A_98 : i32 to index
      %get3A_151 = arith.constant 112 : index
      %get3A_152 = tpu.vector_load %arg13[%get3A_150, %get3A_151] {strides = array<i32>} : memref<128x128xf32, #tpu.memory_space<vmem>>, vector<16xf32>,
      %mul3A_153 = arith.mulf %get3A_152, %gather3A : vector<16xf32>
      %swap3A_154 = arith.index_cast %scan3A_98 : i32 to index
      %swap3A_155 = arith.constant 112 : index
      %swap3A_156 = tpu.vector_load %arg13[%swap3A_154, %swap3A_155] {strides = array<i32>} : memref<128x128xf32, #tpu.memory_space<vmem>>, vector<16xf32>,
      tpu.vector_store %arg13[%swap3A_154, %swap3A_155], %mul3A_153 {strides = array<i32>} : memref<128x128xf32, #tpu.memory_space<vmem>>, vector<16xf32>,
      %scan3A_157 = arith.constant 0 : i32
      scf.yield %scan3A_157 : i32
    }
    %scan3A_95 = arith.constant 128 : i32
    %add3A_96 = arith.constant 512 : i32
    %add3A_97 = arith.addi %mul3A_14, %add3A_96 : i32
    "tpu.region"() ({
      %run_scoped3A = tpu.sem_alloc : memref<!tpu.dma_semaphore, #tpu.memory_space<semaphore_mem>>
      %dma_start3A = arith.constant 0 : i32
      %dma_start3A_98 = tpu.memref_slice %arg7[%arg0, %add3A_97, %dma_start3A] : memref<2x10240x128xf32, #tpu.memory_space<hbm>> -> memref<1x128x128xf32, #tpu.memory_space<hbm>>
      %dma_start3A_99 = tpu.memref_squeeze %dma_start3A_98 : memref<1x128x128xf32, #tpu.memory_space<hbm>> -> memref<128x128xf32, #tpu.memory_space<hbm>>
      %dma_start3A_100 = arith.constant 0 : i32
      %dma_start3A_101 = tpu.memref_slice %arg7[%arg0, %add3A_97, %dma_start3A_100] : memref<2x10240x128xf32, #tpu.memory_space<hbm>> -> memref<1x128x128xf32, #tpu.memory_space<hbm>>
      %dma_start3A_102 = tpu.memref_squeeze %dma_start3A_101 : memref<1x128x128xf32, #tpu.memory_space<hbm>> -> memref<128x128xf32, #tpu.memory_space<hbm>>
      tpu.enqueue_dma source(%arg13 : memref<128x128xf32, #tpu.memory_space<vmem>>) target(%dma_start3A_102 : memref<128x128xf32, #tpu.memory_space<hbm>>) target_semaphore(%run_scoped3A : memref<!tpu.dma_semaphore, #tpu.memory_space<semaphore_mem>>)
      %dma_wait3A = arith.constant 0 : i32
      %dma_wait3A_103 = tpu.memref_slice %arg7[%arg0, %add3A_97, %dma_wait3A] : memref<2x10240x128xf32, #tpu.memory_space<hbm>> -> memref<1x128x128xf32, #tpu.memory_space<hbm>>
      %dma_wait3A_104 = tpu.memref_squeeze %dma_wait3A_103 : memref<1x128x128xf32, #tpu.memory_space<hbm>> -> memref<128x128xf32, #tpu.memory_space<hbm>>
      %dma_wait3A_105 = arith.constant 0 : i32
      %dma_wait3A_106 = tpu.memref_slice %arg7[%arg0, %add3A_97, %dma_wait3A_105] : memref<2x10240x128xf32, #tpu.memory_space<hbm>> -> memref<1x128x128xf32, #tpu.memory_space<hbm>>
      %dma_wait3A_107 = tpu.memref_squeeze %dma_wait3A_106 : memref<1x128x128xf32, #tpu.memory_space<hbm>> -> memref<128x128xf32, #tpu.memory_space<hbm>>
      tpu.wait_dma2 semaphore(%run_scoped3A : memref<!tpu.dma_semaphore, #tpu.memory_space<semaphore_mem>>) src(%arg13 : memref<128x128xf32, #tpu.memory_space<vmem>>) dst(%dma_wait3A_107 : memref<128x128xf32, #tpu.memory_space<hbm>>)
      tpu.yield
    }) : () -> ()
    return
  }
}

#map = affine_map<(d0, d1) -> (0, 0)>
#map1 = affine_map<(d0, d1) -> (0)>
#map2 = affine_map<(d0, d1) -> (0, 0, 0, 0)>
#map3 = affine_map<(d0, d1) -> (0, 0, 0)>
module attributes {stable_mosaic.version = 14 : i64} {
  func.func @sc_gat(%arg0: i32, %arg1: i32, %arg2: memref<10000x128xf32, #tpu.memory_space<hbm>>, %arg3: memref<10000xf32, #tpu.memory_space<hbm>>, %arg4: memref<10000xf32, #tpu.memory_space<hbm>>, %arg5: memref<2x16x88x128xi32, #tpu.memory_space<hbm>>, %arg6: memref<2x16x88x128xi32, #tpu.memory_space<hbm>>, %arg7: memref<2x10240x128xf32, #tpu.memory_space<hbm>>, %arg8: memref<2x10240xf32, #tpu.memory_space<hbm>>, %arg9: memref<10000xf32, #tpu.memory_space<vmem>>, %arg10: memref<10000xf32, #tpu.memory_space<vmem>>, %arg11: memref<8x128xi32, #tpu.memory_space<vmem>>, %arg12: memref<8x128xi32, #tpu.memory_space<vmem>>, %arg13: memref<8x128xf32, #tpu.memory_space<vmem>>, %arg14: memref<128x128xf32, #tpu.memory_space<vmem>>, %arg15: memref<640xf32, #tpu.memory_space<vmem>>, %arg16: memref<10240x128xf32, #tpu.memory_space<vmem_shared>>, %arg17: memref<10240xf32, #tpu.memory_space<vmem_shared>>, %arg18: memref<!tpu.dma_semaphore, #tpu.memory_space<semaphore_mem>>) attributes {dimension_semantics = [#tpu.dimension_semantics<core_parallel>, #tpu.dimension_semantics<subcore_parallel>], iteration_bounds = array<i64: 2, 16>, scalar_prefetch = 0 : i64, scratch_operands = 10 : i64, tpu.core_type = #tpu.core_type<sc_vector_subcore>, window_params = [{transform_indices = #map}, {transform_indices = #map1}, {transform_indices = #map1}, {transform_indices = #map2}, {transform_indices = #map2}, {transform_indices = #map3}, {transform_indices = #map}]} {
    %broadcast_in_dim3A = arith.constant 0.000000e+00 : f32
    %broadcast_in_dim3A_0 = vector.broadcast %broadcast_in_dim3A : f32 to vector<16xf32>
    %scan3A = arith.constant 0 : i32
    %scan3A_1 = arith.constant 0 : i32
    %scan3A_2 = arith.constant 128 : i32
    %scan3A_3 = arith.addi %scan3A_1, %scan3A_2 : i32
    %scan3A_4 = arith.constant 1 : i32
    %scan3A_5 = scf.for %scan3A_47 = %scan3A_1 to %scan3A_3 step %scan3A_4 iter_args(%scan3A_48 = %scan3A) -> (i32)  : i32 {
      %swap3A = arith.index_cast %scan3A_47 : i32 to index
      %swap3A_49 = arith.constant 0 : index
      %swap3A_50 = tpu.vector_load %arg14[%swap3A, %swap3A_49] {strides = array<i32>} : memref<128x128xf32, #tpu.memory_space<vmem>>, vector<16xf32>,
      tpu.vector_store %arg14[%swap3A, %swap3A_49], %broadcast_in_dim3A_0 {strides = array<i32>} : memref<128x128xf32, #tpu.memory_space<vmem>>, vector<16xf32>,
      %swap3A_51 = arith.index_cast %scan3A_47 : i32 to index
      %swap3A_52 = arith.constant 16 : index
      %swap3A_53 = tpu.vector_load %arg14[%swap3A_51, %swap3A_52] {strides = array<i32>} : memref<128x128xf32, #tpu.memory_space<vmem>>, vector<16xf32>,
      tpu.vector_store %arg14[%swap3A_51, %swap3A_52], %broadcast_in_dim3A_0 {strides = array<i32>} : memref<128x128xf32, #tpu.memory_space<vmem>>, vector<16xf32>,
      %swap3A_54 = arith.index_cast %scan3A_47 : i32 to index
      %swap3A_55 = arith.constant 32 : index
      %swap3A_56 = tpu.vector_load %arg14[%swap3A_54, %swap3A_55] {strides = array<i32>} : memref<128x128xf32, #tpu.memory_space<vmem>>, vector<16xf32>,
      tpu.vector_store %arg14[%swap3A_54, %swap3A_55], %broadcast_in_dim3A_0 {strides = array<i32>} : memref<128x128xf32, #tpu.memory_space<vmem>>, vector<16xf32>,
      %swap3A_57 = arith.index_cast %scan3A_47 : i32 to index
      %swap3A_58 = arith.constant 48 : index
      %swap3A_59 = tpu.vector_load %arg14[%swap3A_57, %swap3A_58] {strides = array<i32>} : memref<128x128xf32, #tpu.memory_space<vmem>>, vector<16xf32>,
      tpu.vector_store %arg14[%swap3A_57, %swap3A_58], %broadcast_in_dim3A_0 {strides = array<i32>} : memref<128x128xf32, #tpu.memory_space<vmem>>, vector<16xf32>,
      %swap3A_60 = arith.index_cast %scan3A_47 : i32 to index
      %swap3A_61 = arith.constant 64 : index
      %swap3A_62 = tpu.vector_load %arg14[%swap3A_60, %swap3A_61] {strides = array<i32>} : memref<128x128xf32, #tpu.memory_space<vmem>>, vector<16xf32>,
      tpu.vector_store %arg14[%swap3A_60, %swap3A_61], %broadcast_in_dim3A_0 {strides = array<i32>} : memref<128x128xf32, #tpu.memory_space<vmem>>, vector<16xf32>,
      %swap3A_63 = arith.index_cast %scan3A_47 : i32 to index
      %swap3A_64 = arith.constant 80 : index
      %swap3A_65 = tpu.vector_load %arg14[%swap3A_63, %swap3A_64] {strides = array<i32>} : memref<128x128xf32, #tpu.memory_space<vmem>>, vector<16xf32>,
      tpu.vector_store %arg14[%swap3A_63, %swap3A_64], %broadcast_in_dim3A_0 {strides = array<i32>} : memref<128x128xf32, #tpu.memory_space<vmem>>, vector<16xf32>,
      %swap3A_66 = arith.index_cast %scan3A_47 : i32 to index
      %swap3A_67 = arith.constant 96 : index
      %swap3A_68 = tpu.vector_load %arg14[%swap3A_66, %swap3A_67] {strides = array<i32>} : memref<128x128xf32, #tpu.memory_space<vmem>>, vector<16xf32>,
      tpu.vector_store %arg14[%swap3A_66, %swap3A_67], %broadcast_in_dim3A_0 {strides = array<i32>} : memref<128x128xf32, #tpu.memory_space<vmem>>, vector<16xf32>,
      %swap3A_69 = arith.index_cast %scan3A_47 : i32 to index
      %swap3A_70 = arith.constant 112 : index
      %swap3A_71 = tpu.vector_load %arg14[%swap3A_69, %swap3A_70] {strides = array<i32>} : memref<128x128xf32, #tpu.memory_space<vmem>>, vector<16xf32>,
      tpu.vector_store %arg14[%swap3A_69, %swap3A_70], %broadcast_in_dim3A_0 {strides = array<i32>} : memref<128x128xf32, #tpu.memory_space<vmem>>, vector<16xf32>,
      %scan3A_72 = arith.constant 0 : i32
      scf.yield %scan3A_72 : i32
    }
    %scan3A_6 = arith.constant 128 : i32
    %scan3A_7 = arith.constant 0 : i32
    %scan3A_8 = arith.constant 0 : i32
    %scan3A_9 = arith.constant 40 : i32
    %scan3A_10 = arith.addi %scan3A_8, %scan3A_9 : i32
    %scan3A_11 = arith.constant 1 : i32
    %scan3A_12 = scf.for %scan3A_47 = %scan3A_8 to %scan3A_10 step %scan3A_11 iter_args(%scan3A_48 = %scan3A_7) -> (i32)  : i32 {
      %mul3A_49 = arith.constant 16 : i32
      %mul3A_50 = arith.muli %scan3A_47, %mul3A_49 : i32
      %swap3A = arith.index_cast %mul3A_50 : i32 to index
      %swap3A_51 = tpu.vector_load %arg15[%swap3A] {strides = array<i32>} : memref<640xf32, #tpu.memory_space<vmem>>, vector<16xf32>,
      tpu.vector_store %arg15[%swap3A], %broadcast_in_dim3A_0 {strides = array<i32>} : memref<640xf32, #tpu.memory_space<vmem>>, vector<16xf32>,
      %scan3A_52 = arith.constant 0 : i32
      scf.yield %scan3A_52 : i32
    }
    %scan3A_13 = arith.constant 40 : i32
    %mul3A = arith.constant 640 : i32
    %mul3A_14 = arith.muli %arg1, %mul3A : i32
    %add3A = arith.constant 0 : i32
    %add3A_15 = arith.addi %mul3A_14, %add3A : i32
    "tpu.region"() ({
      %run_scoped3A = tpu.sem_alloc : memref<!tpu.dma_semaphore, #tpu.memory_space<semaphore_mem>>
      %dma_start3A = arith.constant 0 : i32
      %dma_start3A_47 = tpu.memref_slice %arg16[%add3A_15, %dma_start3A] : memref<10240x128xf32, #tpu.memory_space<vmem_shared>> -> memref<128x128xf32, #tpu.memory_space<vmem_shared>>
      %dma_start3A_48 = arith.constant 0 : i32
      %dma_start3A_49 = tpu.memref_slice %arg16[%add3A_15, %dma_start3A_48] : memref<10240x128xf32, #tpu.memory_space<vmem_shared>> -> memref<128x128xf32, #tpu.memory_space<vmem_shared>>
      tpu.enqueue_dma source(%arg14 : memref<128x128xf32, #tpu.memory_space<vmem>>) target(%dma_start3A_49 : memref<128x128xf32, #tpu.memory_space<vmem_shared>>) target_semaphore(%run_scoped3A : memref<!tpu.dma_semaphore, #tpu.memory_space<semaphore_mem>>)
      %dma_wait3A = arith.constant 0 : i32
      %dma_wait3A_50 = tpu.memref_slice %arg16[%add3A_15, %dma_wait3A] : memref<10240x128xf32, #tpu.memory_space<vmem_shared>> -> memref<128x128xf32, #tpu.memory_space<vmem_shared>>
      %dma_wait3A_51 = arith.constant 0 : i32
      %dma_wait3A_52 = tpu.memref_slice %arg16[%add3A_15, %dma_wait3A_51] : memref<10240x128xf32, #tpu.memory_space<vmem_shared>> -> memref<128x128xf32, #tpu.memory_space<vmem_shared>>
      tpu.wait_dma2 semaphore(%run_scoped3A : memref<!tpu.dma_semaphore, #tpu.memory_space<semaphore_mem>>) src(%arg14 : memref<128x128xf32, #tpu.memory_space<vmem>>) dst(%dma_wait3A_52 : memref<128x128xf32, #tpu.memory_space<vmem_shared>>)
      tpu.yield
    }) : () -> ()
    %add3A_16 = arith.constant 128 : i32
    %add3A_17 = arith.addi %mul3A_14, %add3A_16 : i32
    "tpu.region"() ({
      %run_scoped3A = tpu.sem_alloc : memref<!tpu.dma_semaphore, #tpu.memory_space<semaphore_mem>>
      %dma_start3A = arith.constant 0 : i32
      %dma_start3A_47 = tpu.memref_slice %arg16[%add3A_17, %dma_start3A] : memref<10240x128xf32, #tpu.memory_space<vmem_shared>> -> memref<128x128xf32, #tpu.memory_space<vmem_shared>>
      %dma_start3A_48 = arith.constant 0 : i32
      %dma_start3A_49 = tpu.memref_slice %arg16[%add3A_17, %dma_start3A_48] : memref<10240x128xf32, #tpu.memory_space<vmem_shared>> -> memref<128x128xf32, #tpu.memory_space<vmem_shared>>
      tpu.enqueue_dma source(%arg14 : memref<128x128xf32, #tpu.memory_space<vmem>>) target(%dma_start3A_49 : memref<128x128xf32, #tpu.memory_space<vmem_shared>>) target_semaphore(%run_scoped3A : memref<!tpu.dma_semaphore, #tpu.memory_space<semaphore_mem>>)
      %dma_wait3A = arith.constant 0 : i32
      %dma_wait3A_50 = tpu.memref_slice %arg16[%add3A_17, %dma_wait3A] : memref<10240x128xf32, #tpu.memory_space<vmem_shared>> -> memref<128x128xf32, #tpu.memory_space<vmem_shared>>
      %dma_wait3A_51 = arith.constant 0 : i32
      %dma_wait3A_52 = tpu.memref_slice %arg16[%add3A_17, %dma_wait3A_51] : memref<10240x128xf32, #tpu.memory_space<vmem_shared>> -> memref<128x128xf32, #tpu.memory_space<vmem_shared>>
      tpu.wait_dma2 semaphore(%run_scoped3A : memref<!tpu.dma_semaphore, #tpu.memory_space<semaphore_mem>>) src(%arg14 : memref<128x128xf32, #tpu.memory_space<vmem>>) dst(%dma_wait3A_52 : memref<128x128xf32, #tpu.memory_space<vmem_shared>>)
      tpu.yield
    }) : () -> ()
    %add3A_18 = arith.constant 256 : i32
    %add3A_19 = arith.addi %mul3A_14, %add3A_18 : i32
    "tpu.region"() ({
      %run_scoped3A = tpu.sem_alloc : memref<!tpu.dma_semaphore, #tpu.memory_space<semaphore_mem>>
      %dma_start3A = arith.constant 0 : i32
      %dma_start3A_47 = tpu.memref_slice %arg16[%add3A_19, %dma_start3A] : memref<10240x128xf32, #tpu.memory_space<vmem_shared>> -> memref<128x128xf32, #tpu.memory_space<vmem_shared>>
      %dma_start3A_48 = arith.constant 0 : i32
      %dma_start3A_49 = tpu.memref_slice %arg16[%add3A_19, %dma_start3A_48] : memref<10240x128xf32, #tpu.memory_space<vmem_shared>> -> memref<128x128xf32, #tpu.memory_space<vmem_shared>>
      tpu.enqueue_dma source(%arg14 : memref<128x128xf32, #tpu.memory_space<vmem>>) target(%dma_start3A_49 : memref<128x128xf32, #tpu.memory_space<vmem_shared>>) target_semaphore(%run_scoped3A : memref<!tpu.dma_semaphore, #tpu.memory_space<semaphore_mem>>)
      %dma_wait3A = arith.constant 0 : i32
      %dma_wait3A_50 = tpu.memref_slice %arg16[%add3A_19, %dma_wait3A] : memref<10240x128xf32, #tpu.memory_space<vmem_shared>> -> memref<128x128xf32, #tpu.memory_space<vmem_shared>>
      %dma_wait3A_51 = arith.constant 0 : i32
      %dma_wait3A_52 = tpu.memref_slice %arg16[%add3A_19, %dma_wait3A_51] : memref<10240x128xf32, #tpu.memory_space<vmem_shared>> -> memref<128x128xf32, #tpu.memory_space<vmem_shared>>
      tpu.wait_dma2 semaphore(%run_scoped3A : memref<!tpu.dma_semaphore, #tpu.memory_space<semaphore_mem>>) src(%arg14 : memref<128x128xf32, #tpu.memory_space<vmem>>) dst(%dma_wait3A_52 : memref<128x128xf32, #tpu.memory_space<vmem_shared>>)
      tpu.yield
    }) : () -> ()
    %add3A_20 = arith.constant 384 : i32
    %add3A_21 = arith.addi %mul3A_14, %add3A_20 : i32
    "tpu.region"() ({
      %run_scoped3A = tpu.sem_alloc : memref<!tpu.dma_semaphore, #tpu.memory_space<semaphore_mem>>
      %dma_start3A = arith.constant 0 : i32
      %dma_start3A_47 = tpu.memref_slice %arg16[%add3A_21, %dma_start3A] : memref<10240x128xf32, #tpu.memory_space<vmem_shared>> -> memref<128x128xf32, #tpu.memory_space<vmem_shared>>
      %dma_start3A_48 = arith.constant 0 : i32
      %dma_start3A_49 = tpu.memref_slice %arg16[%add3A_21, %dma_start3A_48] : memref<10240x128xf32, #tpu.memory_space<vmem_shared>> -> memref<128x128xf32, #tpu.memory_space<vmem_shared>>
      tpu.enqueue_dma source(%arg14 : memref<128x128xf32, #tpu.memory_space<vmem>>) target(%dma_start3A_49 : memref<128x128xf32, #tpu.memory_space<vmem_shared>>) target_semaphore(%run_scoped3A : memref<!tpu.dma_semaphore, #tpu.memory_space<semaphore_mem>>)
      %dma_wait3A = arith.constant 0 : i32
      %dma_wait3A_50 = tpu.memref_slice %arg16[%add3A_21, %dma_wait3A] : memref<10240x128xf32, #tpu.memory_space<vmem_shared>> -> memref<128x128xf32, #tpu.memory_space<vmem_shared>>
      %dma_wait3A_51 = arith.constant 0 : i32
      %dma_wait3A_52 = tpu.memref_slice %arg16[%add3A_21, %dma_wait3A_51] : memref<10240x128xf32, #tpu.memory_space<vmem_shared>> -> memref<128x128xf32, #tpu.memory_space<vmem_shared>>
      tpu.wait_dma2 semaphore(%run_scoped3A : memref<!tpu.dma_semaphore, #tpu.memory_space<semaphore_mem>>) src(%arg14 : memref<128x128xf32, #tpu.memory_space<vmem>>) dst(%dma_wait3A_52 : memref<128x128xf32, #tpu.memory_space<vmem_shared>>)
      tpu.yield
    }) : () -> ()
    %add3A_22 = arith.constant 512 : i32
    %add3A_23 = arith.addi %mul3A_14, %add3A_22 : i32
    "tpu.region"() ({
      %run_scoped3A = tpu.sem_alloc : memref<!tpu.dma_semaphore, #tpu.memory_space<semaphore_mem>>
      %dma_start3A = arith.constant 0 : i32
      %dma_start3A_47 = tpu.memref_slice %arg16[%add3A_23, %dma_start3A] : memref<10240x128xf32, #tpu.memory_space<vmem_shared>> -> memref<128x128xf32, #tpu.memory_space<vmem_shared>>
      %dma_start3A_48 = arith.constant 0 : i32
      %dma_start3A_49 = tpu.memref_slice %arg16[%add3A_23, %dma_start3A_48] : memref<10240x128xf32, #tpu.memory_space<vmem_shared>> -> memref<128x128xf32, #tpu.memory_space<vmem_shared>>
      tpu.enqueue_dma source(%arg14 : memref<128x128xf32, #tpu.memory_space<vmem>>) target(%dma_start3A_49 : memref<128x128xf32, #tpu.memory_space<vmem_shared>>) target_semaphore(%run_scoped3A : memref<!tpu.dma_semaphore, #tpu.memory_space<semaphore_mem>>)
      %dma_wait3A = arith.constant 0 : i32
      %dma_wait3A_50 = tpu.memref_slice %arg16[%add3A_23, %dma_wait3A] : memref<10240x128xf32, #tpu.memory_space<vmem_shared>> -> memref<128x128xf32, #tpu.memory_space<vmem_shared>>
      %dma_wait3A_51 = arith.constant 0 : i32
      %dma_wait3A_52 = tpu.memref_slice %arg16[%add3A_23, %dma_wait3A_51] : memref<10240x128xf32, #tpu.memory_space<vmem_shared>> -> memref<128x128xf32, #tpu.memory_space<vmem_shared>>
      tpu.wait_dma2 semaphore(%run_scoped3A : memref<!tpu.dma_semaphore, #tpu.memory_space<semaphore_mem>>) src(%arg14 : memref<128x128xf32, #tpu.memory_space<vmem>>) dst(%dma_wait3A_52 : memref<128x128xf32, #tpu.memory_space<vmem_shared>>)
      tpu.yield
    }) : () -> ()
    "tpu.region"() ({
      %run_scoped3A = tpu.sem_alloc : memref<!tpu.dma_semaphore, #tpu.memory_space<semaphore_mem>>
      %dma_start3A = tpu.memref_slice %arg17[%mul3A_14] : memref<10240xf32, #tpu.memory_space<vmem_shared>> -> memref<640xf32, #tpu.memory_space<vmem_shared>>
      %dma_start3A_47 = tpu.memref_slice %arg17[%mul3A_14] : memref<10240xf32, #tpu.memory_space<vmem_shared>> -> memref<640xf32, #tpu.memory_space<vmem_shared>>
      tpu.enqueue_dma source(%arg15 : memref<640xf32, #tpu.memory_space<vmem>>) target(%dma_start3A_47 : memref<640xf32, #tpu.memory_space<vmem_shared>>) target_semaphore(%run_scoped3A : memref<!tpu.dma_semaphore, #tpu.memory_space<semaphore_mem>>)
      %dma_wait3A = tpu.memref_slice %arg17[%mul3A_14] : memref<10240xf32, #tpu.memory_space<vmem_shared>> -> memref<640xf32, #tpu.memory_space<vmem_shared>>
      %dma_wait3A_48 = tpu.memref_slice %arg17[%mul3A_14] : memref<10240xf32, #tpu.memory_space<vmem_shared>> -> memref<640xf32, #tpu.memory_space<vmem_shared>>
      tpu.wait_dma2 semaphore(%run_scoped3A : memref<!tpu.dma_semaphore, #tpu.memory_space<semaphore_mem>>) src(%arg15 : memref<640xf32, #tpu.memory_space<vmem>>) dst(%dma_wait3A_48 : memref<640xf32, #tpu.memory_space<vmem_shared>>)
      tpu.yield
    }) : () -> ()
    "tpu.region"() ({
      %run_scoped3A = tpu.sem_alloc : memref<!tpu.dma_semaphore, #tpu.memory_space<semaphore_mem>>
      tpu.enqueue_dma source(%arg3 : memref<10000xf32, #tpu.memory_space<hbm>>) target(%arg9 : memref<10000xf32, #tpu.memory_space<vmem>>) target_semaphore(%run_scoped3A : memref<!tpu.dma_semaphore, #tpu.memory_space<semaphore_mem>>)
      tpu.wait_dma2 semaphore(%run_scoped3A : memref<!tpu.dma_semaphore, #tpu.memory_space<semaphore_mem>>) src(%arg3 : memref<10000xf32, #tpu.memory_space<hbm>>) dst(%arg9 : memref<10000xf32, #tpu.memory_space<vmem>>)
      tpu.yield
    }) : () -> ()
    "tpu.region"() ({
      %run_scoped3A = tpu.sem_alloc : memref<!tpu.dma_semaphore, #tpu.memory_space<semaphore_mem>>
      tpu.enqueue_dma source(%arg4 : memref<10000xf32, #tpu.memory_space<hbm>>) target(%arg10 : memref<10000xf32, #tpu.memory_space<vmem>>) target_semaphore(%run_scoped3A : memref<!tpu.dma_semaphore, #tpu.memory_space<semaphore_mem>>)
      tpu.wait_dma2 semaphore(%run_scoped3A : memref<!tpu.dma_semaphore, #tpu.memory_space<semaphore_mem>>) src(%arg4 : memref<10000xf32, #tpu.memory_space<hbm>>) dst(%arg10 : memref<10000xf32, #tpu.memory_space<vmem>>)
      tpu.yield
    }) : () -> ()
    %barrier3A = arith.constant 0 : index
    tpu.barrier barrier_id(%barrier3A)
    %mul3A_24 = arith.constant 16 : i32
    %mul3A_25 = arith.muli %arg0, %mul3A_24 : i32
    %add3A_26 = arith.addi %mul3A_25, %arg1 : i32
    %mul3A_27 = arith.constant 11264 : i32
    %mul3A_28 = arith.muli %add3A_26, %mul3A_27 : i32
    %iota3A = tpu.iota {dimensions = array<i32: 0>} : vector<16xi32>
    %scan3A_29 = arith.constant 0 : i32
    %scan3A_30 = arith.constant 0 : i32
    %scan3A_31 = arith.constant 11 : i32
    %scan3A_32 = arith.addi %scan3A_30, %scan3A_31 : i32
    %scan3A_33 = arith.constant 1 : i32
    %scan3A_34 = scf.for %scan3A_47 = %scan3A_30 to %scan3A_32 step %scan3A_33 iter_args(%scan3A_48 = %scan3A_29) -> (i32)  : i32 {
      %mul3A_49 = arith.constant 8 : i32
      %mul3A_50 = arith.muli %scan3A_47, %mul3A_49 : i32
      "tpu.region"() ({
        %run_scoped3A = tpu.sem_alloc : memref<!tpu.dma_semaphore, #tpu.memory_space<semaphore_mem>>
        %dma_start3A = arith.constant 0 : i32
        %dma_start3A_61 = tpu.memref_slice %arg5[%arg0, %arg1, %mul3A_50, %dma_start3A] : memref<2x16x88x128xi32, #tpu.memory_space<hbm>> -> memref<1x1x8x128xi32, #tpu.memory_space<hbm>>
        %dma_start3A_62 = tpu.memref_squeeze %dma_start3A_61 : memref<1x1x8x128xi32, #tpu.memory_space<hbm>> -> memref<8x128xi32, #tpu.memory_space<hbm>>
        %dma_start3A_63 = arith.constant 0 : i32
        %dma_start3A_64 = tpu.memref_slice %arg5[%arg0, %arg1, %mul3A_50, %dma_start3A_63] : memref<2x16x88x128xi32, #tpu.memory_space<hbm>> -> memref<1x1x8x128xi32, #tpu.memory_space<hbm>>
        %dma_start3A_65 = tpu.memref_squeeze %dma_start3A_64 : memref<1x1x8x128xi32, #tpu.memory_space<hbm>> -> memref<8x128xi32, #tpu.memory_space<hbm>>
        tpu.enqueue_dma source(%dma_start3A_65 : memref<8x128xi32, #tpu.memory_space<hbm>>) target(%arg11 : memref<8x128xi32, #tpu.memory_space<vmem>>) target_semaphore(%run_scoped3A : memref<!tpu.dma_semaphore, #tpu.memory_space<semaphore_mem>>)
        %dma_wait3A = arith.constant 0 : i32
        %dma_wait3A_66 = tpu.memref_slice %arg5[%arg0, %arg1, %mul3A_50, %dma_wait3A] : memref<2x16x88x128xi32, #tpu.memory_space<hbm>> -> memref<1x1x8x128xi32, #tpu.memory_space<hbm>>
        %dma_wait3A_67 = tpu.memref_squeeze %dma_wait3A_66 : memref<1x1x8x128xi32, #tpu.memory_space<hbm>> -> memref<8x128xi32, #tpu.memory_space<hbm>>
        %dma_wait3A_68 = arith.constant 0 : i32
        %dma_wait3A_69 = tpu.memref_slice %arg5[%arg0, %arg1, %mul3A_50, %dma_wait3A_68] : memref<2x16x88x128xi32, #tpu.memory_space<hbm>> -> memref<1x1x8x128xi32, #tpu.memory_space<hbm>>
        %dma_wait3A_70 = tpu.memref_squeeze %dma_wait3A_69 : memref<1x1x8x128xi32, #tpu.memory_space<hbm>> -> memref<8x128xi32, #tpu.memory_space<hbm>>
        tpu.wait_dma2 semaphore(%run_scoped3A : memref<!tpu.dma_semaphore, #tpu.memory_space<semaphore_mem>>) src(%dma_wait3A_70 : memref<8x128xi32, #tpu.memory_space<hbm>>) dst(%arg11 : memref<8x128xi32, #tpu.memory_space<vmem>>)
        tpu.yield
      }) : () -> ()
      %mul3A_51 = arith.constant 8 : i32
      %mul3A_52 = arith.muli %scan3A_47, %mul3A_51 : i32
      "tpu.region"() ({
        %run_scoped3A = tpu.sem_alloc : memref<!tpu.dma_semaphore, #tpu.memory_space<semaphore_mem>>
        %dma_start3A = arith.constant 0 : i32
        %dma_start3A_61 = tpu.memref_slice %arg6[%arg0, %arg1, %mul3A_52, %dma_start3A] : memref<2x16x88x128xi32, #tpu.memory_space<hbm>> -> memref<1x1x8x128xi32, #tpu.memory_space<hbm>>
        %dma_start3A_62 = tpu.memref_squeeze %dma_start3A_61 : memref<1x1x8x128xi32, #tpu.memory_space<hbm>> -> memref<8x128xi32, #tpu.memory_space<hbm>>
        %dma_start3A_63 = arith.constant 0 : i32
        %dma_start3A_64 = tpu.memref_slice %arg6[%arg0, %arg1, %mul3A_52, %dma_start3A_63] : memref<2x16x88x128xi32, #tpu.memory_space<hbm>> -> memref<1x1x8x128xi32, #tpu.memory_space<hbm>>
        %dma_start3A_65 = tpu.memref_squeeze %dma_start3A_64 : memref<1x1x8x128xi32, #tpu.memory_space<hbm>> -> memref<8x128xi32, #tpu.memory_space<hbm>>
        tpu.enqueue_dma source(%dma_start3A_65 : memref<8x128xi32, #tpu.memory_space<hbm>>) target(%arg12 : memref<8x128xi32, #tpu.memory_space<vmem>>) target_semaphore(%run_scoped3A : memref<!tpu.dma_semaphore, #tpu.memory_space<semaphore_mem>>)
        %dma_wait3A = arith.constant 0 : i32
        %dma_wait3A_66 = tpu.memref_slice %arg6[%arg0, %arg1, %mul3A_52, %dma_wait3A] : memref<2x16x88x128xi32, #tpu.memory_space<hbm>> -> memref<1x1x8x128xi32, #tpu.memory_space<hbm>>
        %dma_wait3A_67 = tpu.memref_squeeze %dma_wait3A_66 : memref<1x1x8x128xi32, #tpu.memory_space<hbm>> -> memref<8x128xi32, #tpu.memory_space<hbm>>
        %dma_wait3A_68 = arith.constant 0 : i32
        %dma_wait3A_69 = tpu.memref_slice %arg6[%arg0, %arg1, %mul3A_52, %dma_wait3A_68] : memref<2x16x88x128xi32, #tpu.memory_space<hbm>> -> memref<1x1x8x128xi32, #tpu.memory_space<hbm>>
        %dma_wait3A_70 = tpu.memref_squeeze %dma_wait3A_69 : memref<1x1x8x128xi32, #tpu.memory_space<hbm>> -> memref<8x128xi32, #tpu.memory_space<hbm>>
        tpu.wait_dma2 semaphore(%run_scoped3A : memref<!tpu.dma_semaphore, #tpu.memory_space<semaphore_mem>>) src(%dma_wait3A_70 : memref<8x128xi32, #tpu.memory_space<hbm>>) dst(%arg12 : memref<8x128xi32, #tpu.memory_space<vmem>>)
        tpu.yield
      }) : () -> ()
      %scan3A_53 = arith.constant 0 : i32
      %scan3A_54 = arith.constant 0 : i32
      %scan3A_55 = arith.constant 8 : i32
      %scan3A_56 = arith.addi %scan3A_54, %scan3A_55 : i32
      %scan3A_57 = arith.constant 1 : i32
      %scan3A_58 = scf.for %scan3A_61 = %scan3A_54 to %scan3A_56 step %scan3A_57 iter_args(%scan3A_62 = %scan3A_53) -> (i32)  : i32 {
        %get3A = arith.index_cast %scan3A_61 : i32 to index
        %get3A_63 = arith.constant 0 : index
        %get3A_64 = tpu.vector_load %arg11[%get3A, %get3A_63] {strides = array<i32>} : memref<8x128xi32, #tpu.memory_space<vmem>>, vector<16xi32>,
        %get3A_65 = arith.index_cast %scan3A_61 : i32 to index
        %get3A_66 = arith.constant 0 : index
        %get3A_67 = tpu.vector_load %arg12[%get3A_65, %get3A_66] {strides = array<i32>} : memref<8x128xi32, #tpu.memory_space<vmem>>, vector<16xi32>,
        %gather3A = tpu.vector_load_idx %arg9[%get3A_64] : memref<10000xf32, #tpu.memory_space<vmem>>[vector<16xi32>], vector<16xf32>,
        %gather3A_68 = tpu.vector_load_idx %arg10[%get3A_67] : memref<10000xf32, #tpu.memory_space<vmem>>[vector<16xi32>], vector<16xf32>,
        %add3A_69 = arith.addf %gather3A, %gather3A_68 : vector<16xf32>
        %mul3A_70 = arith.constant 2.000000e-01 : f32
        %mul3A_71 = vector.broadcast %mul3A_70 : f32 to vector<16xf32>
        %mul3A_72 = arith.mulf %mul3A_71, %add3A_69 : vector<16xf32>
        %max3A = arith.maximumf %add3A_69, %mul3A_72 : vector<16xf32>
        %exp3A = math.exp %max3A : vector<16xf32>
        %mul3A_73 = arith.constant 8 : i32
        %mul3A_74 = arith.muli %scan3A_47, %mul3A_73 : i32
        %add3A_75 = arith.addi %mul3A_74, %scan3A_61 : i32
        %mul3A_76 = arith.constant 128 : i32
        %mul3A_77 = arith.muli %add3A_75, %mul3A_76 : i32
        %add3A_78 = arith.addi %mul3A_28, %mul3A_77 : i32
        %add3A_79 = arith.constant 0 : i32
        %add3A_80 = arith.addi %add3A_78, %add3A_79 : i32
        %add3A_81 = vector.broadcast %add3A_80 : i32 to vector<16xi32>
        %add3A_82 = arith.addi %add3A_81, %iota3A : vector<16xi32>
        %lt3A = arith.constant 330000 : i32
        %lt3A_83 = vector.broadcast %lt3A : i32 to vector<16xi32>
        %lt3A_84 = arith.cmpi slt, %add3A_82, %lt3A_83 : vector<16xi32>
        %jit3A = arith.constant 0.000000e+00 : f32
        %broadcast_in_dim3A_85 = vector.broadcast %jit3A : f32 to vector<16xf32>
        %select_n3A = arith.select %lt3A_84, %exp3A, %broadcast_in_dim3A_85 : vector<16xi1>, vector<16xf32>
        %swap3A = arith.index_cast %scan3A_61 : i32 to index
        %swap3A_86 = arith.constant 0 : index
        %swap3A_87 = tpu.vector_load %arg13[%swap3A, %swap3A_86] {strides = array<i32>} : memref<8x128xf32, #tpu.memory_space<vmem>>, vector<16xf32>,
        tpu.vector_store %arg13[%swap3A, %swap3A_86], %select_n3A {strides = array<i32>} : memref<8x128xf32, #tpu.memory_space<vmem>>, vector<16xf32>,
        %get3A_88 = arith.index_cast %scan3A_61 : i32 to index
        %get3A_89 = arith.constant 16 : index
        %get3A_90 = tpu.vector_load %arg11[%get3A_88, %get3A_89] {strides = array<i32>} : memref<8x128xi32, #tpu.memory_space<vmem>>, vector<16xi32>,
        %get3A_91 = arith.index_cast %scan3A_61 : i32 to index
        %get3A_92 = arith.constant 16 : index
        %get3A_93 = tpu.vector_load %arg12[%get3A_91, %get3A_92] {strides = array<i32>} : memref<8x128xi32, #tpu.memory_space<vmem>>, vector<16xi32>,
        %gather3A_94 = tpu.vector_load_idx %arg9[%get3A_90] : memref<10000xf32, #tpu.memory_space<vmem>>[vector<16xi32>], vector<16xf32>,
        %gather3A_95 = tpu.vector_load_idx %arg10[%get3A_93] : memref<10000xf32, #tpu.memory_space<vmem>>[vector<16xi32>], vector<16xf32>,
        %add3A_96 = arith.addf %gather3A_94, %gather3A_95 : vector<16xf32>
        %mul3A_97 = arith.constant 2.000000e-01 : f32
        %mul3A_98 = vector.broadcast %mul3A_97 : f32 to vector<16xf32>
        %mul3A_99 = arith.mulf %mul3A_98, %add3A_96 : vector<16xf32>
        %max3A_100 = arith.maximumf %add3A_96, %mul3A_99 : vector<16xf32>
        %exp3A_101 = math.exp %max3A_100 : vector<16xf32>
        %mul3A_102 = arith.constant 8 : i32
        %mul3A_103 = arith.muli %scan3A_47, %mul3A_102 : i32
        %add3A_104 = arith.addi %mul3A_103, %scan3A_61 : i32
        %mul3A_105 = arith.constant 128 : i32
        %mul3A_106 = arith.muli %add3A_104, %mul3A_105 : i32
        %add3A_107 = arith.addi %mul3A_28, %mul3A_106 : i32
        %add3A_108 = arith.constant 16 : i32
        %add3A_109 = arith.addi %add3A_107, %add3A_108 : i32
        %add3A_110 = vector.broadcast %add3A_109 : i32 to vector<16xi32>
        %add3A_111 = arith.addi %add3A_110, %iota3A : vector<16xi32>
        %lt3A_112 = arith.constant 330000 : i32
        %lt3A_113 = vector.broadcast %lt3A_112 : i32 to vector<16xi32>
        %lt3A_114 = arith.cmpi slt, %add3A_111, %lt3A_113 : vector<16xi32>
        %jit3A_115 = arith.constant 0.000000e+00 : f32
        %broadcast_in_dim3A_116 = vector.broadcast %jit3A_115 : f32 to vector<16xf32>
        %select_n3A_117 = arith.select %lt3A_114, %exp3A_101, %broadcast_in_dim3A_116 : vector<16xi1>, vector<16xf32>
        %swap3A_118 = arith.index_cast %scan3A_61 : i32 to index
        %swap3A_119 = arith.constant 16 : index
        %swap3A_120 = tpu.vector_load %arg13[%swap3A_118, %swap3A_119] {strides = array<i32>} : memref<8x128xf32, #tpu.memory_space<vmem>>, vector<16xf32>,
        tpu.vector_store %arg13[%swap3A_118, %swap3A_119], %select_n3A_117 {strides = array<i32>} : memref<8x128xf32, #tpu.memory_space<vmem>>, vector<16xf32>,
        %get3A_121 = arith.index_cast %scan3A_61 : i32 to index
        %get3A_122 = arith.constant 32 : index
        %get3A_123 = tpu.vector_load %arg11[%get3A_121, %get3A_122] {strides = array<i32>} : memref<8x128xi32, #tpu.memory_space<vmem>>, vector<16xi32>,
        %get3A_124 = arith.index_cast %scan3A_61 : i32 to index
        %get3A_125 = arith.constant 32 : index
        %get3A_126 = tpu.vector_load %arg12[%get3A_124, %get3A_125] {strides = array<i32>} : memref<8x128xi32, #tpu.memory_space<vmem>>, vector<16xi32>,
        %gather3A_127 = tpu.vector_load_idx %arg9[%get3A_123] : memref<10000xf32, #tpu.memory_space<vmem>>[vector<16xi32>], vector<16xf32>,
        %gather3A_128 = tpu.vector_load_idx %arg10[%get3A_126] : memref<10000xf32, #tpu.memory_space<vmem>>[vector<16xi32>], vector<16xf32>,
        %add3A_129 = arith.addf %gather3A_127, %gather3A_128 : vector<16xf32>
        %mul3A_130 = arith.constant 2.000000e-01 : f32
        %mul3A_131 = vector.broadcast %mul3A_130 : f32 to vector<16xf32>
        %mul3A_132 = arith.mulf %mul3A_131, %add3A_129 : vector<16xf32>
        %max3A_133 = arith.maximumf %add3A_129, %mul3A_132 : vector<16xf32>
        %exp3A_134 = math.exp %max3A_133 : vector<16xf32>
        %mul3A_135 = arith.constant 8 : i32
        %mul3A_136 = arith.muli %scan3A_47, %mul3A_135 : i32
        %add3A_137 = arith.addi %mul3A_136, %scan3A_61 : i32
        %mul3A_138 = arith.constant 128 : i32
        %mul3A_139 = arith.muli %add3A_137, %mul3A_138 : i32
        %add3A_140 = arith.addi %mul3A_28, %mul3A_139 : i32
        %add3A_141 = arith.constant 32 : i32
        %add3A_142 = arith.addi %add3A_140, %add3A_141 : i32
        %add3A_143 = vector.broadcast %add3A_142 : i32 to vector<16xi32>
        %add3A_144 = arith.addi %add3A_143, %iota3A : vector<16xi32>
        %lt3A_145 = arith.constant 330000 : i32
        %lt3A_146 = vector.broadcast %lt3A_145 : i32 to vector<16xi32>
        %lt3A_147 = arith.cmpi slt, %add3A_144, %lt3A_146 : vector<16xi32>
        %jit3A_148 = arith.constant 0.000000e+00 : f32
        %broadcast_in_dim3A_149 = vector.broadcast %jit3A_148 : f32 to vector<16xf32>
        %select_n3A_150 = arith.select %lt3A_147, %exp3A_134, %broadcast_in_dim3A_149 : vector<16xi1>, vector<16xf32>
        %swap3A_151 = arith.index_cast %scan3A_61 : i32 to index
        %swap3A_152 = arith.constant 32 : index
        %swap3A_153 = tpu.vector_load %arg13[%swap3A_151, %swap3A_152] {strides = array<i32>} : memref<8x128xf32, #tpu.memory_space<vmem>>, vector<16xf32>,
        tpu.vector_store %arg13[%swap3A_151, %swap3A_152], %select_n3A_150 {strides = array<i32>} : memref<8x128xf32, #tpu.memory_space<vmem>>, vector<16xf32>,
        %get3A_154 = arith.index_cast %scan3A_61 : i32 to index
        %get3A_155 = arith.constant 48 : index
        %get3A_156 = tpu.vector_load %arg11[%get3A_154, %get3A_155] {strides = array<i32>} : memref<8x128xi32, #tpu.memory_space<vmem>>, vector<16xi32>,
        %get3A_157 = arith.index_cast %scan3A_61 : i32 to index
        %get3A_158 = arith.constant 48 : index
        %get3A_159 = tpu.vector_load %arg12[%get3A_157, %get3A_158] {strides = array<i32>} : memref<8x128xi32, #tpu.memory_space<vmem>>, vector<16xi32>,
        %gather3A_160 = tpu.vector_load_idx %arg9[%get3A_156] : memref<10000xf32, #tpu.memory_space<vmem>>[vector<16xi32>], vector<16xf32>,
        %gather3A_161 = tpu.vector_load_idx %arg10[%get3A_159] : memref<10000xf32, #tpu.memory_space<vmem>>[vector<16xi32>], vector<16xf32>,
        %add3A_162 = arith.addf %gather3A_160, %gather3A_161 : vector<16xf32>
        %mul3A_163 = arith.constant 2.000000e-01 : f32
        %mul3A_164 = vector.broadcast %mul3A_163 : f32 to vector<16xf32>
        %mul3A_165 = arith.mulf %mul3A_164, %add3A_162 : vector<16xf32>
        %max3A_166 = arith.maximumf %add3A_162, %mul3A_165 : vector<16xf32>
        %exp3A_167 = math.exp %max3A_166 : vector<16xf32>
        %mul3A_168 = arith.constant 8 : i32
        %mul3A_169 = arith.muli %scan3A_47, %mul3A_168 : i32
        %add3A_170 = arith.addi %mul3A_169, %scan3A_61 : i32
        %mul3A_171 = arith.constant 128 : i32
        %mul3A_172 = arith.muli %add3A_170, %mul3A_171 : i32
        %add3A_173 = arith.addi %mul3A_28, %mul3A_172 : i32
        %add3A_174 = arith.constant 48 : i32
        %add3A_175 = arith.addi %add3A_173, %add3A_174 : i32
        %add3A_176 = vector.broadcast %add3A_175 : i32 to vector<16xi32>
        %add3A_177 = arith.addi %add3A_176, %iota3A : vector<16xi32>
        %lt3A_178 = arith.constant 330000 : i32
        %lt3A_179 = vector.broadcast %lt3A_178 : i32 to vector<16xi32>
        %lt3A_180 = arith.cmpi slt, %add3A_177, %lt3A_179 : vector<16xi32>
        %jit3A_181 = arith.constant 0.000000e+00 : f32
        %broadcast_in_dim3A_182 = vector.broadcast %jit3A_181 : f32 to vector<16xf32>
        %select_n3A_183 = arith.select %lt3A_180, %exp3A_167, %broadcast_in_dim3A_182 : vector<16xi1>, vector<16xf32>
        %swap3A_184 = arith.index_cast %scan3A_61 : i32 to index
        %swap3A_185 = arith.constant 48 : index
        %swap3A_186 = tpu.vector_load %arg13[%swap3A_184, %swap3A_185] {strides = array<i32>} : memref<8x128xf32, #tpu.memory_space<vmem>>, vector<16xf32>,
        tpu.vector_store %arg13[%swap3A_184, %swap3A_185], %select_n3A_183 {strides = array<i32>} : memref<8x128xf32, #tpu.memory_space<vmem>>, vector<16xf32>,
        %get3A_187 = arith.index_cast %scan3A_61 : i32 to index
        %get3A_188 = arith.constant 64 : index
        %get3A_189 = tpu.vector_load %arg11[%get3A_187, %get3A_188] {strides = array<i32>} : memref<8x128xi32, #tpu.memory_space<vmem>>, vector<16xi32>,
        %get3A_190 = arith.index_cast %scan3A_61 : i32 to index
        %get3A_191 = arith.constant 64 : index
        %get3A_192 = tpu.vector_load %arg12[%get3A_190, %get3A_191] {strides = array<i32>} : memref<8x128xi32, #tpu.memory_space<vmem>>, vector<16xi32>,
        %gather3A_193 = tpu.vector_load_idx %arg9[%get3A_189] : memref<10000xf32, #tpu.memory_space<vmem>>[vector<16xi32>], vector<16xf32>,
        %gather3A_194 = tpu.vector_load_idx %arg10[%get3A_192] : memref<10000xf32, #tpu.memory_space<vmem>>[vector<16xi32>], vector<16xf32>,
        %add3A_195 = arith.addf %gather3A_193, %gather3A_194 : vector<16xf32>
        %mul3A_196 = arith.constant 2.000000e-01 : f32
        %mul3A_197 = vector.broadcast %mul3A_196 : f32 to vector<16xf32>
        %mul3A_198 = arith.mulf %mul3A_197, %add3A_195 : vector<16xf32>
        %max3A_199 = arith.maximumf %add3A_195, %mul3A_198 : vector<16xf32>
        %exp3A_200 = math.exp %max3A_199 : vector<16xf32>
        %mul3A_201 = arith.constant 8 : i32
        %mul3A_202 = arith.muli %scan3A_47, %mul3A_201 : i32
        %add3A_203 = arith.addi %mul3A_202, %scan3A_61 : i32
        %mul3A_204 = arith.constant 128 : i32
        %mul3A_205 = arith.muli %add3A_203, %mul3A_204 : i32
        %add3A_206 = arith.addi %mul3A_28, %mul3A_205 : i32
        %add3A_207 = arith.constant 64 : i32
        %add3A_208 = arith.addi %add3A_206, %add3A_207 : i32
        %add3A_209 = vector.broadcast %add3A_208 : i32 to vector<16xi32>
        %add3A_210 = arith.addi %add3A_209, %iota3A : vector<16xi32>
        %lt3A_211 = arith.constant 330000 : i32
        %lt3A_212 = vector.broadcast %lt3A_211 : i32 to vector<16xi32>
        %lt3A_213 = arith.cmpi slt, %add3A_210, %lt3A_212 : vector<16xi32>
        %jit3A_214 = arith.constant 0.000000e+00 : f32
        %broadcast_in_dim3A_215 = vector.broadcast %jit3A_214 : f32 to vector<16xf32>
        %select_n3A_216 = arith.select %lt3A_213, %exp3A_200, %broadcast_in_dim3A_215 : vector<16xi1>, vector<16xf32>
        %swap3A_217 = arith.index_cast %scan3A_61 : i32 to index
        %swap3A_218 = arith.constant 64 : index
        %swap3A_219 = tpu.vector_load %arg13[%swap3A_217, %swap3A_218] {strides = array<i32>} : memref<8x128xf32, #tpu.memory_space<vmem>>, vector<16xf32>,
        tpu.vector_store %arg13[%swap3A_217, %swap3A_218], %select_n3A_216 {strides = array<i32>} : memref<8x128xf32, #tpu.memory_space<vmem>>, vector<16xf32>,
        %get3A_220 = arith.index_cast %scan3A_61 : i32 to index
        %get3A_221 = arith.constant 80 : index
        %get3A_222 = tpu.vector_load %arg11[%get3A_220, %get3A_221] {strides = array<i32>} : memref<8x128xi32, #tpu.memory_space<vmem>>, vector<16xi32>,
        %get3A_223 = arith.index_cast %scan3A_61 : i32 to index
        %get3A_224 = arith.constant 80 : index
        %get3A_225 = tpu.vector_load %arg12[%get3A_223, %get3A_224] {strides = array<i32>} : memref<8x128xi32, #tpu.memory_space<vmem>>, vector<16xi32>,
        %gather3A_226 = tpu.vector_load_idx %arg9[%get3A_222] : memref<10000xf32, #tpu.memory_space<vmem>>[vector<16xi32>], vector<16xf32>,
        %gather3A_227 = tpu.vector_load_idx %arg10[%get3A_225] : memref<10000xf32, #tpu.memory_space<vmem>>[vector<16xi32>], vector<16xf32>,
        %add3A_228 = arith.addf %gather3A_226, %gather3A_227 : vector<16xf32>
        %mul3A_229 = arith.constant 2.000000e-01 : f32
        %mul3A_230 = vector.broadcast %mul3A_229 : f32 to vector<16xf32>
        %mul3A_231 = arith.mulf %mul3A_230, %add3A_228 : vector<16xf32>
        %max3A_232 = arith.maximumf %add3A_228, %mul3A_231 : vector<16xf32>
        %exp3A_233 = math.exp %max3A_232 : vector<16xf32>
        %mul3A_234 = arith.constant 8 : i32
        %mul3A_235 = arith.muli %scan3A_47, %mul3A_234 : i32
        %add3A_236 = arith.addi %mul3A_235, %scan3A_61 : i32
        %mul3A_237 = arith.constant 128 : i32
        %mul3A_238 = arith.muli %add3A_236, %mul3A_237 : i32
        %add3A_239 = arith.addi %mul3A_28, %mul3A_238 : i32
        %add3A_240 = arith.constant 80 : i32
        %add3A_241 = arith.addi %add3A_239, %add3A_240 : i32
        %add3A_242 = vector.broadcast %add3A_241 : i32 to vector<16xi32>
        %add3A_243 = arith.addi %add3A_242, %iota3A : vector<16xi32>
        %lt3A_244 = arith.constant 330000 : i32
        %lt3A_245 = vector.broadcast %lt3A_244 : i32 to vector<16xi32>
        %lt3A_246 = arith.cmpi slt, %add3A_243, %lt3A_245 : vector<16xi32>
        %jit3A_247 = arith.constant 0.000000e+00 : f32
        %broadcast_in_dim3A_248 = vector.broadcast %jit3A_247 : f32 to vector<16xf32>
        %select_n3A_249 = arith.select %lt3A_246, %exp3A_233, %broadcast_in_dim3A_248 : vector<16xi1>, vector<16xf32>
        %swap3A_250 = arith.index_cast %scan3A_61 : i32 to index
        %swap3A_251 = arith.constant 80 : index
        %swap3A_252 = tpu.vector_load %arg13[%swap3A_250, %swap3A_251] {strides = array<i32>} : memref<8x128xf32, #tpu.memory_space<vmem>>, vector<16xf32>,
        tpu.vector_store %arg13[%swap3A_250, %swap3A_251], %select_n3A_249 {strides = array<i32>} : memref<8x128xf32, #tpu.memory_space<vmem>>, vector<16xf32>,
        %get3A_253 = arith.index_cast %scan3A_61 : i32 to index
        %get3A_254 = arith.constant 96 : index
        %get3A_255 = tpu.vector_load %arg11[%get3A_253, %get3A_254] {strides = array<i32>} : memref<8x128xi32, #tpu.memory_space<vmem>>, vector<16xi32>,
        %get3A_256 = arith.index_cast %scan3A_61 : i32 to index
        %get3A_257 = arith.constant 96 : index
        %get3A_258 = tpu.vector_load %arg12[%get3A_256, %get3A_257] {strides = array<i32>} : memref<8x128xi32, #tpu.memory_space<vmem>>, vector<16xi32>,
        %gather3A_259 = tpu.vector_load_idx %arg9[%get3A_255] : memref<10000xf32, #tpu.memory_space<vmem>>[vector<16xi32>], vector<16xf32>,
        %gather3A_260 = tpu.vector_load_idx %arg10[%get3A_258] : memref<10000xf32, #tpu.memory_space<vmem>>[vector<16xi32>], vector<16xf32>,
        %add3A_261 = arith.addf %gather3A_259, %gather3A_260 : vector<16xf32>
        %mul3A_262 = arith.constant 2.000000e-01 : f32
        %mul3A_263 = vector.broadcast %mul3A_262 : f32 to vector<16xf32>
        %mul3A_264 = arith.mulf %mul3A_263, %add3A_261 : vector<16xf32>
        %max3A_265 = arith.maximumf %add3A_261, %mul3A_264 : vector<16xf32>
        %exp3A_266 = math.exp %max3A_265 : vector<16xf32>
        %mul3A_267 = arith.constant 8 : i32
        %mul3A_268 = arith.muli %scan3A_47, %mul3A_267 : i32
        %add3A_269 = arith.addi %mul3A_268, %scan3A_61 : i32
        %mul3A_270 = arith.constant 128 : i32
        %mul3A_271 = arith.muli %add3A_269, %mul3A_270 : i32
        %add3A_272 = arith.addi %mul3A_28, %mul3A_271 : i32
        %add3A_273 = arith.constant 96 : i32
        %add3A_274 = arith.addi %add3A_272, %add3A_273 : i32
        %add3A_275 = vector.broadcast %add3A_274 : i32 to vector<16xi32>
        %add3A_276 = arith.addi %add3A_275, %iota3A : vector<16xi32>
        %lt3A_277 = arith.constant 330000 : i32
        %lt3A_278 = vector.broadcast %lt3A_277 : i32 to vector<16xi32>
        %lt3A_279 = arith.cmpi slt, %add3A_276, %lt3A_278 : vector<16xi32>
        %jit3A_280 = arith.constant 0.000000e+00 : f32
        %broadcast_in_dim3A_281 = vector.broadcast %jit3A_280 : f32 to vector<16xf32>
        %select_n3A_282 = arith.select %lt3A_279, %exp3A_266, %broadcast_in_dim3A_281 : vector<16xi1>, vector<16xf32>
        %swap3A_283 = arith.index_cast %scan3A_61 : i32 to index
        %swap3A_284 = arith.constant 96 : index
        %swap3A_285 = tpu.vector_load %arg13[%swap3A_283, %swap3A_284] {strides = array<i32>} : memref<8x128xf32, #tpu.memory_space<vmem>>, vector<16xf32>,
        tpu.vector_store %arg13[%swap3A_283, %swap3A_284], %select_n3A_282 {strides = array<i32>} : memref<8x128xf32, #tpu.memory_space<vmem>>, vector<16xf32>,
        %get3A_286 = arith.index_cast %scan3A_61 : i32 to index
        %get3A_287 = arith.constant 112 : index
        %get3A_288 = tpu.vector_load %arg11[%get3A_286, %get3A_287] {strides = array<i32>} : memref<8x128xi32, #tpu.memory_space<vmem>>, vector<16xi32>,
        %get3A_289 = arith.index_cast %scan3A_61 : i32 to index
        %get3A_290 = arith.constant 112 : index
        %get3A_291 = tpu.vector_load %arg12[%get3A_289, %get3A_290] {strides = array<i32>} : memref<8x128xi32, #tpu.memory_space<vmem>>, vector<16xi32>,
        %gather3A_292 = tpu.vector_load_idx %arg9[%get3A_288] : memref<10000xf32, #tpu.memory_space<vmem>>[vector<16xi32>], vector<16xf32>,
        %gather3A_293 = tpu.vector_load_idx %arg10[%get3A_291] : memref<10000xf32, #tpu.memory_space<vmem>>[vector<16xi32>], vector<16xf32>,
        %add3A_294 = arith.addf %gather3A_292, %gather3A_293 : vector<16xf32>
        %mul3A_295 = arith.constant 2.000000e-01 : f32
        %mul3A_296 = vector.broadcast %mul3A_295 : f32 to vector<16xf32>
        %mul3A_297 = arith.mulf %mul3A_296, %add3A_294 : vector<16xf32>
        %max3A_298 = arith.maximumf %add3A_294, %mul3A_297 : vector<16xf32>
        %exp3A_299 = math.exp %max3A_298 : vector<16xf32>
        %mul3A_300 = arith.constant 8 : i32
        %mul3A_301 = arith.muli %scan3A_47, %mul3A_300 : i32
        %add3A_302 = arith.addi %mul3A_301, %scan3A_61 : i32
        %mul3A_303 = arith.constant 128 : i32
        %mul3A_304 = arith.muli %add3A_302, %mul3A_303 : i32
        %add3A_305 = arith.addi %mul3A_28, %mul3A_304 : i32
        %add3A_306 = arith.constant 112 : i32
        %add3A_307 = arith.addi %add3A_305, %add3A_306 : i32
        %add3A_308 = vector.broadcast %add3A_307 : i32 to vector<16xi32>
        %add3A_309 = arith.addi %add3A_308, %iota3A : vector<16xi32>
        %lt3A_310 = arith.constant 330000 : i32
        %lt3A_311 = vector.broadcast %lt3A_310 : i32 to vector<16xi32>
        %lt3A_312 = arith.cmpi slt, %add3A_309, %lt3A_311 : vector<16xi32>
        %jit3A_313 = arith.constant 0.000000e+00 : f32
        %broadcast_in_dim3A_314 = vector.broadcast %jit3A_313 : f32 to vector<16xf32>
        %select_n3A_315 = arith.select %lt3A_312, %exp3A_299, %broadcast_in_dim3A_314 : vector<16xi1>, vector<16xf32>
        %swap3A_316 = arith.index_cast %scan3A_61 : i32 to index
        %swap3A_317 = arith.constant 112 : index
        %swap3A_318 = tpu.vector_load %arg13[%swap3A_316, %swap3A_317] {strides = array<i32>} : memref<8x128xf32, #tpu.memory_space<vmem>>, vector<16xf32>,
        tpu.vector_store %arg13[%swap3A_316, %swap3A_317], %select_n3A_315 {strides = array<i32>} : memref<8x128xf32, #tpu.memory_space<vmem>>, vector<16xf32>,
        "tpu.region"() ({
          %run_scoped3A = tpu.sem_alloc : memref<!tpu.dma_semaphore, #tpu.memory_space<semaphore_mem>>
          %dma_start3A_337 = arith.constant 0 : i32
          %dma_start3A_338 = tpu.memref_slice %arg13[%scan3A_61, %dma_start3A_337] : memref<8x128xf32, #tpu.memory_space<vmem>> -> memref<1x128xf32, #tpu.memory_space<vmem>>
          %dma_start3A_339 = tpu.memref_squeeze %dma_start3A_338 : memref<1x128xf32, #tpu.memory_space<vmem>> -> memref<128xf32, #tpu.memory_space<vmem>>
          %dma_start3A_340 = arith.constant 0 : i32
          %dma_start3A_341 = tpu.memref_slice %arg12[%scan3A_61, %dma_start3A_340] : memref<8x128xi32, #tpu.memory_space<vmem>> -> memref<1x128xi32, #tpu.memory_space<vmem>>
          %dma_start3A_342 = tpu.memref_squeeze %dma_start3A_341 : memref<1x128xi32, #tpu.memory_space<vmem>> -> memref<128xi32, #tpu.memory_space<vmem>>
          %dma_start3A_343 = arith.constant 0 : i32
          %dma_start3A_344 = tpu.memref_slice %arg17[%dma_start3A_343] : memref<10240xf32, #tpu.memory_space<vmem_shared>> -> memref<10240xf32, #tpu.memory_space<vmem_shared>>
          tpu.enqueue_indirect_dma source(%dma_start3A_339 : memref<128xf32, #tpu.memory_space<vmem>>) target(%dma_start3A_344 : memref<10240xf32, #tpu.memory_space<vmem_shared>>) offsets(%dma_start3A_342 : memref<128xi32, #tpu.memory_space<vmem>>) semaphore(%run_scoped3A : memref<!tpu.dma_semaphore, #tpu.memory_space<semaphore_mem>>) {add = true}
          %dma_wait3A_345 = arith.constant 0 : i32
          %dma_wait3A_346 = tpu.memref_slice %arg13[%scan3A_61, %dma_wait3A_345] : memref<8x128xf32, #tpu.memory_space<vmem>> -> memref<1x128xf32, #tpu.memory_space<vmem>>
          %dma_wait3A_347 = tpu.memref_squeeze %dma_wait3A_346 : memref<1x128xf32, #tpu.memory_space<vmem>> -> memref<128xf32, #tpu.memory_space<vmem>>
          %dma_wait3A_348 = arith.constant 0 : i32
          %dma_wait3A_349 = tpu.memref_slice %arg12[%scan3A_61, %dma_wait3A_348] : memref<8x128xi32, #tpu.memory_space<vmem>> -> memref<1x128xi32, #tpu.memory_space<vmem>>
          %dma_wait3A_350 = tpu.memref_squeeze %dma_wait3A_349 : memref<1x128xi32, #tpu.memory_space<vmem>> -> memref<128xi32, #tpu.memory_space<vmem>>
          %dma_wait3A_351 = arith.constant 0 : i32
          %dma_wait3A_352 = tpu.memref_slice %arg17[%dma_wait3A_351] : memref<10240xf32, #tpu.memory_space<vmem_shared>> -> memref<10240xf32, #tpu.memory_space<vmem_shared>>
          tpu.wait_indirect_dma semaphore(%run_scoped3A : memref<!tpu.dma_semaphore, #tpu.memory_space<semaphore_mem>>) src(%dma_wait3A_347 : memref<128xf32, #tpu.memory_space<vmem>>) dst(%dma_wait3A_352 : memref<10240xf32, #tpu.memory_space<vmem_shared>>)
          tpu.yield
        }) : () -> ()
        %dma_start3A = arith.constant 0 : i32
        %dma_start3A_319 = tpu.memref_slice %arg11[%scan3A_61, %dma_start3A] : memref<8x128xi32, #tpu.memory_space<vmem>> -> memref<1x128xi32, #tpu.memory_space<vmem>>
        %dma_start3A_320 = tpu.memref_squeeze %dma_start3A_319 : memref<1x128xi32, #tpu.memory_space<vmem>> -> memref<128xi32, #tpu.memory_space<vmem>>
        %dma_start3A_321 = arith.constant 0 : i32
        %dma_start3A_322 = arith.constant 0 : i32
        %dma_start3A_323 = tpu.memref_slice %arg2[%dma_start3A_321, %dma_start3A_322] : memref<10000x128xf32, #tpu.memory_space<hbm>> -> memref<10000x128xf32, #tpu.memory_space<hbm>>
        tpu.enqueue_indirect_dma source(%dma_start3A_323 : memref<10000x128xf32, #tpu.memory_space<hbm>>) target(%arg14 : memref<128x128xf32, #tpu.memory_space<vmem>>) offsets(%dma_start3A_320 : memref<128xi32, #tpu.memory_space<vmem>>) semaphore(%arg18 : memref<!tpu.dma_semaphore, #tpu.memory_space<semaphore_mem>>)
        %dma_wait3A = arith.constant 0 : i32
        %dma_wait3A_324 = tpu.memref_slice %arg11[%scan3A_61, %dma_wait3A] : memref<8x128xi32, #tpu.memory_space<vmem>> -> memref<1x128xi32, #tpu.memory_space<vmem>>
        %dma_wait3A_325 = tpu.memref_squeeze %dma_wait3A_324 : memref<1x128xi32, #tpu.memory_space<vmem>> -> memref<128xi32, #tpu.memory_space<vmem>>
        %dma_wait3A_326 = arith.constant 0 : i32
        %dma_wait3A_327 = arith.constant 0 : i32
        %dma_wait3A_328 = tpu.memref_slice %arg2[%dma_wait3A_326, %dma_wait3A_327] : memref<10000x128xf32, #tpu.memory_space<hbm>> -> memref<10000x128xf32, #tpu.memory_space<hbm>>
        tpu.wait_indirect_dma semaphore(%arg18 : memref<!tpu.dma_semaphore, #tpu.memory_space<semaphore_mem>>) src(%dma_wait3A_328 : memref<10000x128xf32, #tpu.memory_space<hbm>>) dst(%arg14 : memref<128x128xf32, #tpu.memory_space<vmem>>)
        %scan3A_329 = arith.constant 0 : i32
        %scan3A_330 = arith.constant 0 : i32
        %scan3A_331 = arith.constant 128 : i32
        %scan3A_332 = arith.addi %scan3A_330, %scan3A_331 : i32
        %scan3A_333 = arith.constant 1 : i32
        %scan3A_334 = scf.for %scan3A_337 = %scan3A_330 to %scan3A_332 step %scan3A_333 iter_args(%scan3A_338 = %scan3A_329) -> (i32)  : i32 {
          %broadcast_in_dim3A_339 = vector.broadcast %scan3A_61 : i32 to vector<16xi32>
          %broadcast_in_dim3A_340 = vector.broadcast %scan3A_337 : i32 to vector<16xi32>
          %gather3A_341 = tpu.vector_load_idx %arg13[%broadcast_in_dim3A_339, %broadcast_in_dim3A_340] : memref<8x128xf32, #tpu.memory_space<vmem>>[vector<16xi32>, vector<16xi32>], vector<16xf32>,
          %get3A_342 = arith.index_cast %scan3A_337 : i32 to index
          %get3A_343 = arith.constant 0 : index
          %get3A_344 = tpu.vector_load %arg14[%get3A_342, %get3A_343] {strides = array<i32>} : memref<128x128xf32, #tpu.memory_space<vmem>>, vector<16xf32>,
          %mul3A_345 = arith.mulf %get3A_344, %gather3A_341 : vector<16xf32>
          %swap3A_346 = arith.index_cast %scan3A_337 : i32 to index
          %swap3A_347 = arith.constant 0 : index
          %swap3A_348 = tpu.vector_load %arg14[%swap3A_346, %swap3A_347] {strides = array<i32>} : memref<128x128xf32, #tpu.memory_space<vmem>>, vector<16xf32>,
          tpu.vector_store %arg14[%swap3A_346, %swap3A_347], %mul3A_345 {strides = array<i32>} : memref<128x128xf32, #tpu.memory_space<vmem>>, vector<16xf32>,
          %get3A_349 = arith.index_cast %scan3A_337 : i32 to index
          %get3A_350 = arith.constant 16 : index
          %get3A_351 = tpu.vector_load %arg14[%get3A_349, %get3A_350] {strides = array<i32>} : memref<128x128xf32, #tpu.memory_space<vmem>>, vector<16xf32>,
          %mul3A_352 = arith.mulf %get3A_351, %gather3A_341 : vector<16xf32>
          %swap3A_353 = arith.index_cast %scan3A_337 : i32 to index
          %swap3A_354 = arith.constant 16 : index
          %swap3A_355 = tpu.vector_load %arg14[%swap3A_353, %swap3A_354] {strides = array<i32>} : memref<128x128xf32, #tpu.memory_space<vmem>>, vector<16xf32>,
          tpu.vector_store %arg14[%swap3A_353, %swap3A_354], %mul3A_352 {strides = array<i32>} : memref<128x128xf32, #tpu.memory_space<vmem>>, vector<16xf32>,
          %get3A_356 = arith.index_cast %scan3A_337 : i32 to index
          %get3A_357 = arith.constant 32 : index
          %get3A_358 = tpu.vector_load %arg14[%get3A_356, %get3A_357] {strides = array<i32>} : memref<128x128xf32, #tpu.memory_space<vmem>>, vector<16xf32>,
          %mul3A_359 = arith.mulf %get3A_358, %gather3A_341 : vector<16xf32>
          %swap3A_360 = arith.index_cast %scan3A_337 : i32 to index
          %swap3A_361 = arith.constant 32 : index
          %swap3A_362 = tpu.vector_load %arg14[%swap3A_360, %swap3A_361] {strides = array<i32>} : memref<128x128xf32, #tpu.memory_space<vmem>>, vector<16xf32>,
          tpu.vector_store %arg14[%swap3A_360, %swap3A_361], %mul3A_359 {strides = array<i32>} : memref<128x128xf32, #tpu.memory_space<vmem>>, vector<16xf32>,
          %get3A_363 = arith.index_cast %scan3A_337 : i32 to index
          %get3A_364 = arith.constant 48 : index
          %get3A_365 = tpu.vector_load %arg14[%get3A_363, %get3A_364] {strides = array<i32>} : memref<128x128xf32, #tpu.memory_space<vmem>>, vector<16xf32>,
          %mul3A_366 = arith.mulf %get3A_365, %gather3A_341 : vector<16xf32>
          %swap3A_367 = arith.index_cast %scan3A_337 : i32 to index
          %swap3A_368 = arith.constant 48 : index
          %swap3A_369 = tpu.vector_load %arg14[%swap3A_367, %swap3A_368] {strides = array<i32>} : memref<128x128xf32, #tpu.memory_space<vmem>>, vector<16xf32>,
          tpu.vector_store %arg14[%swap3A_367, %swap3A_368], %mul3A_366 {strides = array<i32>} : memref<128x128xf32, #tpu.memory_space<vmem>>, vector<16xf32>,
          %get3A_370 = arith.index_cast %scan3A_337 : i32 to index
          %get3A_371 = arith.constant 64 : index
          %get3A_372 = tpu.vector_load %arg14[%get3A_370, %get3A_371] {strides = array<i32>} : memref<128x128xf32, #tpu.memory_space<vmem>>, vector<16xf32>,
          %mul3A_373 = arith.mulf %get3A_372, %gather3A_341 : vector<16xf32>
          %swap3A_374 = arith.index_cast %scan3A_337 : i32 to index
          %swap3A_375 = arith.constant 64 : index
          %swap3A_376 = tpu.vector_load %arg14[%swap3A_374, %swap3A_375] {strides = array<i32>} : memref<128x128xf32, #tpu.memory_space<vmem>>, vector<16xf32>,
          tpu.vector_store %arg14[%swap3A_374, %swap3A_375], %mul3A_373 {strides = array<i32>} : memref<128x128xf32, #tpu.memory_space<vmem>>, vector<16xf32>,
          %get3A_377 = arith.index_cast %scan3A_337 : i32 to index
          %get3A_378 = arith.constant 80 : index
          %get3A_379 = tpu.vector_load %arg14[%get3A_377, %get3A_378] {strides = array<i32>} : memref<128x128xf32, #tpu.memory_space<vmem>>, vector<16xf32>,
          %mul3A_380 = arith.mulf %get3A_379, %gather3A_341 : vector<16xf32>
          %swap3A_381 = arith.index_cast %scan3A_337 : i32 to index
          %swap3A_382 = arith.constant 80 : index
          %swap3A_383 = tpu.vector_load %arg14[%swap3A_381, %swap3A_382] {strides = array<i32>} : memref<128x128xf32, #tpu.memory_space<vmem>>, vector<16xf32>,
          tpu.vector_store %arg14[%swap3A_381, %swap3A_382], %mul3A_380 {strides = array<i32>} : memref<128x128xf32, #tpu.memory_space<vmem>>, vector<16xf32>,
          %get3A_384 = arith.index_cast %scan3A_337 : i32 to index
          %get3A_385 = arith.constant 96 : index
          %get3A_386 = tpu.vector_load %arg14[%get3A_384, %get3A_385] {strides = array<i32>} : memref<128x128xf32, #tpu.memory_space<vmem>>, vector<16xf32>,
          %mul3A_387 = arith.mulf %get3A_386, %gather3A_341 : vector<16xf32>
          %swap3A_388 = arith.index_cast %scan3A_337 : i32 to index
          %swap3A_389 = arith.constant 96 : index
          %swap3A_390 = tpu.vector_load %arg14[%swap3A_388, %swap3A_389] {strides = array<i32>} : memref<128x128xf32, #tpu.memory_space<vmem>>, vector<16xf32>,
          tpu.vector_store %arg14[%swap3A_388, %swap3A_389], %mul3A_387 {strides = array<i32>} : memref<128x128xf32, #tpu.memory_space<vmem>>, vector<16xf32>,
          %get3A_391 = arith.index_cast %scan3A_337 : i32 to index
          %get3A_392 = arith.constant 112 : index
          %get3A_393 = tpu.vector_load %arg14[%get3A_391, %get3A_392] {strides = array<i32>} : memref<128x128xf32, #tpu.memory_space<vmem>>, vector<16xf32>,
          %mul3A_394 = arith.mulf %get3A_393, %gather3A_341 : vector<16xf32>
          %swap3A_395 = arith.index_cast %scan3A_337 : i32 to index
          %swap3A_396 = arith.constant 112 : index
          %swap3A_397 = tpu.vector_load %arg14[%swap3A_395, %swap3A_396] {strides = array<i32>} : memref<128x128xf32, #tpu.memory_space<vmem>>, vector<16xf32>,
          tpu.vector_store %arg14[%swap3A_395, %swap3A_396], %mul3A_394 {strides = array<i32>} : memref<128x128xf32, #tpu.memory_space<vmem>>, vector<16xf32>,
          %scan3A_398 = arith.constant 0 : i32
          scf.yield %scan3A_398 : i32
        }
        %scan3A_335 = arith.constant 128 : i32
        "tpu.region"() ({
          %run_scoped3A = tpu.sem_alloc : memref<!tpu.dma_semaphore, #tpu.memory_space<semaphore_mem>>
          %dma_start3A_337 = arith.constant 0 : i32
          %dma_start3A_338 = tpu.memref_slice %arg12[%scan3A_61, %dma_start3A_337] : memref<8x128xi32, #tpu.memory_space<vmem>> -> memref<1x128xi32, #tpu.memory_space<vmem>>
          %dma_start3A_339 = tpu.memref_squeeze %dma_start3A_338 : memref<1x128xi32, #tpu.memory_space<vmem>> -> memref<128xi32, #tpu.memory_space<vmem>>
          %dma_start3A_340 = arith.constant 0 : i32
          %dma_start3A_341 = arith.constant 0 : i32
          %dma_start3A_342 = tpu.memref_slice %arg16[%dma_start3A_340, %dma_start3A_341] : memref<10240x128xf32, #tpu.memory_space<vmem_shared>> -> memref<10240x128xf32, #tpu.memory_space<vmem_shared>>
          tpu.enqueue_indirect_dma source(%arg14 : memref<128x128xf32, #tpu.memory_space<vmem>>) target(%dma_start3A_342 : memref<10240x128xf32, #tpu.memory_space<vmem_shared>>) offsets(%dma_start3A_339 : memref<128xi32, #tpu.memory_space<vmem>>) semaphore(%run_scoped3A : memref<!tpu.dma_semaphore, #tpu.memory_space<semaphore_mem>>) {add = true}
          %dma_wait3A_343 = arith.constant 0 : i32
          %dma_wait3A_344 = tpu.memref_slice %arg12[%scan3A_61, %dma_wait3A_343] : memref<8x128xi32, #tpu.memory_space<vmem>> -> memref<1x128xi32, #tpu.memory_space<vmem>>
          %dma_wait3A_345 = tpu.memref_squeeze %dma_wait3A_344 : memref<1x128xi32, #tpu.memory_space<vmem>> -> memref<128xi32, #tpu.memory_space<vmem>>
          %dma_wait3A_346 = arith.constant 0 : i32
          %dma_wait3A_347 = arith.constant 0 : i32
          %dma_wait3A_348 = tpu.memref_slice %arg16[%dma_wait3A_346, %dma_wait3A_347] : memref<10240x128xf32, #tpu.memory_space<vmem_shared>> -> memref<10240x128xf32, #tpu.memory_space<vmem_shared>>
          tpu.wait_indirect_dma semaphore(%run_scoped3A : memref<!tpu.dma_semaphore, #tpu.memory_space<semaphore_mem>>) src(%arg14 : memref<128x128xf32, #tpu.memory_space<vmem>>) dst(%dma_wait3A_348 : memref<10240x128xf32, #tpu.memory_space<vmem_shared>>)
          tpu.yield
        }) : () -> ()
        %scan3A_336 = arith.constant 0 : i32
        scf.yield %scan3A_336 : i32
      }
      %scan3A_59 = arith.constant 8 : i32
      %scan3A_60 = arith.constant 0 : i32
      scf.yield %scan3A_60 : i32
    }
    %scan3A_35 = arith.constant 11 : i32
    %barrier3A_36 = arith.constant 0 : index
    tpu.barrier barrier_id(%barrier3A_36)
    %add3A_37 = arith.constant 0 : i32
    %add3A_38 = arith.addi %mul3A_14, %add3A_37 : i32
    "tpu.region"() ({
      %run_scoped3A = tpu.sem_alloc : memref<!tpu.dma_semaphore, #tpu.memory_space<semaphore_mem>>
      %dma_start3A = arith.constant 0 : i32
      %dma_start3A_47 = tpu.memref_slice %arg7[%arg0, %add3A_38, %dma_start3A] : memref<2x10240x128xf32, #tpu.memory_space<hbm>> -> memref<1x128x128xf32, #tpu.memory_space<hbm>>
      %dma_start3A_48 = tpu.memref_squeeze %dma_start3A_47 : memref<1x128x128xf32, #tpu.memory_space<hbm>> -> memref<128x128xf32, #tpu.memory_space<hbm>>
      %dma_start3A_49 = arith.constant 0 : i32
      %dma_start3A_50 = tpu.memref_slice %arg16[%add3A_38, %dma_start3A_49] : memref<10240x128xf32, #tpu.memory_space<vmem_shared>> -> memref<128x128xf32, #tpu.memory_space<vmem_shared>>
      tpu.enqueue_dma source(%dma_start3A_50 : memref<128x128xf32, #tpu.memory_space<vmem_shared>>) target(%dma_start3A_48 : memref<128x128xf32, #tpu.memory_space<hbm>>) target_semaphore(%run_scoped3A : memref<!tpu.dma_semaphore, #tpu.memory_space<semaphore_mem>>)
      %dma_wait3A = arith.constant 0 : i32
      %dma_wait3A_51 = tpu.memref_slice %arg7[%arg0, %add3A_38, %dma_wait3A] : memref<2x10240x128xf32, #tpu.memory_space<hbm>> -> memref<1x128x128xf32, #tpu.memory_space<hbm>>
      %dma_wait3A_52 = tpu.memref_squeeze %dma_wait3A_51 : memref<1x128x128xf32, #tpu.memory_space<hbm>> -> memref<128x128xf32, #tpu.memory_space<hbm>>
      %dma_wait3A_53 = arith.constant 0 : i32
      %dma_wait3A_54 = tpu.memref_slice %arg16[%add3A_38, %dma_wait3A_53] : memref<10240x128xf32, #tpu.memory_space<vmem_shared>> -> memref<128x128xf32, #tpu.memory_space<vmem_shared>>
      tpu.wait_dma2 semaphore(%run_scoped3A : memref<!tpu.dma_semaphore, #tpu.memory_space<semaphore_mem>>) src(%dma_wait3A_54 : memref<128x128xf32, #tpu.memory_space<vmem_shared>>) dst(%dma_wait3A_52 : memref<128x128xf32, #tpu.memory_space<hbm>>)
      tpu.yield
    }) : () -> ()
    %add3A_39 = arith.constant 128 : i32
    %add3A_40 = arith.addi %mul3A_14, %add3A_39 : i32
    "tpu.region"() ({
      %run_scoped3A = tpu.sem_alloc : memref<!tpu.dma_semaphore, #tpu.memory_space<semaphore_mem>>
      %dma_start3A = arith.constant 0 : i32
      %dma_start3A_47 = tpu.memref_slice %arg7[%arg0, %add3A_40, %dma_start3A] : memref<2x10240x128xf32, #tpu.memory_space<hbm>> -> memref<1x128x128xf32, #tpu.memory_space<hbm>>
      %dma_start3A_48 = tpu.memref_squeeze %dma_start3A_47 : memref<1x128x128xf32, #tpu.memory_space<hbm>> -> memref<128x128xf32, #tpu.memory_space<hbm>>
      %dma_start3A_49 = arith.constant 0 : i32
      %dma_start3A_50 = tpu.memref_slice %arg16[%add3A_40, %dma_start3A_49] : memref<10240x128xf32, #tpu.memory_space<vmem_shared>> -> memref<128x128xf32, #tpu.memory_space<vmem_shared>>
      tpu.enqueue_dma source(%dma_start3A_50 : memref<128x128xf32, #tpu.memory_space<vmem_shared>>) target(%dma_start3A_48 : memref<128x128xf32, #tpu.memory_space<hbm>>) target_semaphore(%run_scoped3A : memref<!tpu.dma_semaphore, #tpu.memory_space<semaphore_mem>>)
      %dma_wait3A = arith.constant 0 : i32
      %dma_wait3A_51 = tpu.memref_slice %arg7[%arg0, %add3A_40, %dma_wait3A] : memref<2x10240x128xf32, #tpu.memory_space<hbm>> -> memref<1x128x128xf32, #tpu.memory_space<hbm>>
      %dma_wait3A_52 = tpu.memref_squeeze %dma_wait3A_51 : memref<1x128x128xf32, #tpu.memory_space<hbm>> -> memref<128x128xf32, #tpu.memory_space<hbm>>
      %dma_wait3A_53 = arith.constant 0 : i32
      %dma_wait3A_54 = tpu.memref_slice %arg16[%add3A_40, %dma_wait3A_53] : memref<10240x128xf32, #tpu.memory_space<vmem_shared>> -> memref<128x128xf32, #tpu.memory_space<vmem_shared>>
      tpu.wait_dma2 semaphore(%run_scoped3A : memref<!tpu.dma_semaphore, #tpu.memory_space<semaphore_mem>>) src(%dma_wait3A_54 : memref<128x128xf32, #tpu.memory_space<vmem_shared>>) dst(%dma_wait3A_52 : memref<128x128xf32, #tpu.memory_space<hbm>>)
      tpu.yield
    }) : () -> ()
    %add3A_41 = arith.constant 256 : i32
    %add3A_42 = arith.addi %mul3A_14, %add3A_41 : i32
    "tpu.region"() ({
      %run_scoped3A = tpu.sem_alloc : memref<!tpu.dma_semaphore, #tpu.memory_space<semaphore_mem>>
      %dma_start3A = arith.constant 0 : i32
      %dma_start3A_47 = tpu.memref_slice %arg7[%arg0, %add3A_42, %dma_start3A] : memref<2x10240x128xf32, #tpu.memory_space<hbm>> -> memref<1x128x128xf32, #tpu.memory_space<hbm>>
      %dma_start3A_48 = tpu.memref_squeeze %dma_start3A_47 : memref<1x128x128xf32, #tpu.memory_space<hbm>> -> memref<128x128xf32, #tpu.memory_space<hbm>>
      %dma_start3A_49 = arith.constant 0 : i32
      %dma_start3A_50 = tpu.memref_slice %arg16[%add3A_42, %dma_start3A_49] : memref<10240x128xf32, #tpu.memory_space<vmem_shared>> -> memref<128x128xf32, #tpu.memory_space<vmem_shared>>
      tpu.enqueue_dma source(%dma_start3A_50 : memref<128x128xf32, #tpu.memory_space<vmem_shared>>) target(%dma_start3A_48 : memref<128x128xf32, #tpu.memory_space<hbm>>) target_semaphore(%run_scoped3A : memref<!tpu.dma_semaphore, #tpu.memory_space<semaphore_mem>>)
      %dma_wait3A = arith.constant 0 : i32
      %dma_wait3A_51 = tpu.memref_slice %arg7[%arg0, %add3A_42, %dma_wait3A] : memref<2x10240x128xf32, #tpu.memory_space<hbm>> -> memref<1x128x128xf32, #tpu.memory_space<hbm>>
      %dma_wait3A_52 = tpu.memref_squeeze %dma_wait3A_51 : memref<1x128x128xf32, #tpu.memory_space<hbm>> -> memref<128x128xf32, #tpu.memory_space<hbm>>
      %dma_wait3A_53 = arith.constant 0 : i32
      %dma_wait3A_54 = tpu.memref_slice %arg16[%add3A_42, %dma_wait3A_53] : memref<10240x128xf32, #tpu.memory_space<vmem_shared>> -> memref<128x128xf32, #tpu.memory_space<vmem_shared>>
      tpu.wait_dma2 semaphore(%run_scoped3A : memref<!tpu.dma_semaphore, #tpu.memory_space<semaphore_mem>>) src(%dma_wait3A_54 : memref<128x128xf32, #tpu.memory_space<vmem_shared>>) dst(%dma_wait3A_52 : memref<128x128xf32, #tpu.memory_space<hbm>>)
      tpu.yield
    }) : () -> ()
    %add3A_43 = arith.constant 384 : i32
    %add3A_44 = arith.addi %mul3A_14, %add3A_43 : i32
    "tpu.region"() ({
      %run_scoped3A = tpu.sem_alloc : memref<!tpu.dma_semaphore, #tpu.memory_space<semaphore_mem>>
      %dma_start3A = arith.constant 0 : i32
      %dma_start3A_47 = tpu.memref_slice %arg7[%arg0, %add3A_44, %dma_start3A] : memref<2x10240x128xf32, #tpu.memory_space<hbm>> -> memref<1x128x128xf32, #tpu.memory_space<hbm>>
      %dma_start3A_48 = tpu.memref_squeeze %dma_start3A_47 : memref<1x128x128xf32, #tpu.memory_space<hbm>> -> memref<128x128xf32, #tpu.memory_space<hbm>>
      %dma_start3A_49 = arith.constant 0 : i32
      %dma_start3A_50 = tpu.memref_slice %arg16[%add3A_44, %dma_start3A_49] : memref<10240x128xf32, #tpu.memory_space<vmem_shared>> -> memref<128x128xf32, #tpu.memory_space<vmem_shared>>
      tpu.enqueue_dma source(%dma_start3A_50 : memref<128x128xf32, #tpu.memory_space<vmem_shared>>) target(%dma_start3A_48 : memref<128x128xf32, #tpu.memory_space<hbm>>) target_semaphore(%run_scoped3A : memref<!tpu.dma_semaphore, #tpu.memory_space<semaphore_mem>>)
      %dma_wait3A = arith.constant 0 : i32
      %dma_wait3A_51 = tpu.memref_slice %arg7[%arg0, %add3A_44, %dma_wait3A] : memref<2x10240x128xf32, #tpu.memory_space<hbm>> -> memref<1x128x128xf32, #tpu.memory_space<hbm>>
      %dma_wait3A_52 = tpu.memref_squeeze %dma_wait3A_51 : memref<1x128x128xf32, #tpu.memory_space<hbm>> -> memref<128x128xf32, #tpu.memory_space<hbm>>
      %dma_wait3A_53 = arith.constant 0 : i32
      %dma_wait3A_54 = tpu.memref_slice %arg16[%add3A_44, %dma_wait3A_53] : memref<10240x128xf32, #tpu.memory_space<vmem_shared>> -> memref<128x128xf32, #tpu.memory_space<vmem_shared>>
      tpu.wait_dma2 semaphore(%run_scoped3A : memref<!tpu.dma_semaphore, #tpu.memory_space<semaphore_mem>>) src(%dma_wait3A_54 : memref<128x128xf32, #tpu.memory_space<vmem_shared>>) dst(%dma_wait3A_52 : memref<128x128xf32, #tpu.memory_space<hbm>>)
      tpu.yield
    }) : () -> ()
    %add3A_45 = arith.constant 512 : i32
    %add3A_46 = arith.addi %mul3A_14, %add3A_45 : i32
    "tpu.region"() ({
      %run_scoped3A = tpu.sem_alloc : memref<!tpu.dma_semaphore, #tpu.memory_space<semaphore_mem>>
      %dma_start3A = arith.constant 0 : i32
      %dma_start3A_47 = tpu.memref_slice %arg7[%arg0, %add3A_46, %dma_start3A] : memref<2x10240x128xf32, #tpu.memory_space<hbm>> -> memref<1x128x128xf32, #tpu.memory_space<hbm>>
      %dma_start3A_48 = tpu.memref_squeeze %dma_start3A_47 : memref<1x128x128xf32, #tpu.memory_space<hbm>> -> memref<128x128xf32, #tpu.memory_space<hbm>>
      %dma_start3A_49 = arith.constant 0 : i32
      %dma_start3A_50 = tpu.memref_slice %arg16[%add3A_46, %dma_start3A_49] : memref<10240x128xf32, #tpu.memory_space<vmem_shared>> -> memref<128x128xf32, #tpu.memory_space<vmem_shared>>
      tpu.enqueue_dma source(%dma_start3A_50 : memref<128x128xf32, #tpu.memory_space<vmem_shared>>) target(%dma_start3A_48 : memref<128x128xf32, #tpu.memory_space<hbm>>) target_semaphore(%run_scoped3A : memref<!tpu.dma_semaphore, #tpu.memory_space<semaphore_mem>>)
      %dma_wait3A = arith.constant 0 : i32
      %dma_wait3A_51 = tpu.memref_slice %arg7[%arg0, %add3A_46, %dma_wait3A] : memref<2x10240x128xf32, #tpu.memory_space<hbm>> -> memref<1x128x128xf32, #tpu.memory_space<hbm>>
      %dma_wait3A_52 = tpu.memref_squeeze %dma_wait3A_51 : memref<1x128x128xf32, #tpu.memory_space<hbm>> -> memref<128x128xf32, #tpu.memory_space<hbm>>
      %dma_wait3A_53 = arith.constant 0 : i32
      %dma_wait3A_54 = tpu.memref_slice %arg16[%add3A_46, %dma_wait3A_53] : memref<10240x128xf32, #tpu.memory_space<vmem_shared>> -> memref<128x128xf32, #tpu.memory_space<vmem_shared>>
      tpu.wait_dma2 semaphore(%run_scoped3A : memref<!tpu.dma_semaphore, #tpu.memory_space<semaphore_mem>>) src(%dma_wait3A_54 : memref<128x128xf32, #tpu.memory_space<vmem_shared>>) dst(%dma_wait3A_52 : memref<128x128xf32, #tpu.memory_space<hbm>>)
      tpu.yield
    }) : () -> ()
    "tpu.region"() ({
      %run_scoped3A = tpu.sem_alloc : memref<!tpu.dma_semaphore, #tpu.memory_space<semaphore_mem>>
      %dma_start3A = tpu.memref_slice %arg8[%arg0, %mul3A_14] : memref<2x10240xf32, #tpu.memory_space<hbm>> -> memref<1x640xf32, #tpu.memory_space<hbm>>
      %dma_start3A_47 = tpu.memref_squeeze %dma_start3A : memref<1x640xf32, #tpu.memory_space<hbm>> -> memref<640xf32, #tpu.memory_space<hbm>>
      %dma_start3A_48 = tpu.memref_slice %arg17[%mul3A_14] : memref<10240xf32, #tpu.memory_space<vmem_shared>> -> memref<640xf32, #tpu.memory_space<vmem_shared>>
      tpu.enqueue_dma source(%dma_start3A_48 : memref<640xf32, #tpu.memory_space<vmem_shared>>) target(%dma_start3A_47 : memref<640xf32, #tpu.memory_space<hbm>>) target_semaphore(%run_scoped3A : memref<!tpu.dma_semaphore, #tpu.memory_space<semaphore_mem>>)
      %dma_wait3A = tpu.memref_slice %arg8[%arg0, %mul3A_14] : memref<2x10240xf32, #tpu.memory_space<hbm>> -> memref<1x640xf32, #tpu.memory_space<hbm>>
      %dma_wait3A_49 = tpu.memref_squeeze %dma_wait3A : memref<1x640xf32, #tpu.memory_space<hbm>> -> memref<640xf32, #tpu.memory_space<hbm>>
      %dma_wait3A_50 = tpu.memref_slice %arg17[%mul3A_14] : memref<10240xf32, #tpu.memory_space<vmem_shared>> -> memref<640xf32, #tpu.memory_space<vmem_shared>>
      tpu.wait_dma2 semaphore(%run_scoped3A : memref<!tpu.dma_semaphore, #tpu.memory_space<semaphore_mem>>) src(%dma_wait3A_50 : memref<640xf32, #tpu.memory_space<vmem_shared>>) dst(%dma_wait3A_49 : memref<640xf32, #tpu.memory_space<hbm>>)
      tpu.yield
    }) : () -> ()
    return
  }
}

module attributes {stable_mosaic.version = 14 : i64} {
  func.func @_gat_pre_l1(%arg0: i32, %arg1: memref<2000x128xf32, #tpu.memory_space<vmem>>, %arg2: memref<128x256xf32, #tpu.memory_space<vmem>>, %arg3: memref<256x1xf32, #tpu.memory_space<vmem>>, %arg4: memref<256x1xf32, #tpu.memory_space<vmem>>, %arg5: memref<2x2000x128xf32, #tpu.memory_space<vmem>>, %arg6: memref<2000x1xf32, #tpu.memory_space<vmem>>, %arg7: memref<2000x1xf32, #tpu.memory_space<vmem>>) attributes {dimension_semantics = [#tpu.dimension_semantics<arbitrary>], iteration_bounds = array<i64: 5>, scalar_prefetch = 0 : i64, scratch_operands = 0 : i64, tpu.core_type = #tpu.core_type<tc>, window_params = [{transform_indices = @transform_0, window_bounds = array<i64: 2000, 128>}, {pipeline_mode = #tpu.pipeline_mode<synchronous>, transform_indices = @transform_1, window_bounds = array<i64: 128, 256>}, {pipeline_mode = #tpu.pipeline_mode<synchronous>, transform_indices = @transform_2, window_bounds = array<i64: 256, 1>}, {pipeline_mode = #tpu.pipeline_mode<synchronous>, transform_indices = @transform_3, window_bounds = array<i64: 256, 1>}, {transform_indices = @transform_4, window_bounds = array<i64: 2, 2000, 128>}, {transform_indices = @transform_5, window_bounds = array<i64: 2000, 1>}, {transform_indices = @transform_6, window_bounds = array<i64: 2000, 1>}]} {
    %get3A = arith.constant 0 : index
    %get3A_0 = arith.constant 0 : index
    %get3A_1 = vector.load %arg1[%get3A, %get3A_0] : memref<2000x128xf32, #tpu.memory_space<vmem>>, vector<2000x128xf32>
    %get3A_2 = arith.constant 0 : index
    %get3A_3 = arith.constant 0 : index
    %get3A_4 = vector.load %arg2[%get3A_2, %get3A_3] : memref<128x256xf32, #tpu.memory_space<vmem>>, vector<128x256xf32>
    %dot_general3A = arith.constant dense<0.000000e+00> : vector<2000x256xf32>
    %dot_general3A_5 = tpu.matmul %get3A_1, %get3A_4, %dot_general3A {dimension_numbers = #tpu.dot_dimension_numbers<[1], [0], [0], [1], [0, 0, 1, 1], [], []>, transpose_lhs_hint = false} : vector<2000x128xf32>, vector<128x256xf32>, vector<2000x256xf32> -> vector<2000x256xf32>
    %slice3A = vector.extract_strided_slice %dot_general3A_5 {offsets = [0, 0], sizes = [2000, 128], strides = [1, 1]} : vector<2000x256xf32> to vector<2000x128xf32>
    %swap3A = arith.constant 0 : index
    %swap3A_6 = arith.constant 0 : index
    %swap3A_7 = arith.constant 0 : index
    %swap3A_8 = vector.load %arg5[%swap3A, %swap3A_6, %swap3A_7] : memref<2x2000x128xf32, #tpu.memory_space<vmem>>, vector<1x2000x128xf32>
    %swap3A_9 = vector.shape_cast %swap3A_8 : vector<1x2000x128xf32> to vector<2000x128xf32>
    %swap3A_10 = vector.shape_cast %slice3A : vector<2000x128xf32> to vector<1x2000x128xf32>
    tpu.vector_store %arg5[%swap3A, %swap3A_6, %swap3A_7], %swap3A_10 {strides = array<i32>} : memref<2x2000x128xf32, #tpu.memory_space<vmem>>, vector<1x2000x128xf32>,
    %slice3A_11 = vector.extract_strided_slice %dot_general3A_5 {offsets = [0, 128], sizes = [2000, 128], strides = [1, 1]} : vector<2000x256xf32> to vector<2000x128xf32>
    %swap3A_12 = arith.constant 1 : index
    %swap3A_13 = arith.constant 0 : index
    %swap3A_14 = arith.constant 0 : index
    %swap3A_15 = vector.load %arg5[%swap3A_12, %swap3A_13, %swap3A_14] : memref<2x2000x128xf32, #tpu.memory_space<vmem>>, vector<1x2000x128xf32>
    %swap3A_16 = vector.shape_cast %swap3A_15 : vector<1x2000x128xf32> to vector<2000x128xf32>
    %swap3A_17 = vector.shape_cast %slice3A_11 : vector<2000x128xf32> to vector<1x2000x128xf32>
    tpu.vector_store %arg5[%swap3A_12, %swap3A_13, %swap3A_14], %swap3A_17 {strides = array<i32>} : memref<2x2000x128xf32, #tpu.memory_space<vmem>>, vector<1x2000x128xf32>,
    %get3A_18 = arith.constant 0 : index
    %get3A_19 = arith.constant 0 : index
    %get3A_20 = vector.load %arg3[%get3A_18, %get3A_19] : memref<256x1xf32, #tpu.memory_space<vmem>>, vector<256x1xf32>
    %dot_general3A_21 = arith.constant dense<0.000000e+00> : vector<2000x1xf32>
    %dot_general3A_22 = tpu.matmul %dot_general3A_5, %get3A_20, %dot_general3A_21 {dimension_numbers = #tpu.dot_dimension_numbers<[1], [0], [0], [1], [0, 0, 1, 1], [], []>, transpose_lhs_hint = false} : vector<2000x256xf32>, vector<256x1xf32>, vector<2000x1xf32> -> vector<2000x1xf32>
    %swap3A_23 = arith.constant 0 : index
    %swap3A_24 = arith.constant 0 : index
    %swap3A_25 = vector.load %arg6[%swap3A_23, %swap3A_24] : memref<2000x1xf32, #tpu.memory_space<vmem>>, vector<2000x1xf32>
    tpu.vector_store %arg6[%swap3A_23, %swap3A_24], %dot_general3A_22 {strides = array<i32>} : memref<2000x1xf32, #tpu.memory_space<vmem>>, vector<2000x1xf32>,
    %get3A_26 = arith.constant 0 : index
    %get3A_27 = arith.constant 0 : index
    %get3A_28 = vector.load %arg4[%get3A_26, %get3A_27] : memref<256x1xf32, #tpu.memory_space<vmem>>, vector<256x1xf32>
    %dot_general3A_29 = arith.constant dense<0.000000e+00> : vector<2000x1xf32>
    %dot_general3A_30 = tpu.matmul %dot_general3A_5, %get3A_28, %dot_general3A_29 {dimension_numbers = #tpu.dot_dimension_numbers<[1], [0], [0], [1], [0, 0, 1, 1], [], []>, transpose_lhs_hint = false} : vector<2000x256xf32>, vector<256x1xf32>, vector<2000x1xf32> -> vector<2000x1xf32>
    %swap3A_31 = arith.constant 0 : index
    %swap3A_32 = arith.constant 0 : index
    %swap3A_33 = vector.load %arg7[%swap3A_31, %swap3A_32] : memref<2000x1xf32, #tpu.memory_space<vmem>>, vector<2000x1xf32>
    tpu.vector_store %arg7[%swap3A_31, %swap3A_32], %dot_general3A_30 {strides = array<i32>} : memref<2000x1xf32, #tpu.memory_space<vmem>>, vector<2000x1xf32>,
    return
  }
  func.func @transform_0(%arg0: i32) -> (i32, i32) {
    %c0_i32 = arith.constant 0 : i32
    %c0_i32_0 = arith.constant 0 : i32
    return %arg0, %c0_i32 : i32, i32
  }
  func.func @transform_1(%arg0: i32) -> (i32, i32) {
    %c0_i32 = arith.constant 0 : i32
    %c0_i32_0 = arith.constant 0 : i32
    %c0_i32_1 = arith.constant 0 : i32
    return %c0_i32, %c0_i32_0 : i32, i32
  }
  func.func @transform_2(%arg0: i32) -> (i32, i32) {
    %c0_i32 = arith.constant 0 : i32
    %c0_i32_0 = arith.constant 0 : i32
    %c0_i32_1 = arith.constant 0 : i32
    return %c0_i32, %c0_i32_0 : i32, i32
  }
  func.func @transform_3(%arg0: i32) -> (i32, i32) {
    %c0_i32 = arith.constant 0 : i32
    %c0_i32_0 = arith.constant 0 : i32
    %c0_i32_1 = arith.constant 0 : i32
    return %c0_i32, %c0_i32_0 : i32, i32
  }
  func.func @transform_4(%arg0: i32) -> (i32, i32, i32) {
    %c0_i32 = arith.constant 0 : i32
    %c0_i32_0 = arith.constant 0 : i32
    %c0_i32_1 = arith.constant 0 : i32
    return %c0_i32, %arg0, %c0_i32_0 : i32, i32, i32
  }
  func.func @transform_5(%arg0: i32) -> (i32, i32) {
    %c0_i32 = arith.constant 0 : i32
    %c0_i32_0 = arith.constant 0 : i32
    return %arg0, %c0_i32 : i32, i32
  }
  func.func @transform_6(%arg0: i32) -> (i32, i32) {
    %c0_i32 = arith.constant 0 : i32
    %c0_i32_0 = arith.constant 0 : i32
    return %arg0, %c0_i32 : i32, i32
  }
}

module attributes {stable_mosaic.version = 14 : i64} {
  func.func @_gat_pre_l2(%arg0: i32, %arg1: memref<2x2000x128xf32, #tpu.memory_space<vmem>>, %arg2: memref<1x256xf32, #tpu.memory_space<vmem>>, %arg3: memref<256x128xf32, #tpu.memory_space<vmem>>, %arg4: memref<128x1xf32, #tpu.memory_space<vmem>>, %arg5: memref<128x1xf32, #tpu.memory_space<vmem>>, %arg6: memref<2000x128xf32, #tpu.memory_space<vmem>>, %arg7: memref<2000x1xf32, #tpu.memory_space<vmem>>, %arg8: memref<2000x1xf32, #tpu.memory_space<vmem>>) attributes {dimension_semantics = [#tpu.dimension_semantics<arbitrary>], iteration_bounds = array<i64: 5>, scalar_prefetch = 0 : i64, scratch_operands = 0 : i64, tpu.core_type = #tpu.core_type<tc>, window_params = [{transform_indices = @transform_0, window_bounds = array<i64: 2, 2000, 128>}, {pipeline_mode = #tpu.pipeline_mode<synchronous>, transform_indices = @transform_1, window_bounds = array<i64: 1, 256>}, {pipeline_mode = #tpu.pipeline_mode<synchronous>, transform_indices = @transform_2, window_bounds = array<i64: 256, 128>}, {pipeline_mode = #tpu.pipeline_mode<synchronous>, transform_indices = @transform_3, window_bounds = array<i64: 128, 1>}, {pipeline_mode = #tpu.pipeline_mode<synchronous>, transform_indices = @transform_4, window_bounds = array<i64: 128, 1>}, {transform_indices = @transform_5, window_bounds = array<i64: 2000, 128>}, {transform_indices = @transform_6, window_bounds = array<i64: 2000, 1>}, {transform_indices = @transform_7, window_bounds = array<i64: 2000, 1>}]} {
    %get3A = arith.constant 0 : index
    %get3A_0 = arith.constant 0 : index
    %get3A_1 = arith.constant 0 : index
    %get3A_2 = vector.load %arg1[%get3A, %get3A_0, %get3A_1] : memref<2x2000x128xf32, #tpu.memory_space<vmem>>, vector<1x2000x128xf32>
    %get3A_3 = vector.shape_cast %get3A_2 : vector<1x2000x128xf32> to vector<2000x128xf32>
    %get3A_4 = arith.constant 0 : index
    %get3A_5 = arith.constant 0 : index
    %get3A_6 = vector.load %arg2[%get3A_4, %get3A_5] : memref<1x256xf32, #tpu.memory_space<vmem>>, vector<1x128xf32>
    %get3A_7 = vector.shape_cast %get3A_6 : vector<1x128xf32> to vector<128xf32>
    %broadcast_in_dim3A = vector.shape_cast %get3A_7 : vector<128xf32> to vector<1x128xf32>
    %add3A = vector.broadcast %broadcast_in_dim3A : vector<1x128xf32> to vector<2000x128xf32>
    %add3A_8 = arith.addf %get3A_3, %add3A : vector<2000x128xf32>
    %max3A = arith.constant 0.000000e+00 : f32
    %max3A_9 = vector.broadcast %max3A : f32 to vector<2000x128xf32>
    %max3A_10 = arith.maximumf %add3A_8, %max3A_9 : vector<2000x128xf32>
    %get3A_11 = arith.constant 1 : index
    %get3A_12 = arith.constant 0 : index
    %get3A_13 = arith.constant 0 : index
    %get3A_14 = vector.load %arg1[%get3A_11, %get3A_12, %get3A_13] : memref<2x2000x128xf32, #tpu.memory_space<vmem>>, vector<1x2000x128xf32>
    %get3A_15 = vector.shape_cast %get3A_14 : vector<1x2000x128xf32> to vector<2000x128xf32>
    %get3A_16 = arith.constant 0 : index
    %get3A_17 = arith.constant 128 : index
    %get3A_18 = vector.load %arg2[%get3A_16, %get3A_17] : memref<1x256xf32, #tpu.memory_space<vmem>>, vector<1x128xf32>
    %get3A_19 = vector.shape_cast %get3A_18 : vector<1x128xf32> to vector<128xf32>
    %broadcast_in_dim3A_20 = vector.shape_cast %get3A_19 : vector<128xf32> to vector<1x128xf32>
    %add3A_21 = vector.broadcast %broadcast_in_dim3A_20 : vector<1x128xf32> to vector<2000x128xf32>
    %add3A_22 = arith.addf %get3A_15, %add3A_21 : vector<2000x128xf32>
    %max3A_23 = arith.constant 0.000000e+00 : f32
    %max3A_24 = vector.broadcast %max3A_23 : f32 to vector<2000x128xf32>
    %max3A_25 = arith.maximumf %add3A_22, %max3A_24 : vector<2000x128xf32>
    %get3A_26 = arith.constant 0 : index
    %get3A_27 = arith.constant 0 : index
    %get3A_28 = vector.load %arg3[%get3A_26, %get3A_27] : memref<256x128xf32, #tpu.memory_space<vmem>>, vector<128x128xf32>
    %dot_general3A = arith.constant dense<0.000000e+00> : vector<2000x128xf32>
    %dot_general3A_29 = tpu.matmul %max3A_10, %get3A_28, %dot_general3A {dimension_numbers = #tpu.dot_dimension_numbers<[1], [0], [0], [1], [0, 0, 1, 1], [], []>, transpose_lhs_hint = false} : vector<2000x128xf32>, vector<128x128xf32>, vector<2000x128xf32> -> vector<2000x128xf32>
    %get3A_30 = arith.constant 128 : index
    %get3A_31 = arith.constant 0 : index
    %get3A_32 = vector.load %arg3[%get3A_30, %get3A_31] : memref<256x128xf32, #tpu.memory_space<vmem>>, vector<128x128xf32>
    %dot_general3A_33 = arith.constant dense<0.000000e+00> : vector<2000x128xf32>
    %dot_general3A_34 = tpu.matmul %max3A_25, %get3A_32, %dot_general3A_33 {dimension_numbers = #tpu.dot_dimension_numbers<[1], [0], [0], [1], [0, 0, 1, 1], [], []>, transpose_lhs_hint = false} : vector<2000x128xf32>, vector<128x128xf32>, vector<2000x128xf32> -> vector<2000x128xf32>
    %add3A_35 = arith.addf %dot_general3A_29, %dot_general3A_34 : vector<2000x128xf32>
    %swap3A = arith.constant 0 : index
    %swap3A_36 = arith.constant 0 : index
    %swap3A_37 = vector.load %arg6[%swap3A, %swap3A_36] : memref<2000x128xf32, #tpu.memory_space<vmem>>, vector<2000x128xf32>
    tpu.vector_store %arg6[%swap3A, %swap3A_36], %add3A_35 {strides = array<i32>} : memref<2000x128xf32, #tpu.memory_space<vmem>>, vector<2000x128xf32>,
    %get3A_38 = arith.constant 0 : index
    %get3A_39 = arith.constant 0 : index
    %get3A_40 = vector.load %arg4[%get3A_38, %get3A_39] : memref<128x1xf32, #tpu.memory_space<vmem>>, vector<128x1xf32>
    %dot_general3A_41 = arith.constant dense<0.000000e+00> : vector<2000x1xf32>
    %dot_general3A_42 = tpu.matmul %add3A_35, %get3A_40, %dot_general3A_41 {dimension_numbers = #tpu.dot_dimension_numbers<[1], [0], [0], [1], [0, 0, 1, 1], [], []>, transpose_lhs_hint = false} : vector<2000x128xf32>, vector<128x1xf32>, vector<2000x1xf32> -> vector<2000x1xf32>
    %swap3A_43 = arith.constant 0 : index
    %swap3A_44 = arith.constant 0 : index
    %swap3A_45 = vector.load %arg7[%swap3A_43, %swap3A_44] : memref<2000x1xf32, #tpu.memory_space<vmem>>, vector<2000x1xf32>
    tpu.vector_store %arg7[%swap3A_43, %swap3A_44], %dot_general3A_42 {strides = array<i32>} : memref<2000x1xf32, #tpu.memory_space<vmem>>, vector<2000x1xf32>,
    %get3A_46 = arith.constant 0 : index
    %get3A_47 = arith.constant 0 : index
    %get3A_48 = vector.load %arg5[%get3A_46, %get3A_47] : memref<128x1xf32, #tpu.memory_space<vmem>>, vector<128x1xf32>
    %dot_general3A_49 = arith.constant dense<0.000000e+00> : vector<2000x1xf32>
    %dot_general3A_50 = tpu.matmul %add3A_35, %get3A_48, %dot_general3A_49 {dimension_numbers = #tpu.dot_dimension_numbers<[1], [0], [0], [1], [0, 0, 1, 1], [], []>, transpose_lhs_hint = false} : vector<2000x128xf32>, vector<128x1xf32>, vector<2000x1xf32> -> vector<2000x1xf32>
    %swap3A_51 = arith.constant 0 : index
    %swap3A_52 = arith.constant 0 : index
    %swap3A_53 = vector.load %arg8[%swap3A_51, %swap3A_52] : memref<2000x1xf32, #tpu.memory_space<vmem>>, vector<2000x1xf32>
    tpu.vector_store %arg8[%swap3A_51, %swap3A_52], %dot_general3A_50 {strides = array<i32>} : memref<2000x1xf32, #tpu.memory_space<vmem>>, vector<2000x1xf32>,
    return
  }
  func.func @transform_0(%arg0: i32) -> (i32, i32, i32) {
    %c0_i32 = arith.constant 0 : i32
    %c0_i32_0 = arith.constant 0 : i32
    %c0_i32_1 = arith.constant 0 : i32
    return %c0_i32, %arg0, %c0_i32_0 : i32, i32, i32
  }
  func.func @transform_1(%arg0: i32) -> (i32, i32) {
    %c0_i32 = arith.constant 0 : i32
    %c0_i32_0 = arith.constant 0 : i32
    %c0_i32_1 = arith.constant 0 : i32
    return %c0_i32, %c0_i32_0 : i32, i32
  }
  func.func @transform_2(%arg0: i32) -> (i32, i32) {
    %c0_i32 = arith.constant 0 : i32
    %c0_i32_0 = arith.constant 0 : i32
    %c0_i32_1 = arith.constant 0 : i32
    return %c0_i32, %c0_i32_0 : i32, i32
  }
  func.func @transform_3(%arg0: i32) -> (i32, i32) {
    %c0_i32 = arith.constant 0 : i32
    %c0_i32_0 = arith.constant 0 : i32
    %c0_i32_1 = arith.constant 0 : i32
    return %c0_i32, %c0_i32_0 : i32, i32
  }
  func.func @transform_4(%arg0: i32) -> (i32, i32) {
    %c0_i32 = arith.constant 0 : i32
    %c0_i32_0 = arith.constant 0 : i32
    %c0_i32_1 = arith.constant 0 : i32
    return %c0_i32, %c0_i32_0 : i32, i32
  }
  func.func @transform_5(%arg0: i32) -> (i32, i32) {
    %c0_i32 = arith.constant 0 : i32
    %c0_i32_0 = arith.constant 0 : i32
    return %arg0, %c0_i32 : i32, i32
  }
  func.func @transform_6(%arg0: i32) -> (i32, i32) {
    %c0_i32 = arith.constant 0 : i32
    %c0_i32_0 = arith.constant 0 : i32
    return %arg0, %c0_i32 : i32, i32
  }
  func.func @transform_7(%arg0: i32) -> (i32, i32) {
    %c0_i32 = arith.constant 0 : i32
    %c0_i32_0 = arith.constant 0 : i32
    return %arg0, %c0_i32 : i32, i32
  }
}

module attributes {stable_mosaic.version = 14 : i64} {
  func.func @_final_body(%arg0: i32, %arg1: memref<2x2000x128xf32, #tpu.memory_space<vmem>>, %arg2: memref<2x2000x1xf32, #tpu.memory_space<vmem>>, %arg3: memref<1x128xf32, #tpu.memory_space<vmem>>, %arg4: memref<2000x128xf32, #tpu.memory_space<vmem>>) attributes {dimension_semantics = [#tpu.dimension_semantics<arbitrary>], iteration_bounds = array<i64: 5>, scalar_prefetch = 0 : i64, scratch_operands = 0 : i64, tpu.core_type = #tpu.core_type<tc>, window_params = [{transform_indices = @transform_0, window_bounds = array<i64: 2, 2000, 128>}, {transform_indices = @transform_1, window_bounds = array<i64: 2, 2000, 1>}, {pipeline_mode = #tpu.pipeline_mode<synchronous>, transform_indices = @transform_2, window_bounds = array<i64: 1, 128>}, {transform_indices = @transform_3, window_bounds = array<i64: 2000, 128>}]} {
    %get3A = arith.constant 0 : index
    %get3A_0 = arith.constant 0 : index
    %get3A_1 = arith.constant 0 : index
    %get3A_2 = vector.load %arg2[%get3A, %get3A_0, %get3A_1] : memref<2x2000x1xf32, #tpu.memory_space<vmem>>, vector<1x2000x1xf32>
    %get3A_3 = vector.shape_cast %get3A_2 : vector<1x2000x1xf32> to vector<2000x1xf32>
    %get3A_4 = arith.constant 1 : index
    %get3A_5 = arith.constant 0 : index
    %get3A_6 = arith.constant 0 : index
    %get3A_7 = vector.load %arg2[%get3A_4, %get3A_5, %get3A_6] : memref<2x2000x1xf32, #tpu.memory_space<vmem>>, vector<1x2000x1xf32>
    %get3A_8 = vector.shape_cast %get3A_7 : vector<1x2000x1xf32> to vector<2000x1xf32>
    %add3A = arith.addf %get3A_3, %get3A_8 : vector<2000x1xf32>
    %get3A_9 = arith.constant 0 : index
    %get3A_10 = arith.constant 0 : index
    %get3A_11 = arith.constant 0 : index
    %get3A_12 = vector.load %arg1[%get3A_9, %get3A_10, %get3A_11] : memref<2x2000x128xf32, #tpu.memory_space<vmem>>, vector<1x2000x128xf32>
    %get3A_13 = vector.shape_cast %get3A_12 : vector<1x2000x128xf32> to vector<2000x128xf32>
    %get3A_14 = arith.constant 1 : index
    %get3A_15 = arith.constant 0 : index
    %get3A_16 = arith.constant 0 : index
    %get3A_17 = vector.load %arg1[%get3A_14, %get3A_15, %get3A_16] : memref<2x2000x128xf32, #tpu.memory_space<vmem>>, vector<1x2000x128xf32>
    %get3A_18 = vector.shape_cast %get3A_17 : vector<1x2000x128xf32> to vector<2000x128xf32>
    %add3A_19 = arith.addf %get3A_13, %get3A_18 : vector<2000x128xf32>
    %div3A = vector.broadcast %add3A : vector<2000x1xf32> to vector<2000x128xf32>
    %div3A_20 = arith.divf %add3A_19, %div3A : vector<2000x128xf32>
    %get3A_21 = arith.constant 0 : index
    %get3A_22 = arith.constant 0 : index
    %get3A_23 = vector.load %arg3[%get3A_21, %get3A_22] : memref<1x128xf32, #tpu.memory_space<vmem>>, vector<1x128xf32>
    %add3A_24 = vector.broadcast %get3A_23 : vector<1x128xf32> to vector<2000x128xf32>
    %add3A_25 = arith.addf %div3A_20, %add3A_24 : vector<2000x128xf32>
    %reduce_max3A = arith.constant dense<0xFF800000> : vector<2000xf32>
    %reduce_max3A_26 = vector.multi_reduction <maximumf>, %add3A_25, %reduce_max3A [1] : vector<2000x128xf32> to vector<2000xf32>
    %broadcast_in_dim3A = vector.shape_cast %reduce_max3A_26 : vector<2000xf32> to vector<2000x1xf32>
    %sub3A = vector.broadcast %broadcast_in_dim3A : vector<2000x1xf32> to vector<2000x128xf32>
    %sub3A_27 = arith.subf %add3A_25, %sub3A : vector<2000x128xf32>
    %exp3A = math.exp %sub3A_27 : vector<2000x128xf32>
    %sub3A_28 = vector.broadcast %broadcast_in_dim3A : vector<2000x1xf32> to vector<2000x128xf32>
    %sub3A_29 = arith.subf %add3A_25, %sub3A_28 : vector<2000x128xf32>
    %reduce_sum3A = arith.constant dense<0.000000e+00> : vector<2000xf32>
    %reduce_sum3A_30 = vector.multi_reduction <add>, %exp3A, %reduce_sum3A [1] : vector<2000x128xf32> to vector<2000xf32>
    %broadcast_in_dim3A_31 = vector.shape_cast %reduce_sum3A_30 : vector<2000xf32> to vector<2000x1xf32>
    %log3A = math.log %broadcast_in_dim3A_31 : vector<2000x1xf32>
    %sub3A_32 = vector.broadcast %log3A : vector<2000x1xf32> to vector<2000x128xf32>
    %sub3A_33 = arith.subf %sub3A_29, %sub3A_32 : vector<2000x128xf32>
    %swap3A = arith.constant 0 : index
    %swap3A_34 = arith.constant 0 : index
    %swap3A_35 = vector.load %arg4[%swap3A, %swap3A_34] : memref<2000x128xf32, #tpu.memory_space<vmem>>, vector<2000x128xf32>
    tpu.vector_store %arg4[%swap3A, %swap3A_34], %sub3A_33 {strides = array<i32>} : memref<2000x128xf32, #tpu.memory_space<vmem>>, vector<2000x128xf32>,
    return
  }
  func.func @transform_0(%arg0: i32) -> (i32, i32, i32) {
    %c0_i32 = arith.constant 0 : i32
    %c0_i32_0 = arith.constant 0 : i32
    %c0_i32_1 = arith.constant 0 : i32
    return %c0_i32, %arg0, %c0_i32_0 : i32, i32, i32
  }
  func.func @transform_1(%arg0: i32) -> (i32, i32, i32) {
    %c0_i32 = arith.constant 0 : i32
    %c0_i32_0 = arith.constant 0 : i32
    %c0_i32_1 = arith.constant 0 : i32
    return %c0_i32, %arg0, %c0_i32_0 : i32, i32, i32
  }
  func.func @transform_2(%arg0: i32) -> (i32, i32) {
    %c0_i32 = arith.constant 0 : i32
    %c0_i32_0 = arith.constant 0 : i32
    %c0_i32_1 = arith.constant 0 : i32
    return %c0_i32, %c0_i32_0 : i32, i32
  }
  func.func @transform_3(%arg0: i32) -> (i32, i32) {
    %c0_i32 = arith.constant 0 : i32
    %c0_i32_0 = arith.constant 0 : i32
    return %arg0, %c0_i32 : i32, i32
  }
}

</mosaic_0001>

<sc_bundles>
// kernel: kernel.10.cloned.1.call-start
scs
__scs_entry_jumppad:
0x0: {  	(pc) =	sbr.rel $0x88, $3  }
0x1: {  	(tag) =	ssettag $0x0;
	lr =	simm.s32 $0x1  }
0x2: {  	[smem:$0x3F97] =	sst lr;
	_ =	strace $0xD0000000  }
0x3: {  	_ = 	snop  }
0x4: {  	_ = 	snop  }
0x5: {  	_ = 	snop  }
0x6: {  	_ = 	snop  }
0x7: {  	_ = 	snop  }
__scs_overlays_trampoline_lowered:
0x8: {  	[smem:$0x3FA6] =	sst s0  }
0x9: {  	[smem:$0x3FA7] =	sst s1  }
0xa: {  	[smem:$0x3FA8] =	sst s2  }
0xb: {  	[smem:$0x3FA9] =	sst s3  }
0xc: {  	[smem:$0x3FAA] =	sst s4  }
0xd: {  	[smem:$0x3FAB] =	sst s5  }
0xe: {  	[smem:$0x3FAC] =	sst s6  }
0xf: {  	[smem:$0x3FAD] =	sst s7  }
0x10: {  	[smem:$0x3FAE] =	sst s8  }
0x11: {  	[smem:$0x3FAF] =	sst s9;
	s0 =	simm.s32 @!p0 $0x0  }
0x12: {  	s1 =	sld [smem:$0x3F95];
	s0 =	simm.s32 @p0 $0x1  }
0x13: {  	[smem:$0x3FB0] =	sst s0;
	s0 =	simm.s32 @!p1 $0x0  }
0x14: {  	s2 =	sld [smem:$0x3F94];
	s0 =	simm.s32 @p1 $0x1  }
0x15: {  	[smem:$0x3FB1] =	sst s0;
	s0 =	simm.s32 @!p2 $0x0  }
0x16: {  	s3 =	sld [smem:$0x3FDB];
	s0 =	simm.s32 @p2 $0x1  }
0x17: {  	s4 =	simm.s32 $0x1BF5;
	[smem:$0x3FB3] =	sst s0  }
0x18: {  	s0 =	sld [smem:$0x3F96];
	_ =	swait.ge [sflag:s4], $0x0  }
0x19: {  	s7 =	sld [smem:$0x3F97]  }
0x1a: {  	s8 =	sadd.s32 $0xFFFFE003, lr  }
0x1b: {  	s9 =	sadd.s32 $0xFFFFFEF7, lr;
	s5 =	simm.s32 $0xFFFFFFFF;
	p2 =	slt.u32 s8, $0xFFFFF086  }
0x1c: {  	p1 =	slt.u32 s9, $0xF7A;
	s5 =	simm.s32 @!p2 $0x0  }
0x1d: {  	s5 =	simm.s32 @p1 $0x1;
	p0 =	seq.s32 s7, s2  }
0x1e: {  	s7 =	smul.u32 @!p0 $0xF7A, s2;
	p2 =	seq.s32 @!p0 s5, $0x0  }
0x1f: {  	s9 =	smul.u32 $0xF7A, s1;
	s8 =	simm.s32 @!p0 $0x1BF5;
	p2 =	por !p2, p0  }
0x20: {  	[sflag:s8] =	ssyncset.s32 @!p0 $0xFFFFF086;
	s6 =	sadd.s32 @!p0 s3, s7;
	s7 =	simm.s32 @!p0 $0x108  }
0x21: {  	s3 =	sadd.s32 s3, s9;
	s6 =	sadd.s32 @!p0 $0x88, s6;
	s7 =	simm.s32 @p2 $0x1082  }
0x22: {  	[simem:s7], [sflag:s8] =	dma.local @!p0 [hbm:s6], $0xF7A  }
0x23: {  	s9 =	sor.u32 $0xD0000000, s2;
	s6 =	simm.s32 $0x108;
	_ =	swait.ge @!p0 [sflag:s8], $0x0  }
0x24: {  	s3 =	sadd.s32 $0x88, s3;
	s6 =	simm.s32 @!p1 $0x1082;
	[sflag:s4] =	ssyncset.s32 $0xFFFFF086  }
0x25: {  	[simem:s6], [sflag:s4] =	dma.local [hbm:s3], $0xF7A  }
0x26: {  	[smem:$0x3F97] =	sst s1;
	(tag) =	ssettag s2;
	_ =	strace s9  }
0x27: {  	s1 =	sld [smem:$0x3FA7]  }
0x28: {  	s2 =	sld [smem:$0x3FA8]  }
0x29: {  	s4 =	sld [smem:$0x3FAA]  }
0x2a: {  	p0 =	seq.s32 s5, $0x0;
	s5 =	sld [smem:$0x3FAB]  }
0x2b: {  	s6 =	sld [smem:$0x3FAC]  }
0x2c: {  	s7 =	sld [smem:$0x3FAD]  }
0x2d: {  	s3 =	simm.s32 $0x108;
	s8 =	sld [smem:$0x3FAE]  }
0x2e: {  	s3 =	simm.s32 @!p0 $0x1082;
	s9 =	sld [smem:$0x3FAF]  }
0x2f: {  	lr =	sadd.s32 s0, s3;
	s0 =	sld [smem:$0x3FA6]  }
0x30: {  	s3 =	sld [smem:$0x3FA9]  }
0x31: {  	[smem:$0x3FB2] =	sst s10  }
0x32: {  	s10 =	sld [smem:$0x3FB0];
	_ =	sdelay $0x3  }
0x33: {  	p0 =	seq.s32 s10, $0x1;
	s10 =	sld [smem:$0x3FB2];
	_ =	sdelay $0x3  }
0x34: {  	[smem:$0x3FB2] =	sst s10  }
0x35: {  	s10 =	sld [smem:$0x3FB1];
	_ =	sdelay $0x3  }
0x36: {  	p1 =	seq.s32 s10, $0x1;
	s10 =	sld [smem:$0x3FB2];
	_ =	sdelay $0x3  }
0x37: {  	[smem:$0x3FB2] =	sst s10  }
0x38: {  	s10 =	sld [smem:$0x3FB3]  }
0x39: {  	_ = 	snop;
	(pc) =	sbr.ind lr, $3  }
0x3a: {  	_ = 	snop  }
0x3b: {  	_ = 	snop  }
0x3c: {  	p2 =	seq.s32 s10, $0x1;
	s10 =	sld [smem:$0x3FB2]  }
0x3d: {  	_ =	shalt  }
0x3e: {  	_ =	shalt  }
0x3f: {  	_ =	shalt  }
0x40: {  	_ =	shalt  }
0x41: {  	_ =	shalt  }
0x42: {  	_ =	shalt  }
0x43: {  	_ =	shalt  }
0x44: {  	_ =	shalt  }
0x45: {  	_ =	shalt  }
0x46: {  	_ =	shalt  }
0x47: {  	_ =	shalt  }
0x48: {  	_ =	shalt  }
0x49: {  	_ =	shalt  }
0x4a: {  	_ =	shalt  }
0x4b: {  	_ =	shalt  }
0x4c: {  	_ =	shalt  }
0x4d: {  	_ =	shalt  }
0x4e: {  	_ =	shalt  }
0x4f: {  	_ =	shalt  }
0x50: {  	_ =	shalt  }
0x51: {  	_ =	shalt  }
0x52: {  	_ =	shalt  }
0x53: {  	_ =	shalt  }
0x54: {  	_ =	shalt  }
0x55: {  	_ =	shalt  }
0x56: {  	_ =	shalt  }
0x57: {  	_ =	shalt  }
0x58: {  	_ =	shalt  }
0x59: {  	_ =	shalt  }
0x5a: {  	_ =	shalt  }
0x5b: {  	_ =	shalt  }
0x5c: {  	_ =	shalt  }
0x5d: {  	_ =	shalt  }
0x5e: {  	_ =	shalt  }
0x5f: {  	_ =	shalt  }
0x60: {  	_ =	shalt  }
0x61: {  	_ =	shalt  }
0x62: {  	_ =	shalt  }
0x63: {  	_ =	shalt  }
0x64: {  	_ =	shalt  }
0x65: {  	_ =	shalt  }
0x66: {  	_ =	shalt  }
0x67: {  	_ =	shalt  }
0x68: {  	_ =	shalt  }
0x69: {  	_ =	shalt  }
0x6a: {  	_ =	shalt  }
0x6b: {  	_ =	shalt  }
0x6c: {  	_ =	shalt  }
0x6d: {  	_ =	shalt  }
0x6e: {  	_ =	shalt  }
0x6f: {  	_ =	shalt  }
0x70: {  	_ =	shalt  }
0x71: {  	_ =	shalt  }
0x72: {  	_ =	shalt  }
0x73: {  	_ =	shalt  }
0x74: {  	_ =	shalt  }
0x75: {  	_ =	shalt  }
0x76: {  	_ =	shalt  }
0x77: {  	_ =	shalt  }
0x78: {  	_ =	shalt  }
0x79: {  	_ =	shalt  }
0x7a: {  	_ =	shalt  }
0x7b: {  	_ =	shalt  }
0x7c: {  	_ =	shalt  }
0x7d: {  	_ =	shalt  }
0x7e: {  	_ =	shalt  }
0x7f: {  	_ =	shalt  }
0x80: {  	_ =	shalt  }
0x81: {  	_ =	shalt  }
0x82: {  	_ =	shalt  }
0x83: {  	_ =	shalt  }
0x84: {  	_ =	shalt  }
0x85: {  	_ =	shalt  }
0x86: {  	_ =	shalt  }
0x87: {  	_ =	shalt  }
.Lfunc_end0:
.L_simem_size_0:
called_computation.1_lowered:
.L_overlay_start_0:
0x88: {  	s2 =	sld [smem:$0x3FD9]  }
0x89: {  	s3 =	sld [smem:$0x3FFE];
	_ =	sdelay $0x1  }
0x8a: {  	s1 =	srdreg.scid  }
0x8b: {  	s0 =	sand.u32 $0x1, s1  }
0x8c: {  	s17 =	sshll.u32 s0, $0xA;
	s2 =	sadd.s32 s3, s2  }
0x8d: {  	s2 =	sadd.s32 s2, s17  }
0x8e: {  	[smem:$0x3FBE] =	sst s2  }
0x8f: {  	_ = 	snop  }
0x90: {  	s2 =	sld [smem:$0x3FD0];
	(tm) =	ssettm $0x1  }
0x91: {  	s18 =	sld [smem:$0x3FFB];
	_ =	sdelay $0x3  }
0x92: {  	_ =	strace s18  }
0x93: {  	s3 =	sld [smem:$0x3FFC];
	_ =	sdelay $0x3  }
0x94: {  	_ =	strace s3  }
0x95: {  	s3 =	sld [smem:$0x3FFD];
	_ =	sdelay $0x3  }
0x96: {  	_ =	strace s3  }
0x97: {  	_ =	strace $0x8FFFFFFF  }
0x98: {  	s19 =	sld [smem:$0x3FDB];
	_ =	sdelay $0x1  }
0x99: {  	s4 =	simm.s32 $_scs_section_size  }
0x9a: {  	s5 =	simm.s32 $_size__tile_overlayer_lowered;
	s6 =	simm.s32 $_tile_overlayer_lowered  }
0x9b: {  	s22 =	simm.s32 $0x1BFF;
	s21 =	sshll.u32 s6, $0x1;
	s3 =	sadd.s32 s4, s19  }
0x9c: {  	s7 =	simm.s32 $0x0;
	s20 =	sshll.u32 s5, $0x1;
	s5 =	sadd.s32 s21, s3  }
0x9d: {  	[timem:s7], [sflag:s22] =	dma.local [hbm:s5], s20  }
0x9e: {  	_ =	swait.ge [sflag:s22], s20  }
0x9f: {  	s4 =	ssub.s32 $0x0, s20;
	[sflag:s22] =	ssyncset.done $0x0  }
0xa0: {  	[sflag:s22] =	ssyncadd.s32 s4;
	_ =	sdelay $0x1  }
0xa1: {  	s23 =	simm.s32 $0x1B8B  }
0xa2: {  	_ =	swait.ge [sflag:s23], $0x1  }
0xa3: {  	[sflag:s23] =	ssyncset.done $0x0  }
0xa4: {  	s25 =	simm.s32 $0x1B8E;
	s24 =	sld [smem:$0x3FFE];
	[sflag:s23] =	ssyncadd.s32 $0xFFFFFFFF  }
0xa5: {  	s26 =	simm.s32 $execute0_lowered;
	[smem:$0x3FD2] =	sst s25  }
0xa6: {  	s5 =	sshll.u32 s26, $0x1;
	_ =	strace $0x80000049;
	[dreg:$0x1] =	wrdreg $0xFFFFFFFF  }
0xa7: {  	s28 =	simm.s32 $_size_execute0_lowered;
	s3 =	sadd.s32 s3, s5;
	[dreg:$0x0] =	wrdreg $0x0  }
0xa8: {  	s5 =	sshll.u32 s28, $0x1;
	[dreg:$0x2] =	wrdreg s3  }
0xa9: {  	[dreg:$0x3] =	wrdreg s5  }
0xaa: {  	[dreg:$0x4] =	wrdreg $0xC0  }
0xab: {  	_ =	task [dreg:s7], $0x5FFFF  }
0xac: {  	[dreg:$0x1] =	wrdreg $0xFFFFFFFF  }
0xad: {  	[dreg:$0x0] =	wrdreg $0x60  }
0xae: {  	[dreg:$0x2] =	wrdreg s2  }
0xaf: {  	[dreg:$0x3] =	wrdreg s24  }
0xb0: {  	[dreg:$0x4] =	wrdreg $0x9D800  }
0xb1: {  	[dreg:$0x5] =	wrdreg $0x1DD800  }
0xb2: {  	[dreg:$0x6] =	wrdreg $0x9  }
0xb3: {  	_ =	task.clear_ibuf [dreg:s7], $0x7FFFF;
	_ =	strace $0x90000049  }
0xb4: {  	s29 =	simm.s32 $0x9;
	_ =	strace $0x8000004B  }
0xb5: {  	_ =	swait.ge [sflag:s29], $0x1  }
0xb6: {  	[sflag:s29] =	ssyncadd.s32 $0xFFFFFFFF  }
0xb7: {  	_ =	strace $0x9000004B  }
0xb8: {  	_ =	sfence  }
0xb9: {  	s30 =	sld [smem:$0x0];
	_ =	sdelay $0x2  }
0xba: {  	s31 =	sshll.u32 s1, $0xD;
	s1 =	sshrl.u32 s1, $0x2  }
0xbb: {  	s3 =	sand.u32 $0x4000, s31;
	s1 =	sadd.s32 s1, s30  }
0xbc: {  	s0 =	sor.u32 s3, s0;
	s1 =	sshll.u32 s1, $0x11  }
0xbd: {  	s0 =	sor.u32 s1, s0  }
0xbe: {  	s0 =	sadd.s32 $0x8F2B, s0  }
0xbf: {  	[sflag:s0] =	ssyncadd.remote.s32 $0x1  }
0xc0: {  	_ =	sfence.sel $0xFFFF  }
0xc1: {  	[dreg:$0x0] =	wrdreg $0xFFFFFFFF;
	(pc) =	sbr.abs _section_cstart, $3  }
0xc2: {  	[dreg:$0x1] =	wrdreg $0xFFFFFFFF  }
0xc3: {  	_ =	task.clear_ibuf [dreg:s7], $0x2FFFF;
	_ =	strace $0x9FFFFFFF  }
0xc4: {  	(tm) =	ssettm $0x7FFFFFFF  }
0xc5: {  	_ =	shalt  }
tec
execute0_lowered:
.L_overlay_start_1:
0x0: {  	(tag) =	ssettag $0x1  }
0x1: {  	s1 =	rddreg [dreg:$0x0]  }
0x2: {  	s0 =	rddreg [dreg:$0x1]  }
0x3: {  	s2 =	rddreg [dreg:$0x2]  }
0x4: {  	s3 =	rddreg [dreg:$0x3]  }
0x5: {  	s4 =	simm.s32 $0x0;
	s20 =	srdreg.scid;
	s23 =	stileid.u32  }
0x6: {  	s29 =	simm.s32 $0x2780;
	s30 =	simm.s32 $0x4F00;
	s31 =	simm.s32 $0x5300  }
0x7: {  	s28 =	simm.s32 $0x1;
	[smem:$0x7FF] =	sst s4;
	s21 =	smul.u32 $0x500, s23  }
0x8: {  	s5 =	sadd.s32 $0x600, s0;
	s6 =	sadd.s32 $0xC00, s0;
	s16 =	smul.u32 $0x280, s23  }
0x9: {  	s8 =	sadd.s32 $0xA9C00, s0;
	s9 =	sadd.s32 $0xB4C00, s0;
	s11 =	smul.u32 $0x50000, s23  }
0xa: {  	s18 =	sadd.s32 $0x1C00, s0;
	_ =	strace $0x8000004A;
	[dreg:$0x5] =	wrdreg s5  }
0xb: {  	s14 =	smul.u32 $0x2C00, s23;
	[dreg:$0x6] =	wrdreg s6;
	s5 =	sand.u32 $0x1, s20  }
0xc: {  	s7 =	sshll.u32 s5, $0x7;
	s22 =	ssub.s32 $0x2, s5;
	s13 =	smul.u32 $0x2C000, s5  }
0xd: {  	s24 =	sshrl.u32 s11, $0x2;
	s15 =	sshll.u32 s16, $0x7;
	s19 =	smul.u32 $0x140000, s5  }
0xe: {  	s5 =	sshll.u32 s5, $0x4;
	s16 =	sadd.s32 s16, s3;
	s6 =	sor.u32 s7, s21  }
0xf: {  	s10 =	sshrl.u32 s22, $0x1;
	s25 =	sadd.s32 $0x4000, s15;
	s17 =	sadd.s32 $0x8000, s15  }
0x10: {  	s20 =	sadd.s32 $0xC000, s15;
	s21 =	smul.u32 $0x14000, s23;
	s15 =	sadd.s32 $0x10000, s15  }
0x11: {  	s5 =	sor.u32 s23, s5;
	s6 =	sshrl.u32 s6, $0x3;
	s11 =	sadd.s32 s25, s2  }
0x12: {  	s12 =	sadd.s32 s17, s2;
	s13 =	sadd.s32 s14, s13;
	s14 =	sadd.s32 s20, s2  }
0x13: {  	s7 =	sadd.s32 s19, s25;
	s20 =	sadd.s32 s19, s20;
	s0 =	sadd.s32 s6, s0  }
0x14: {  	s6 =	ssub.s32 s22, s10;
	s10 =	sadd.s32 s24, s2;
	s21 =	sadd.s32 s21, s19  }
0x15: {  	s22 =	sadd.s32 s19, s17;
	s19 =	sadd.s32 s19, s15;
	s7 =	sshrl.u32 s7, $0x3  }
0x16: {  	s15 =	sadd.s32 s15, s2;
	s26 =	sshrl.u32 s21, $0x3;
	s21 =	sadd.s32 s18, s7  }
0x17: {  	s17 =	smul.u32 $0x2C00, s5;
	s0 =	sadd.s32 $0x1200, s0;
	[dreg:$0x8] =	wrdreg s21  }
0x18: {  	s24 =	sshrl.u32 s19, $0x3;
	s5 =	sadd.s32 s18, s26;
	[dreg:$0xc] =	wrdreg s0  }
0x19: {  	s23 =	sshrl.u32 s20, $0x3;
	s25 =	sadd.s32 s18, s24;
	[dreg:$0x7] =	wrdreg s5  }
0x1a: {  	s22 =	sshrl.u32 s22, $0x3;
	s26 =	smax.u32 s6, $0x1;
	[dreg:$0xb] =	wrdreg s25  }
0x1b: {  	s0 =	simm.s32 $0x80;
	s5 =	sadd.s32 s18, s22;
	[dreg:$0xd] =	wrdreg s26  }
0x1c: {  	s25 =	simm.s32 $0x5B00;
	[dreg:$0x9] =	wrdreg s5;
	s5 =	sadd.s32 s18, s23  }
0x1d: {  	v0 =	vimm.f32 $0.0e+00;
	s26 =	simm.s32 $0x2;
	[dreg:$0xa] =	wrdreg s5;
	s5 =	simm.s32 $0x5700  }
.LBB2_1:
0x1e: {  	s6 =	simm.s32 $0x0;
	s7 =	simm.s32 $0x200  }
.LBB2_2:
0x1f: {  	p0 =	sne.s32 s7, $0xFE00;
	[tilespmem:s6+$0x5B70] =	vst v0  }
0x20: {  	[tilespmem:s6+$0x5B00] =	vst v0  }
0x21: {  	[tilespmem:s6+$0x5B10] =	vst v0  }
.Ltmp0:
0x22: {  	[tilespmem:s6+$0x5B20] =	vst v0;
	(pc) =	sbr.rel @p0 .LBB2_2-.Ltmp0, $4  }
0x23: {  	[tilespmem:s6+$0x5B30] =	vst v0  }
0x24: {  	[tilespmem:s6+$0x5B40] =	vst v0  }
0x25: {  	[tilespmem:s6+$0x5B50] =	vst v0  }
0x26: {  	[tilespmem:s6+$0x5B60] =	vst v0;
	s6 =	sshra.s32 s7, $0x2;
	s7 =	sadd.s32 $0x200, s7  }
0x27: {  	[tilespmem:s6+$0x5B70] =	vst v0  }
0x28: {  	[tilespmem:s6+$0x5B00] =	vst v0  }
0x29: {  	[tilespmem:s6+$0x5B10] =	vst v0  }
0x2a: {  	[tilespmem:s6+$0x5B20] =	vst v0  }
0x2b: {  	[tilespmem:s6+$0x5B30] =	vst v0  }
0x2c: {  	[tilespmem:s6+$0x5B40] =	vst v0  }
0x2d: {  	[tilespmem:s6+$0x5B50] =	vst v0  }
0x2e: {  	[tilespmem:s6+$0x5B60] =	vst v0  }
0x2f: {  	[tilespmem:$0x9B00] =	vst v0  }
0x30: {  	[tilespmem:$0x9B10] =	vst v0  }
0x31: {  	[tilespmem:$0x9B20] =	vst v0  }
0x32: {  	[tilespmem:$0x9B30] =	vst v0  }
0x33: {  	[tilespmem:$0x9B40] =	vst v0  }
0x34: {  	[tilespmem:$0x9B50] =	vst v0  }
0x35: {  	[tilespmem:$0x9B60] =	vst v0  }
0x36: {  	[tilespmem:$0x9B70] =	vst v0  }
0x37: {  	[tilespmem:$0x9B80] =	vst v0  }
0x38: {  	[tilespmem:$0x9B90] =	vst v0  }
0x39: {  	[tilespmem:$0x9BA0] =	vst v0  }
0x3a: {  	[tilespmem:$0x9BB0] =	vst v0  }
0x3b: {  	[tilespmem:$0x9BC0] =	vst v0  }
0x3c: {  	[tilespmem:$0x9BD0] =	vst v0  }
0x3d: {  	[tilespmem:$0x9BE0] =	vst v0  }
0x3e: {  	[tilespmem:$0x9BF0] =	vst v0  }
0x3f: {  	[tilespmem:$0x9C00] =	vst v0  }
0x40: {  	[tilespmem:$0x9C10] =	vst v0  }
0x41: {  	[tilespmem:$0x9C20] =	vst v0  }
0x42: {  	[tilespmem:$0x9C30] =	vst v0  }
0x43: {  	[tilespmem:$0x9C40] =	vst v0  }
0x44: {  	[tilespmem:$0x9C50] =	vst v0  }
0x45: {  	[tilespmem:$0x9C60] =	vst v0  }
0x46: {  	[tilespmem:$0x9C70] =	vst v0  }
0x47: {  	[tilespmem:$0x9C80] =	vst v0  }
0x48: {  	[tilespmem:$0x9C90] =	vst v0  }
0x49: {  	[tilespmem:$0x9CA0] =	vst v0  }
0x4a: {  	[tilespmem:$0x9CB0] =	vst v0  }
0x4b: {  	[tilespmem:$0x9CC0] =	vst v0  }
0x4c: {  	[tilespmem:$0x9CD0] =	vst v0  }
0x4d: {  	[tilespmem:$0x9CE0] =	vst v0  }
0x4e: {  	[tilespmem:$0x9CF0] =	vst v0  }
0x4f: {  	[tilespmem:$0x9D00] =	vst v0  }
0x50: {  	[tilespmem:$0x9D10] =	vst v0  }
0x51: {  	[tilespmem:$0x9D20] =	vst v0  }
0x52: {  	[tilespmem:$0x9D30] =	vst v0  }
0x53: {  	[tilespmem:$0x9D40] =	vst v0  }
0x54: {  	[tilespmem:$0x9D50] =	vst v0  }
0x55: {  	[tilespmem:$0x9D60] =	vst v0  }
0x56: {  	[tilespmem:$0x9D70] =	vst v0  }
0x57: {  	[spmem:s10] =	stream.linear.scatter [tilespmem:s25], [sflag:$0x2], $0x4000, $0x38;
	[tilespmem:$0x1E000] =	vst v63  }
0x58: {  	_ =	swait.ge [sflag:s26], $0x4000  }
0x59: {  	[sflag:s26] =	ssyncset.done $0x0  }
0x5a: {  	[sflag:s26] =	ssyncadd.s32 $0xFFFFC000  }
0x5b: {  	[spmem:s11] =	stream.linear.scatter [tilespmem:s25], [sflag:$0x2], $0x4000, $0x38;
	[tilespmem:$0x1E000] =	vst v63  }
0x5c: {  	_ =	swait.ge [sflag:s26], $0x4000  }
0x5d: {  	[sflag:s26] =	ssyncset.done $0x0  }
0x5e: {  	[sflag:s26] =	ssyncadd.s32 $0xFFFFC000  }
0x5f: {  	[spmem:s12] =	stream.linear.scatter [tilespmem:s25], [sflag:$0x2], $0x4000, $0x38;
	[tilespmem:$0x1E000] =	vst v63  }
0x60: {  	_ =	swait.ge [sflag:s26], $0x4000  }
0x61: {  	[sflag:s26] =	ssyncset.done $0x0  }
0x62: {  	[sflag:s26] =	ssyncadd.s32 $0xFFFFC000  }
0x63: {  	[spmem:s14] =	stream.linear.scatter [tilespmem:s25], [sflag:$0x2], $0x4000, $0x38;
	[tilespmem:$0x1E000] =	vst v63  }
0x64: {  	_ =	swait.ge [sflag:s26], $0x4000  }
0x65: {  	[sflag:s26] =	ssyncset.done $0x0  }
0x66: {  	[sflag:s26] =	ssyncadd.s32 $0xFFFFC000  }
0x67: {  	[spmem:s15] =	stream.linear.scatter [tilespmem:s25], [sflag:$0x2], $0x4000, $0x38;
	[tilespmem:$0x1E000] =	vst v63  }
0x68: {  	_ =	swait.ge [sflag:s26], $0x4000  }
0x69: {  	[sflag:s26] =	ssyncset.done $0x0  }
0x6a: {  	s23 =	simm.s32 $0x9B00;
	[sflag:s26] =	ssyncadd.s32 $0xFFFFC000  }
0x6b: {  	[spmem:s16] =	stream.linear.scatter [tilespmem:s23], [sflag:$0x2], $0x280, $0x38;
	[tilespmem:$0x1E000] =	vst v63  }
0x6c: {  	_ =	swait.ge [sflag:s26], $0x280  }
0x6d: {  	[sflag:s26] =	ssyncset.done $0x0  }
0x6e: {  	s6 =	simm.s32 $0x0;
	s7 =	rddreg [dreg:$0x5];
	[sflag:s26] =	ssyncadd.s32 $0xFFFFFD80  }
0x6f: {  	[tilespmem:s6], [sflag:$0x2] =	stream.linear.gather [hbm4b:s7+s6], $0x2780, $0x38;
	[tilespmem:$0x1E000] =	vst v63  }
0x70: {  	_ =	swait.ge [sflag:s26], $0x2780  }
0x71: {  	[sflag:s26] =	ssyncset.done $0x0  }
0x72: {  	s24 =	rddreg [dreg:$0x6];
	[sflag:s26] =	ssyncadd.s32 $0xFFFFD880  }
0x73: {  	[tilespmem:s29], [sflag:$0x2] =	stream.linear.gather [hbm4b:s24+s6], $0x2780, $0x38;
	[tilespmem:$0x1E000] =	vst v63  }
0x74: {  	_ =	swait.ge [sflag:s26], $0x2780  }
0x75: {  	[sflag:s26] =	ssyncset.done $0x0  }
0x76: {  	[sflag:s26] =	ssyncadd.s32 $0xFFFFD880  }
0x77: {  	s7 =	simm.s32 $0x0;
	[bflag:$0x0] =	sbarrier.arrive $0xFFFF  }
.LBB2_4:
0x78: {  	s18 =	sshll.u32 s7, $0xA  }
0x79: {  	s19 =	sadd.s32 s18, s13  }
0x7a: {  	s19 =	sshrl.u32 s19, $0x3  }
0x7b: {  	s20 =	sadd.s32 s8, s19  }
0x7c: {  	[tilespmem:s30], [sflag:$0x2] =	stream.linear.gather [hbm4b:s20+s6], $0x400, $0x38;
	[tilespmem:$0x1E000] =	vst v63  }
0x7d: {  	_ =	swait.ge [sflag:s26], $0x400  }
0x7e: {  	[sflag:s26] =	ssyncset.done $0x0  }
0x7f: {  	s19 =	sadd.s32 s9, s19;
	[sflag:s26] =	ssyncadd.s32 $0xFFFFFC00  }
0x80: {  	[tilespmem:s31], [sflag:$0x2] =	stream.linear.gather [hbm4b:s19+s6], $0x400, $0x38;
	[tilespmem:$0x1E000] =	vst v63  }
0x81: {  	_ =	swait.ge [sflag:s26], $0x400  }
0x82: {  	[sflag:s26] =	ssyncset.done $0x0  }
0x83: {  	s19 =	simm.s32 $0x0;
	[sflag:s26] =	ssyncadd.s32 $0xFFFFFC00  }
.LBB2_5:
0x84: {  	s21 =	sshll.u32 s19, $0x7  }
0x85: {  	v1 =	vld [tilespmem:s21+$0x4F00]  }
0x86: {  	v2 =	vld [tilespmem:s21+$0x5300];
	_ =	sdelay $0x5  }
0x87: {  	s22 =	simm.s32 $0x0  }
0x88: {  	v1 =	vld.idx.msk [tilespmem:v1+s22+$0x0], $0xffff  }
0x89: {  	v2 =	vld.idx.msk [tilespmem:v2+s29+$0x0], $0xffff;
	_ =	sdelay $0x4  }
0x8a: {  	v1 =	vadd.f32 v2, v1;
	_ =	sdelay $0x1  }
0x8b: {  	v2 =	vmul.f32 $2.000000030e-01, v1;
	_ =	sdelay $0x1  }
0x8c: {  	v1 =	vmax.f32 v1, v2  }
0x8d: {  	v1 =	vmul.f32 $1.442695020e+00, v1;
	_ =	sdelay $0x1  }
0x8e: {  	(erf) = vpow2.f32 v1;
	_ =	sdelay $0x3  }
0x8f: {  	v1 =	vld [tilespmem:s21+$0x4F10]  }
0x90: {  	v2 =	vld [tilespmem:s21+$0x5310];
	_ =	sdelay $0x1  }
0x91: {  	s20 =	sor.u32 s18, s21  }
0x92: {  	s20 =	sadd.s32 s17, s20  }
0x93: {  	p0 =	slt.u32 s20, $0x50910;
	v3 =	vpop (erf)  }
0x94: {  	v3 =	vpsel !p0, $0x0, v3  }
0x95: {  	[tilespmem:s21+$0x5700] =	vst v3  }
0x96: {  	v1 =	vld.idx.msk [tilespmem:v1+s22+$0x0], $0xffff  }
0x97: {  	v2 =	vld.idx.msk [tilespmem:v2+s29+$0x0], $0xffff;
	_ =	sdelay $0x4  }
0x98: {  	v1 =	vadd.f32 v2, v1;
	_ =	sdelay $0x1  }
0x99: {  	v2 =	vmul.f32 $2.000000030e-01, v1;
	_ =	sdelay $0x1  }
0x9a: {  	v1 =	vmax.f32 v1, v2  }
0x9b: {  	v1 =	vmul.f32 $1.442695020e+00, v1;
	_ =	sdelay $0x1  }
0x9c: {  	(erf) = vpow2.f32 v1;
	_ =	sdelay $0x3  }
0x9d: {  	v1 =	vld [tilespmem:s21+$0x4F20]  }
0x9e: {  	v2 =	vld [tilespmem:s21+$0x5320];
	_ =	sdelay $0x2  }
0x9f: {  	s23 =	sor.u32 $0x10, s20  }
0xa0: {  	p6 =	slt.u32 s23, $0x50910;
	v3 =	vpop (erf)  }
0xa1: {  	v3 =	vpsel !p6, $0x0, v3  }
0xa2: {  	[tilespmem:s21+$0x5710] =	vst v3  }
0xa3: {  	v1 =	vld.idx.msk [tilespmem:v1+s22+$0x0], $0xffff  }
0xa4: {  	v2 =	vld.idx.msk [tilespmem:v2+s29+$0x0], $0xffff;
	_ =	sdelay $0x4  }
0xa5: {  	v1 =	vadd.f32 v2, v1;
	_ =	sdelay $0x1  }
0xa6: {  	v2 =	vmul.f32 $2.000000030e-01, v1;
	_ =	sdelay $0x1  }
0xa7: {  	v1 =	vmax.f32 v1, v2  }
0xa8: {  	v1 =	vmul.f32 $1.442695020e+00, v1;
	_ =	sdelay $0x1  }
0xa9: {  	(erf) = vpow2.f32 v1;
	_ =	sdelay $0x3  }
0xaa: {  	v1 =	vld [tilespmem:s21+$0x4F30]  }
0xab: {  	v2 =	vld [tilespmem:s21+$0x5330];
	_ =	sdelay $0x2  }
0xac: {  	s24 =	sor.u32 $0x20, s20  }
0xad: {  	p1 =	slt.u32 s24, $0x50910;
	v3 =	vpop (erf)  }
0xae: {  	v3 =	vpsel !p1, $0x0, v3  }
0xaf: {  	[tilespmem:s21+$0x5720] =	vst v3  }
0xb0: {  	v1 =	vld.idx.msk [tilespmem:v1+s22+$0x0], $0xffff  }
0xb1: {  	v2 =	vld.idx.msk [tilespmem:v2+s29+$0x0], $0xffff;
	_ =	sdelay $0x4  }
0xb2: {  	v1 =	vadd.f32 v2, v1;
	_ =	sdelay $0x1  }
0xb3: {  	v2 =	vmul.f32 $2.000000030e-01, v1;
	_ =	sdelay $0x1  }
0xb4: {  	v1 =	vmax.f32 v1, v2  }
0xb5: {  	v1 =	vmul.f32 $1.442695020e+00, v1;
	_ =	sdelay $0x1  }
0xb6: {  	(erf) = vpow2.f32 v1;
	_ =	sdelay $0x3  }
0xb7: {  	v1 =	vld [tilespmem:s21+$0x4F40]  }
0xb8: {  	v2 =	vld [tilespmem:s21+$0x5340];
	_ =	sdelay $0x2  }
0xb9: {  	s24 =	sor.u32 $0x30, s20  }
0xba: {  	p2 =	slt.u32 s24, $0x50910;
	v3 =	vpop (erf)  }
0xbb: {  	v3 =	vpsel !p2, $0x0, v3  }
0xbc: {  	[tilespmem:s21+$0x5730] =	vst v3  }
0xbd: {  	v1 =	vld.idx.msk [tilespmem:v1+s22+$0x0], $0xffff  }
0xbe: {  	v2 =	vld.idx.msk [tilespmem:v2+s29+$0x0], $0xffff;
	_ =	sdelay $0x4  }
0xbf: {  	v1 =	vadd.f32 v2, v1;
	_ =	sdelay $0x1  }
0xc0: {  	v2 =	vmul.f32 $2.000000030e-01, v1;
	_ =	sdelay $0x1  }
0xc1: {  	v1 =	vmax.f32 v1, v2  }
0xc2: {  	v1 =	vmul.f32 $1.442695020e+00, v1;
	_ =	sdelay $0x1  }
0xc3: {  	(erf) = vpow2.f32 v1;
	_ =	sdelay $0x3  }
0xc4: {  	v1 =	vld [tilespmem:s21+$0x4F50]  }
0xc5: {  	v2 =	vld [tilespmem:s21+$0x5350];
	_ =	sdelay $0x2  }
0xc6: {  	s24 =	sor.u32 $0x40, s20  }
0xc7: {  	p3 =	slt.u32 s24, $0x50910;
	v3 =	vpop (erf)  }
0xc8: {  	v3 =	vpsel !p3, $0x0, v3  }
0xc9: {  	[tilespmem:s21+$0x5740] =	vst v3  }
0xca: {  	v1 =	vld.idx.msk [tilespmem:v1+s22+$0x0], $0xffff  }
0xcb: {  	v2 =	vld.idx.msk [tilespmem:v2+s29+$0x0], $0xffff;
	_ =	sdelay $0x4  }
0xcc: {  	v1 =	vadd.f32 v2, v1;
	_ =	sdelay $0x1  }
0xcd: {  	v2 =	vmul.f32 $2.000000030e-01, v1;
	_ =	sdelay $0x1  }
0xce: {  	v1 =	vmax.f32 v1, v2  }
0xcf: {  	v1 =	vmul.f32 $1.442695020e+00, v1;
	_ =	sdelay $0x1  }
0xd0: {  	(erf) = vpow2.f32 v1;
	_ =	sdelay $0x3  }
0xd1: {  	v1 =	vld [tilespmem:s21+$0x4F60]  }
0xd2: {  	v2 =	vld [tilespmem:s21+$0x5360];
	_ =	sdelay $0x2  }
0xd3: {  	s24 =	sor.u32 $0x50, s20  }
0xd4: {  	p4 =	slt.u32 s24, $0x50910;
	v3 =	vpop (erf)  }
0xd5: {  	v3 =	vpsel !p4, $0x0, v3  }
0xd6: {  	[tilespmem:s21+$0x5750] =	vst v3  }
0xd7: {  	v1 =	vld.idx.msk [tilespmem:v1+s22+$0x0], $0xffff  }
0xd8: {  	v2 =	vld.idx.msk [tilespmem:v2+s29+$0x0], $0xffff;
	_ =	sdelay $0x4  }
0xd9: {  	v1 =	vadd.f32 v2, v1;
	_ =	sdelay $0x1  }
0xda: {  	v2 =	vmul.f32 $2.000000030e-01, v1;
	_ =	sdelay $0x1  }
0xdb: {  	v1 =	vmax.f32 v1, v2  }
0xdc: {  	v1 =	vmul.f32 $1.442695020e+00, v1;
	_ =	sdelay $0x1  }
0xdd: {  	(erf) = vpow2.f32 v1;
	_ =	sdelay $0x3  }
0xde: {  	v1 =	vld [tilespmem:s21+$0x4F70]  }
0xdf: {  	v2 =	vld [tilespmem:s21+$0x5370];
	_ =	sdelay $0x2  }
0xe0: {  	s24 =	sor.u32 $0x60, s20  }
0xe1: {  	p5 =	slt.u32 s24, $0x50910;
	v3 =	vpop (erf)  }
0xe2: {  	v3 =	vpsel !p5, $0x0, v3  }
0xe3: {  	[tilespmem:s21+$0x5760] =	vst v3  }
0xe4: {  	v1 =	vld.idx.msk [tilespmem:v1+s22+$0x0], $0xffff  }
0xe5: {  	v2 =	vld.idx.msk [tilespmem:v2+s29+$0x0], $0xffff;
	_ =	sdelay $0x4  }
0xe6: {  	v1 =	vadd.f32 v2, v1;
	_ =	sdelay $0x1  }
0xe7: {  	v2 =	vmul.f32 $2.000000030e-01, v1;
	_ =	sdelay $0x1  }
0xe8: {  	v1 =	vmax.f32 v1, v2  }
0xe9: {  	v1 =	vmul.f32 $1.442695020e+00, v1;
	_ =	sdelay $0x1  }
0xea: {  	(erf) = vpow2.f32 v1;
	_ =	sdelay $0x7  }
0xeb: {  	s20 =	sor.u32 $0x70, s20  }
0xec: {  	p6 =	slt.u32 s20, $0x50910;
	v1 =	vpop (erf)  }
0xed: {  	v1 =	vpsel !p6, $0x0, v1  }
0xee: {  	s24 =	sadd.s32 $0x5700, s21;
	s20 =	sadd.s32 $0x5300, s21;
	[tilespmem:s21+$0x5770] =	vst v1  }
0xef: {  	[spmem:s3] =	stream.indirect.scatter.add.f32 [tilespmem:s24], [sflag:$0x2], $0x1, s20, s0, $0xb8;
	[tilespmem:$0x1E000] =	vst v63  }
0xf0: {  	_ =	swait.ge [sflag:s26], $0x80  }
0xf1: {  	v2 =	vmov s22;
	[sflag:s26] =	ssyncset.done $0x0  }
0xf2: {  	s23 =	sadd.s32 $0x4F00, s21;
	v2 =	vand.u32 $0x7F, v2;
	v1 =	vmov s21;
	[sflag:s26] =	ssyncadd.s32 $0xFFFFFF80  }
0xf3: {  	v2 =	vadd.s32 v1, v2;
	[tilespmem:s25], [sflag:$0x1] =	stream.indirect.gather [hbm4b:s1+s0], $0x80, s23, s0, $0xb8;
	[tilespmem:$0x1E000] =	vst v63  }
0xf4: {  	v2 =	vbroadcast v2, $0x0;
	_ =	swait.ge [sflag:s28], $0x4000  }
0xf5: {  	[sflag:s28] =	ssyncset.done $0x0  }
0xf6: {  	s21 =	simm.s32 $0x5B40;
	[sflag:s28] =	ssyncadd.s32 $0xFFFFC000  }
0xf7: {  	v6 =	vld [tilespmem:s21+$0x30]  }
0xf8: {  	v9 =	vld [tilespmem:s21+$0x10]  }
0xf9: {  	v7 =	vld [tilespmem:s21+$0xFFFFFFC0]  }
0xfa: {  	v3 =	vld.idx.msk [tilespmem:v2+s5+$0x0], $0xffff  }
0xfb: {  	v12 =	vld [tilespmem:s21+$0xFFFFFFE0]  }
0xfc: {  	v2 =	vld [tilespmem:s21+$0xFFFFFFF0]  }
0xfd: {  	v4 =	vld [tilespmem:s21+$0x20]  }
0xfe: {  	v5 =	vld [tilespmem:s21+$0xFFFFFFD0]  }
0xff: {  	v10 =	vmul.f32 v6, v3;
	v6 =	vld [tilespmem:s21+$0x0]  }
0x100: {  	s24 =	simm.s32 $0x1;
	v8 =	vmul.f32 v7, v3  }
0x101: {  	s22 =	simm.s32 $0x5B40;
	v11 =	vmov s24;
	s23 =	simm.s32 $0x2;
	v7 =	vmul.f32 v12, v3;
	v9 =	vmul.f32 v9, v3  }
.LBB2_6:
0x102: {  	p0 =	sne.s32 s23, $0x7F  }
0x103: {  	v11 =	vand.u32 $0x7F, v11;
	v5 =	vmul.f32 v5, v3;
	v4 =	vmul.f32 v4, v3;
	[tilespmem:s21+$0x30] =	vst v10;
	s22 =	sadd.s32 $0x80, s22;
	s24 =	smov.u32 s23;
	s23 =	sadd.s32 $0x1, s23  }
0x104: {  	v10 =	vadd.s32 v1, v11;
	[tilespmem:s21+$0xFFFFFFC0] =	vst v8;
	v8 =	vmul.f32 v2, v3;
	v3 =	vmul.f32 v6, v3  }
0x105: {  	v6 =	vbroadcast v10, $0x0;
	[tilespmem:s21+$0x10] =	vst v9  }
0x106: {  	[tilespmem:s21+$0xFFFFFFE0] =	vst v7  }
0x107: {  	v2 =	vld [tilespmem:s22+$0xFFFFFFF0];
	[tilespmem:s21+$0xFFFFFFF0] =	vst v8  }
0x108: {  	v7 =	vld [tilespmem:s22+$0x30];
	[tilespmem:s21+$0x0] =	vst v3  }
0x109: {  	v9 =	vld [tilespmem:s22+$0x10];
	[tilespmem:s21+$0x20] =	vst v4  }
0x10a: {  	v8 =	vld [tilespmem:s22+$0xFFFFFFC0];
	[tilespmem:s21+$0xFFFFFFD0] =	vst v5;
	s21 =	smov.u32 s22  }
0x10b: {  	v3 =	vld.idx.msk [tilespmem:v6+s5+$0x0], $0xffff  }
0x10c: {  	v12 =	vld [tilespmem:s22+$0xFFFFFFE0]  }
0x10d: {  	v4 =	vld [tilespmem:s22+$0x20]  }
.Ltmp1:
0x10e: {  	v5 =	vld [tilespmem:s22+$0xFFFFFFD0];
	(pc) =	sbr.rel @p0 .LBB2_6-.Ltmp1, $3  }
0x10f: {  	v6 =	vld [tilespmem:s22+$0x0];
	_ =	sdelay $0x1  }
0x110: {  	v8 =	vmul.f32 v8, v3;
	v10 =	vmul.f32 v7, v3  }
0x111: {  	v11 =	vmov s24;
	v9 =	vmul.f32 v9, v3;
	v7 =	vmul.f32 v12, v3  }
0x112: {  	[tilespmem:s21+$0x30] =	vst v10;
	v58 =	vand.u32 $0x7F, v11  }
0x113: {  	[tilespmem:s21+$0xFFFFFFC0] =	vst v8;
	v1 =	vadd.s32 v1, v58  }
0x114: {  	v2 =	vmul.f32 v2, v3;
	[tilespmem:s21+$0x10] =	vst v9;
	v1 =	vbroadcast v1, $0x0  }
0x115: {  	s22 =	sadd.s32 $0x80, s22;
	[tilespmem:s21+$0xFFFFFFE0] =	vst v7;
	v6 =	vmul.f32 v6, v3  }
0x116: {  	v4 =	vmul.f32 v4, v3;
	v3 =	vmul.f32 v5, v3;
	v7 =	vld [tilespmem:s22+$0xFFFFFFF0];
	[tilespmem:s21+$0xFFFFFFF0] =	vst v2  }
0x117: {  	v2 =	vld [tilespmem:s22+$0x30];
	[tilespmem:s21+$0x0] =	vst v6  }
0x118: {  	v60 =	vld [tilespmem:s22+$0xFFFFFFC0];
	[tilespmem:s21+$0xFFFFFFD0] =	vst v3  }
0x119: {  	v59 =	vld [tilespmem:s22+$0x10];
	[tilespmem:s21+$0x20] =	vst v4  }
0x11a: {  	v1 =	vld.idx.msk [tilespmem:v1+s5+$0x0], $0xffff;
	_ =	sdelay $0x2  }
0x11b: {  	v6 =	vld [tilespmem:s22+$0x0]  }
0x11c: {  	v3 =	vld [tilespmem:s22+$0xFFFFFFE0]  }
0x11d: {  	v2 =	vmul.f32 v2, v1  }
0x11e: {  	v61 =	vld [tilespmem:s22+$0x20];
	v4 =	vmul.f32 v60, v1  }
0x11f: {  	v62 =	vld [tilespmem:s22+$0xFFFFFFD0];
	v5 =	vmul.f32 v59, v1;
	[tilespmem:s22+$0x30] =	vst v2  }
0x120: {  	v63 =	vmul.f32 v6, v1;
	[tilespmem:s22+$0xFFFFFFC0] =	vst v4  }
0x121: {  	v2 =	vmul.f32 v3, v1;
	[tilespmem:s22+$0x10] =	vst v5  }
0x122: {  	v3 =	vmul.f32 v7, v1;
	[tilespmem:s22+$0x0] =	vst v63  }
0x123: {  	[tilespmem:s22+$0xFFFFFFE0] =	vst v2;
	v2 =	vmul.f32 v61, v1  }
0x124: {  	s19 =	sadd.s32 $0x1, s19;
	[tilespmem:s22+$0xFFFFFFF0] =	vst v3;
	v1 =	vmul.f32 v62, v1  }
0x125: {  	p0 =	sne.s32 s19, $0x8;
	[tilespmem:s22+$0x20] =	vst v2  }
.Ltmp2:
0x126: {  	[tilespmem:s22+$0xFFFFFFD0] =	vst v1;
	(pc) =	sbr.rel @p0 .LBB2_5-.Ltmp2, $4  }
0x127: {  	[spmem:s2] =	stream.indirect.scatter.add.f32 [tilespmem:s25], [sflag:$0x2], $0x80, s20, s0, $0xb8;
	[tilespmem:$0x1E000] =	vst v63  }
0x128: {  	_ =	swait.ge [sflag:s26], $0x4000  }
0x129: {  	[sflag:s26] =	ssyncset.done $0x0  }
0x12a: {  	[sflag:s26] =	ssyncadd.s32 $0xFFFFC000  }
0x12b: {  	s7 =	sadd.s32 $0x1, s7  }
0x12c: {  	p0 =	sne.s32 s7, $0xB  }
.Ltmp3:
0x12d: {  	_ = 	snop;
	(pc) =	sbr.rel @p0 .LBB2_4-.Ltmp3, $1  }
0x12e: {  	_ =	sdelay $0x3  }
0x12f: {  	s6 =	stileid.u32  }
0x130: {  	[bflag:$0x0] =	sbarrier.arrive $0xFFFF;
	s6 =	sshll.u32 s6, $0x6  }
0x131: {  	s7 =	sshrl.u32 s10, $0x3;
	s18 =	rddreg [dreg:$0x7];
	s6 =	sor.u32 $0x1C02, s6  }
0x132: {  	[hbm:s18], [sflag:s6] =	dma.local [spmem:s7], $0x800  }
0x133: {  	_ =	swait.ge [sflag:s26], $0x800  }
0x134: {  	[sflag:s26] =	ssyncset.done $0x0  }
0x135: {  	s21 =	sshrl.u32 s11, $0x3;
	s22 =	rddreg [dreg:$0x8];
	[sflag:s26] =	ssyncadd.s32 $0xFFFFF800  }
0x136: {  	[hbm:s22], [sflag:s6] =	dma.local [spmem:s21], $0x800  }
0x137: {  	_ =	swait.ge [sflag:s26], $0x800  }
0x138: {  	[sflag:s26] =	ssyncset.done $0x0  }
0x139: {  	s23 =	sshrl.u32 s12, $0x3;
	s24 =	rddreg [dreg:$0x9];
	[sflag:s26] =	ssyncadd.s32 $0xFFFFF800  }
0x13a: {  	[hbm:s24], [sflag:s6] =	dma.local [spmem:s23], $0x800  }
0x13b: {  	_ =	swait.ge [sflag:s26], $0x800  }
0x13c: {  	[sflag:s26] =	ssyncset.done $0x0  }
0x13d: {  	s18 =	sshrl.u32 s14, $0x3;
	s19 =	rddreg [dreg:$0xa];
	[sflag:s26] =	ssyncadd.s32 $0xFFFFF800  }
0x13e: {  	[hbm:s19], [sflag:s6] =	dma.local [spmem:s18], $0x800  }
0x13f: {  	_ =	swait.ge [sflag:s26], $0x800  }
0x140: {  	[sflag:s26] =	ssyncset.done $0x0  }
0x141: {  	s20 =	sshrl.u32 s15, $0x3;
	s21 =	rddreg [dreg:$0xb];
	[sflag:s26] =	ssyncadd.s32 $0xFFFFF800  }
0x142: {  	[hbm:s21], [sflag:s6] =	dma.local [spmem:s20], $0x800  }
0x143: {  	_ =	swait.ge [sflag:s26], $0x800  }
0x144: {  	s22 =	sshrl.u32 s16, $0x3;
	s19 =	simm.s32 $0x20;
	[sflag:s26] =	ssyncset.done $0x0  }
0x145: {  	s20 =	simm.s32 $0x10;
	s23 =	rddreg [dreg:$0xc];
	[sflag:s26] =	ssyncadd.s32 $0xFFFFF800  }
0x146: {  	[hbm:s23@s19], [sflag:s6] =	dma.strided [spmem:s22@s20], $0x50, s28, $0x10   }
0x147: {  	_ =	swait.ge [sflag:s26], $0x50  }
0x148: {  	s4 =	sadd.s32 $0x1, s4;
	s24 =	rddreg [dreg:$0xd]  }
0x149: {  	p0 =	sne.s32 s4, s24  }
.Ltmp4:
0x14a: {  	_ = 	snop;
	(pc) =	sbr.rel @p0 .LBB2_1-.Ltmp4, $3  }
0x14b: {  	_ =	sdelay $0x1  }
0x14c: {  	[sflag:s26] =	ssyncset.done $0x0  }
0x14d: {  	[sflag:s26] =	ssyncadd.s32 $0xFFFFFFB0  }
0x14e: {  	_ =	sfence.sel $0x180000  }
0x14f: {  	[bflag:$0x0] =	sbarrier.arrive $0xFFFF  }
0x150: {  	_ =	strace $0x9000004A  }
0x151: {  	s0 =	stileid.u32;
	[bflag:$0x2] =	sbarrier.arrive $0xFFFF  }
0x152: {  	p0 =	sne.s32 s0, $0x0;
	s0 =	rddreg [dreg:$0x4]  }
0x153: {  	s0 =	sadd.s32 @!p0 $0x100000, s0  }
0x154: {  	[sflag:s0] =	ssyncadd.tile.s32 @!p0 $0x1;
	_ =	shalt  }
.Lfunc_end2:
_tile_overlayer_lowered:
.L_overlay_start_2:
0x155: {  	(tag) =	ssettag $0x2  }
0x156: {  	s0 =	rddreg [dreg:$0x0];
	s2 =	stileid.u32  }
0x157: {  	s1 =	rddreg [dreg:$0x1];
	p0 =	sne.s32 s2, $0x0  }
0x158: {  	s3 =	rddreg [dreg:$0x2];
	[bflag:$0x3] =	sbarrier.arrive $0xFFFF;
	s2 =	simm.s32 @!p0 $0x1C02  }
0x159: {  	[timem:s3], [sflag:s2] =	dma.local @!p0 [hbm:s0], s1  }
0x15a: {  	s0 =	simm.s32 @!p0 $0x2  }
0x15b: {  	_ =	swait.ge @!p0 [sflag:s0], s1  }
0x15c: {  	s1 =	ssub.s32 @!p0 $0x0, s1;
	[sflag:s0] =	ssyncset.done @!p0 $0x0  }
0x15d: {  	[sflag:s0] =	ssyncadd.s32 @!p0 s1  }
0x15e: {  	[bflag:$0x3] =	sbarrier.arrive $0xFFFF  }
0x15f: {  	_ =	shalt  }

// kernel: kernel.7.cloned.1.call-start
scs
__scs_entry_jumppad:
0x0: {  	(pc) =	sbr.rel $0x88, $3  }
0x1: {  	(tag) =	ssettag $0x0;
	lr =	simm.s32 $0x1  }
0x2: {  	[smem:$0x3F97] =	sst lr;
	_ =	strace $0xD0000000  }
0x3: {  	_ = 	snop  }
0x4: {  	_ = 	snop  }
0x5: {  	_ = 	snop  }
0x6: {  	_ = 	snop  }
0x7: {  	_ = 	snop  }
__scs_overlays_trampoline_lowered:
0x8: {  	[smem:$0x3FA6] =	sst s0  }
0x9: {  	[smem:$0x3FA7] =	sst s1  }
0xa: {  	[smem:$0x3FA8] =	sst s2  }
0xb: {  	[smem:$0x3FA9] =	sst s3  }
0xc: {  	[smem:$0x3FAA] =	sst s4  }
0xd: {  	[smem:$0x3FAB] =	sst s5  }
0xe: {  	[smem:$0x3FAC] =	sst s6  }
0xf: {  	[smem:$0x3FAD] =	sst s7  }
0x10: {  	[smem:$0x3FAE] =	sst s8  }
0x11: {  	[smem:$0x3FAF] =	sst s9;
	s0 =	simm.s32 @!p0 $0x0  }
0x12: {  	s1 =	sld [smem:$0x3F95];
	s0 =	simm.s32 @p0 $0x1  }
0x13: {  	[smem:$0x3FB0] =	sst s0;
	s0 =	simm.s32 @!p1 $0x0  }
0x14: {  	s2 =	sld [smem:$0x3F94];
	s0 =	simm.s32 @p1 $0x1  }
0x15: {  	[smem:$0x3FB1] =	sst s0;
	s0 =	simm.s32 @!p2 $0x0  }
0x16: {  	s3 =	sld [smem:$0x3FDB];
	s0 =	simm.s32 @p2 $0x1  }
0x17: {  	s4 =	simm.s32 $0x1BF5;
	[smem:$0x3FB3] =	sst s0  }
0x18: {  	s0 =	sld [smem:$0x3F96];
	_ =	swait.ge [sflag:s4], $0x0  }
0x19: {  	s7 =	sld [smem:$0x3F97]  }
0x1a: {  	s8 =	sadd.s32 $0xFFFFE003, lr  }
0x1b: {  	s9 =	sadd.s32 $0xFFFFFEF7, lr;
	s5 =	simm.s32 $0xFFFFFFFF;
	p2 =	slt.u32 s8, $0xFFFFF086  }
0x1c: {  	p1 =	slt.u32 s9, $0xF7A;
	s5 =	simm.s32 @!p2 $0x0  }
0x1d: {  	s5 =	simm.s32 @p1 $0x1;
	p0 =	seq.s32 s7, s2  }
0x1e: {  	s7 =	smul.u32 @!p0 $0xF7A, s2;
	p2 =	seq.s32 @!p0 s5, $0x0  }
0x1f: {  	s9 =	smul.u32 $0xF7A, s1;
	s8 =	simm.s32 @!p0 $0x1BF5;
	p2 =	por !p2, p0  }
0x20: {  	[sflag:s8] =	ssyncset.s32 @!p0 $0xFFFFF086;
	s6 =	sadd.s32 @!p0 s3, s7;
	s7 =	simm.s32 @!p0 $0x108  }
0x21: {  	s3 =	sadd.s32 s3, s9;
	s6 =	sadd.s32 @!p0 $0x88, s6;
	s7 =	simm.s32 @p2 $0x1082  }
0x22: {  	[simem:s7], [sflag:s8] =	dma.local @!p0 [hbm:s6], $0xF7A  }
0x23: {  	s9 =	sor.u32 $0xD0000000, s2;
	s6 =	simm.s32 $0x108;
	_ =	swait.ge @!p0 [sflag:s8], $0x0  }
0x24: {  	s3 =	sadd.s32 $0x88, s3;
	s6 =	simm.s32 @!p1 $0x1082;
	[sflag:s4] =	ssyncset.s32 $0xFFFFF086  }
0x25: {  	[simem:s6], [sflag:s4] =	dma.local [hbm:s3], $0xF7A  }
0x26: {  	[smem:$0x3F97] =	sst s1;
	(tag) =	ssettag s2;
	_ =	strace s9  }
0x27: {  	s1 =	sld [smem:$0x3FA7]  }
0x28: {  	s2 =	sld [smem:$0x3FA8]  }
0x29: {  	s4 =	sld [smem:$0x3FAA]  }
0x2a: {  	p0 =	seq.s32 s5, $0x0;
	s5 =	sld [smem:$0x3FAB]  }
0x2b: {  	s6 =	sld [smem:$0x3FAC]  }
0x2c: {  	s7 =	sld [smem:$0x3FAD]  }
0x2d: {  	s3 =	simm.s32 $0x108;
	s8 =	sld [smem:$0x3FAE]  }
0x2e: {  	s3 =	simm.s32 @!p0 $0x1082;
	s9 =	sld [smem:$0x3FAF]  }
0x2f: {  	lr =	sadd.s32 s0, s3;
	s0 =	sld [smem:$0x3FA6]  }
0x30: {  	s3 =	sld [smem:$0x3FA9]  }
0x31: {  	[smem:$0x3FB2] =	sst s10  }
0x32: {  	s10 =	sld [smem:$0x3FB0];
	_ =	sdelay $0x3  }
0x33: {  	p0 =	seq.s32 s10, $0x1;
	s10 =	sld [smem:$0x3FB2];
	_ =	sdelay $0x3  }
0x34: {  	[smem:$0x3FB2] =	sst s10  }
0x35: {  	s10 =	sld [smem:$0x3FB1];
	_ =	sdelay $0x3  }
0x36: {  	p1 =	seq.s32 s10, $0x1;
	s10 =	sld [smem:$0x3FB2];
	_ =	sdelay $0x3  }
0x37: {  	[smem:$0x3FB2] =	sst s10  }
0x38: {  	s10 =	sld [smem:$0x3FB3]  }
0x39: {  	_ = 	snop;
	(pc) =	sbr.ind lr, $3  }
0x3a: {  	_ = 	snop  }
0x3b: {  	_ = 	snop  }
0x3c: {  	p2 =	seq.s32 s10, $0x1;
	s10 =	sld [smem:$0x3FB2]  }
0x3d: {  	_ =	shalt  }
0x3e: {  	_ =	shalt  }
0x3f: {  	_ =	shalt  }
0x40: {  	_ =	shalt  }
0x41: {  	_ =	shalt  }
0x42: {  	_ =	shalt  }
0x43: {  	_ =	shalt  }
0x44: {  	_ =	shalt  }
0x45: {  	_ =	shalt  }
0x46: {  	_ =	shalt  }
0x47: {  	_ =	shalt  }
0x48: {  	_ =	shalt  }
0x49: {  	_ =	shalt  }
0x4a: {  	_ =	shalt  }
0x4b: {  	_ =	shalt  }
0x4c: {  	_ =	shalt  }
0x4d: {  	_ =	shalt  }
0x4e: {  	_ =	shalt  }
0x4f: {  	_ =	shalt  }
0x50: {  	_ =	shalt  }
0x51: {  	_ =	shalt  }
0x52: {  	_ =	shalt  }
0x53: {  	_ =	shalt  }
0x54: {  	_ =	shalt  }
0x55: {  	_ =	shalt  }
0x56: {  	_ =	shalt  }
0x57: {  	_ =	shalt  }
0x58: {  	_ =	shalt  }
0x59: {  	_ =	shalt  }
0x5a: {  	_ =	shalt  }
0x5b: {  	_ =	shalt  }
0x5c: {  	_ =	shalt  }
0x5d: {  	_ =	shalt  }
0x5e: {  	_ =	shalt  }
0x5f: {  	_ =	shalt  }
0x60: {  	_ =	shalt  }
0x61: {  	_ =	shalt  }
0x62: {  	_ =	shalt  }
0x63: {  	_ =	shalt  }
0x64: {  	_ =	shalt  }
0x65: {  	_ =	shalt  }
0x66: {  	_ =	shalt  }
0x67: {  	_ =	shalt  }
0x68: {  	_ =	shalt  }
0x69: {  	_ =	shalt  }
0x6a: {  	_ =	shalt  }
0x6b: {  	_ =	shalt  }
0x6c: {  	_ =	shalt  }
0x6d: {  	_ =	shalt  }
0x6e: {  	_ =	shalt  }
0x6f: {  	_ =	shalt  }
0x70: {  	_ =	shalt  }
0x71: {  	_ =	shalt  }
0x72: {  	_ =	shalt  }
0x73: {  	_ =	shalt  }
0x74: {  	_ =	shalt  }
0x75: {  	_ =	shalt  }
0x76: {  	_ =	shalt  }
0x77: {  	_ =	shalt  }
0x78: {  	_ =	shalt  }
0x79: {  	_ =	shalt  }
0x7a: {  	_ =	shalt  }
0x7b: {  	_ =	shalt  }
0x7c: {  	_ =	shalt  }
0x7d: {  	_ =	shalt  }
0x7e: {  	_ =	shalt  }
0x7f: {  	_ =	shalt  }
0x80: {  	_ =	shalt  }
0x81: {  	_ =	shalt  }
0x82: {  	_ =	shalt  }
0x83: {  	_ =	shalt  }
0x84: {  	_ =	shalt  }
0x85: {  	_ =	shalt  }
0x86: {  	_ =	shalt  }
0x87: {  	_ =	shalt  }
.Lfunc_end0:
.L_simem_size_0:
called_computation_lowered:
.L_overlay_start_0:
0x88: {  	s2 =	sld [smem:$0x3FD9]  }
0x89: {  	s3 =	sld [smem:$0x3FFE];
	_ =	sdelay $0x1  }
0x8a: {  	s1 =	srdreg.scid  }
0x8b: {  	s0 =	sand.u32 $0x1, s1  }
0x8c: {  	s17 =	sshll.u32 s0, $0xA;
	s2 =	sadd.s32 s3, s2  }
0x8d: {  	s2 =	sadd.s32 s2, s17  }
0x8e: {  	[smem:$0x3FBE] =	sst s2  }
0x8f: {  	_ = 	snop  }
0x90: {  	s2 =	sld [smem:$0x3FD0];
	(tm) =	ssettm $0x1  }
0x91: {  	s18 =	sld [smem:$0x3FFB];
	_ =	sdelay $0x3  }
0x92: {  	_ =	strace s18  }
0x93: {  	s3 =	sld [smem:$0x3FFC];
	_ =	sdelay $0x3  }
0x94: {  	_ =	strace s3  }
0x95: {  	s3 =	sld [smem:$0x3FFD];
	_ =	sdelay $0x3  }
0x96: {  	_ =	strace s3  }
0x97: {  	_ =	strace $0x8FFFFFFF  }
0x98: {  	s19 =	sld [smem:$0x3FDB];
	_ =	sdelay $0x1  }
0x99: {  	s4 =	simm.s32 $_scs_section_size  }
0x9a: {  	s5 =	simm.s32 $_size__tile_overlayer_lowered;
	s6 =	simm.s32 $_tile_overlayer_lowered  }
0x9b: {  	s22 =	simm.s32 $0x1BFF;
	s21 =	sshll.u32 s6, $0x1;
	s3 =	sadd.s32 s4, s19  }
0x9c: {  	s7 =	simm.s32 $0x0;
	s20 =	sshll.u32 s5, $0x1;
	s5 =	sadd.s32 s21, s3  }
0x9d: {  	[timem:s7], [sflag:s22] =	dma.local [hbm:s5], s20  }
0x9e: {  	_ =	swait.ge [sflag:s22], s20  }
0x9f: {  	s4 =	ssub.s32 $0x0, s20;
	[sflag:s22] =	ssyncset.done $0x0  }
0xa0: {  	[sflag:s22] =	ssyncadd.s32 s4;
	_ =	sdelay $0x1  }
0xa1: {  	s23 =	simm.s32 $0x1B8B  }
0xa2: {  	_ =	swait.ge [sflag:s23], $0x1  }
0xa3: {  	[sflag:s23] =	ssyncset.done $0x0  }
0xa4: {  	s25 =	simm.s32 $0x1B8E;
	s24 =	sld [smem:$0x3FFE];
	[sflag:s23] =	ssyncadd.s32 $0xFFFFFFFF  }
0xa5: {  	s26 =	simm.s32 $execute0_lowered;
	[smem:$0x3FD2] =	sst s25  }
0xa6: {  	s5 =	sshll.u32 s26, $0x1;
	_ =	strace $0x80000046;
	[dreg:$0x1] =	wrdreg $0xFFFFFFFF  }
0xa7: {  	s28 =	simm.s32 $_size_execute0_lowered;
	s3 =	sadd.s32 s3, s5;
	[dreg:$0x0] =	wrdreg $0x0  }
0xa8: {  	s5 =	sshll.u32 s28, $0x1;
	[dreg:$0x2] =	wrdreg s3  }
0xa9: {  	[dreg:$0x3] =	wrdreg s5  }
0xaa: {  	[dreg:$0x4] =	wrdreg $0xC0  }
0xab: {  	_ =	task [dreg:s7], $0x5FFFF  }
0xac: {  	[dreg:$0x1] =	wrdreg $0xFFFFFFFF  }
0xad: {  	[dreg:$0x0] =	wrdreg $0x60  }
0xae: {  	[dreg:$0x2] =	wrdreg s24  }
0xaf: {  	[dreg:$0x3] =	wrdreg s2  }
0xb0: {  	[dreg:$0x4] =	wrdreg $0x9D800  }
0xb1: {  	[dreg:$0x5] =	wrdreg $0x1DD800  }
0xb2: {  	[dreg:$0x6] =	wrdreg $0x9  }
0xb3: {  	_ =	task.clear_ibuf [dreg:s7], $0x7FFFF;
	_ =	strace $0x90000046  }
0xb4: {  	s29 =	simm.s32 $0x9;
	_ =	strace $0x80000048  }
0xb5: {  	_ =	swait.ge [sflag:s29], $0x1  }
0xb6: {  	[sflag:s29] =	ssyncadd.s32 $0xFFFFFFFF  }
0xb7: {  	_ =	strace $0x90000048  }
0xb8: {  	_ =	sfence  }
0xb9: {  	s30 =	sld [smem:$0x0];
	_ =	sdelay $0x2  }
0xba: {  	s31 =	sshll.u32 s1, $0xD;
	s1 =	sshrl.u32 s1, $0x2  }
0xbb: {  	s3 =	sand.u32 $0x4000, s31;
	s1 =	sadd.s32 s1, s30  }
0xbc: {  	s0 =	sor.u32 s3, s0;
	s1 =	sshll.u32 s1, $0x11  }
0xbd: {  	s0 =	sor.u32 s1, s0  }
0xbe: {  	s0 =	sadd.s32 $0x8F2B, s0  }
0xbf: {  	[sflag:s0] =	ssyncadd.remote.s32 $0x1  }
0xc0: {  	_ =	sfence.sel $0xFFFF  }
0xc1: {  	[dreg:$0x0] =	wrdreg $0xFFFFFFFF;
	(pc) =	sbr.abs _section_cstart, $3  }
0xc2: {  	[dreg:$0x1] =	wrdreg $0xFFFFFFFF  }
0xc3: {  	_ =	task.clear_ibuf [dreg:s7], $0x2FFFF;
	_ =	strace $0x9FFFFFFF  }
0xc4: {  	(tm) =	ssettm $0x7FFFFFFF  }
0xc5: {  	_ =	shalt  }
tec
execute0_lowered:
.L_overlay_start_1:
0x0: {  	(tag) =	ssettag $0x1  }
0x1: {  	s0 =	rddreg [dreg:$0x0]  }
0x2: {  	s1 =	rddreg [dreg:$0x1]  }
0x3: {  	s2 =	rddreg [dreg:$0x2]  }
0x4: {  	s3 =	rddreg [dreg:$0x3];
	s4 =	simm.s32 $0x0  }
0x5: {  	s25 =	srdreg.scid;
	s22 =	stileid.u32;
	s28 =	simm.s32 $0x4F00  }
0x6: {  	s29 =	simm.s32 $0x5300;
	s30 =	simm.s32 $0x80;
	s31 =	simm.s32 $0x1  }
0x7: {  	[smem:$0x7FF] =	sst s4;
	s6 =	sadd.s32 $0xAE00, s0;
	s26 =	smul.u32 $0x280, s22  }
0x8: {  	s5 =	sadd.s32 $0x59000, s0;
	s7 =	sadd.s32 $0x59600, s0;
	s10 =	smul.u32 $0x50000, s22  }
0x9: {  	s9 =	sadd.s32 $0x600, s0;
	s0 =	sadd.s32 $0x59C00, s0;
	s16 =	smul.u32 $0x14000, s22  }
0xa: {  	_ =	strace $0x80000047;
	[dreg:$0x5] =	wrdreg s5;
	s5 =	sand.u32 $0x1, s25  }
0xb: {  	[dreg:$0x6] =	wrdreg s7;
	s8 =	ssub.s32 $0x2, s5;
	s14 =	sshll.u32 s26, $0x7  }
0xc: {  	s10 =	sshrl.u32 s10, $0x2;
	s18 =	smul.u32 $0x140000, s5;
	s15 =	sadd.s32 s26, s3  }
0xd: {  	s5 =	smul.u32 $0x2710, s5;
	s11 =	sshrl.u32 s8, $0x1;
	s17 =	sadd.s32 $0x4000, s14  }
0xe: {  	s10 =	sadd.s32 s10, s2;
	s19 =	sadd.s32 $0x8000, s14;
	s20 =	sadd.s32 $0xC000, s14  }
0xf: {  	s21 =	sadd.s32 $0x10000, s14;
	s8 =	ssub.s32 s8, s11;
	[dreg:$0x7] =	wrdreg s10  }
0x10: {  	s11 =	sadd.s32 s17, s2;
	s12 =	sadd.s32 s19, s2;
	s13 =	sadd.s32 s20, s2  }
0x11: {  	s14 =	sadd.s32 s21, s2;
	s10 =	sadd.s32 s16, s18;
	s16 =	smul.u32 $0x5400, s22  }
0x12: {  	s17 =	sadd.s32 s18, s17;
	s22 =	sadd.s32 s18, s19;
	s23 =	sadd.s32 s18, s20  }
0x13: {  	s18 =	sadd.s32 s18, s21;
	v0 =	vmov s5;
	s5 =	simm.s32 $0x0;
	s7 =	sshrl.u32 s10, $0x3  }
0x14: {  	s17 =	sshrl.u32 s17, $0x3;
	s25 =	sshrl.u32 s18, $0x3;
	s26 =	smax.u32 s8, $0x1  }
0x15: {  	s7 =	sadd.s32 s0, s7;
	[dreg:$0xd] =	wrdreg s26;
	s26 =	simm.s32 $0x2780  }
0x16: {  	[dreg:$0x8] =	wrdreg s7;
	s7 =	sadd.s32 s0, s17;
	s17 =	sshrl.u32 s23, $0x3  }
0x17: {  	[dreg:$0x9] =	wrdreg s7;
	s7 =	sshrl.u32 s22, $0x3;
	s24 =	sadd.s32 s0, s17  }
0x18: {  	s23 =	simm.s32 $0x5B00;
	s7 =	sadd.s32 s0, s7;
	[dreg:$0xb] =	wrdreg s24  }
0x19: {  	s0 =	sadd.s32 s0, s25;
	s24 =	simm.s32 $0x2;
	[dreg:$0xa] =	wrdreg s7  }
0x1a: {  	v1 =	vimm.f32 $0.0e+00;
	s25 =	simm.s32 $0x9B00;
	[dreg:$0xc] =	wrdreg s0;
	s0 =	simm.s32 $0x5700  }
.LBB2_1:
0x1b: {  	s7 =	simm.s32 $0x0;
	s8 =	simm.s32 $0x200  }
.LBB2_2:
0x1c: {  	p0 =	sne.s32 s8, $0xFE00;
	[tilespmem:s7+$0x5B70] =	vst v1  }
0x1d: {  	[tilespmem:s7+$0x5B00] =	vst v1  }
0x1e: {  	[tilespmem:s7+$0x5B10] =	vst v1  }
.Ltmp0:
0x1f: {  	[tilespmem:s7+$0x5B20] =	vst v1;
	(pc) =	sbr.rel @p0 .LBB2_2-.Ltmp0, $4  }
0x20: {  	[tilespmem:s7+$0x5B30] =	vst v1  }
0x21: {  	[tilespmem:s7+$0x5B40] =	vst v1  }
0x22: {  	[tilespmem:s7+$0x5B50] =	vst v1  }
0x23: {  	[tilespmem:s7+$0x5B60] =	vst v1;
	s7 =	sshra.s32 s8, $0x2;
	s8 =	sadd.s32 $0x200, s8  }
0x24: {  	[tilespmem:s7+$0x5B70] =	vst v1  }
0x25: {  	[tilespmem:s7+$0x5B00] =	vst v1  }
0x26: {  	[tilespmem:s7+$0x5B10] =	vst v1  }
0x27: {  	[tilespmem:s7+$0x5B20] =	vst v1  }
0x28: {  	[tilespmem:s7+$0x5B30] =	vst v1  }
0x29: {  	[tilespmem:s7+$0x5B40] =	vst v1  }
0x2a: {  	[tilespmem:s7+$0x5B50] =	vst v1  }
0x2b: {  	[tilespmem:s7+$0x5B60] =	vst v1  }
0x2c: {  	[tilespmem:$0x9B00] =	vst v1  }
0x2d: {  	[tilespmem:$0x9B10] =	vst v1  }
0x2e: {  	[tilespmem:$0x9B20] =	vst v1  }
0x2f: {  	[tilespmem:$0x9B30] =	vst v1  }
0x30: {  	[tilespmem:$0x9B40] =	vst v1  }
0x31: {  	[tilespmem:$0x9B50] =	vst v1  }
0x32: {  	[tilespmem:$0x9B60] =	vst v1  }
0x33: {  	[tilespmem:$0x9B70] =	vst v1  }
0x34: {  	[tilespmem:$0x9B80] =	vst v1  }
0x35: {  	[tilespmem:$0x9B90] =	vst v1  }
0x36: {  	[tilespmem:$0x9BA0] =	vst v1  }
0x37: {  	[tilespmem:$0x9BB0] =	vst v1  }
0x38: {  	[tilespmem:$0x9BC0] =	vst v1  }
0x39: {  	[tilespmem:$0x9BD0] =	vst v1  }
0x3a: {  	[tilespmem:$0x9BE0] =	vst v1  }
0x3b: {  	[tilespmem:$0x9BF0] =	vst v1  }
0x3c: {  	[tilespmem:$0x9C00] =	vst v1  }
0x3d: {  	[tilespmem:$0x9C10] =	vst v1  }
0x3e: {  	[tilespmem:$0x9C20] =	vst v1  }
0x3f: {  	[tilespmem:$0x9C30] =	vst v1  }
0x40: {  	[tilespmem:$0x9C40] =	vst v1  }
0x41: {  	[tilespmem:$0x9C50] =	vst v1  }
0x42: {  	[tilespmem:$0x9C60] =	vst v1  }
0x43: {  	[tilespmem:$0x9C70] =	vst v1  }
0x44: {  	[tilespmem:$0x9C80] =	vst v1  }
0x45: {  	[tilespmem:$0x9C90] =	vst v1  }
0x46: {  	[tilespmem:$0x9CA0] =	vst v1  }
0x47: {  	[tilespmem:$0x9CB0] =	vst v1  }
0x48: {  	[tilespmem:$0x9CC0] =	vst v1  }
0x49: {  	[tilespmem:$0x9CD0] =	vst v1  }
0x4a: {  	[tilespmem:$0x9CE0] =	vst v1  }
0x4b: {  	[tilespmem:$0x9CF0] =	vst v1  }
0x4c: {  	[tilespmem:$0x9D00] =	vst v1  }
0x4d: {  	[tilespmem:$0x9D10] =	vst v1  }
0x4e: {  	[tilespmem:$0x9D20] =	vst v1  }
0x4f: {  	[tilespmem:$0x9D30] =	vst v1  }
0x50: {  	[tilespmem:$0x9D40] =	vst v1  }
0x51: {  	[tilespmem:$0x9D50] =	vst v1  }
0x52: {  	[tilespmem:$0x9D60] =	vst v1  }
0x53: {  	s21 =	rddreg [dreg:$0x7];
	[tilespmem:$0x9D70] =	vst v1  }
0x54: {  	[spmem:s21] =	stream.linear.scatter [tilespmem:s23], [sflag:$0x2], $0x4000, $0x38;
	[tilespmem:$0x1E000] =	vst v63  }
0x55: {  	_ =	swait.ge [sflag:s24], $0x4000  }
0x56: {  	[sflag:s24] =	ssyncset.done $0x0  }
0x57: {  	[sflag:s24] =	ssyncadd.s32 $0xFFFFC000  }
0x58: {  	[spmem:s11] =	stream.linear.scatter [tilespmem:s23], [sflag:$0x2], $0x4000, $0x38;
	[tilespmem:$0x1E000] =	vst v63  }
0x59: {  	_ =	swait.ge [sflag:s24], $0x4000  }
0x5a: {  	[sflag:s24] =	ssyncset.done $0x0  }
0x5b: {  	[sflag:s24] =	ssyncadd.s32 $0xFFFFC000  }
0x5c: {  	[spmem:s12] =	stream.linear.scatter [tilespmem:s23], [sflag:$0x2], $0x4000, $0x38;
	[tilespmem:$0x1E000] =	vst v63  }
0x5d: {  	_ =	swait.ge [sflag:s24], $0x4000  }
0x5e: {  	[sflag:s24] =	ssyncset.done $0x0  }
0x5f: {  	[sflag:s24] =	ssyncadd.s32 $0xFFFFC000  }
0x60: {  	[spmem:s13] =	stream.linear.scatter [tilespmem:s23], [sflag:$0x2], $0x4000, $0x38;
	[tilespmem:$0x1E000] =	vst v63  }
0x61: {  	_ =	swait.ge [sflag:s24], $0x4000  }
0x62: {  	[sflag:s24] =	ssyncset.done $0x0  }
0x63: {  	[sflag:s24] =	ssyncadd.s32 $0xFFFFC000  }
0x64: {  	[spmem:s14] =	stream.linear.scatter [tilespmem:s23], [sflag:$0x2], $0x4000, $0x38;
	[tilespmem:$0x1E000] =	vst v63  }
0x65: {  	_ =	swait.ge [sflag:s24], $0x4000  }
0x66: {  	[sflag:s24] =	ssyncset.done $0x0  }
0x67: {  	[sflag:s24] =	ssyncadd.s32 $0xFFFFC000  }
0x68: {  	[spmem:s15] =	stream.linear.scatter [tilespmem:s25], [sflag:$0x2], $0x280, $0x38;
	[tilespmem:$0x1E000] =	vst v63  }
0x69: {  	_ =	swait.ge [sflag:s24], $0x280  }
0x6a: {  	[sflag:s24] =	ssyncset.done $0x0  }
0x6b: {  	s7 =	simm.s32 $0x0;
	s8 =	rddreg [dreg:$0x5];
	[sflag:s24] =	ssyncadd.s32 $0xFFFFFD80  }
0x6c: {  	[tilespmem:s7], [sflag:$0x2] =	stream.linear.gather [hbm4b:s8+s7], $0x2780, $0x38;
	[tilespmem:$0x1E000] =	vst v63  }
0x6d: {  	_ =	swait.ge [sflag:s24], $0x2780  }
0x6e: {  	[sflag:s24] =	ssyncset.done $0x0  }
0x6f: {  	s22 =	rddreg [dreg:$0x6];
	[sflag:s24] =	ssyncadd.s32 $0xFFFFD880  }
0x70: {  	[tilespmem:s26], [sflag:$0x2] =	stream.linear.gather [hbm4b:s22+s7], $0x2780, $0x38;
	[tilespmem:$0x1E000] =	vst v63  }
0x71: {  	_ =	swait.ge [sflag:s24], $0x2780  }
0x72: {  	[sflag:s24] =	ssyncset.done $0x0  }
0x73: {  	[sflag:s24] =	ssyncadd.s32 $0xFFFFD880  }
0x74: {  	s8 =	simm.s32 $0x0;
	[bflag:$0x0] =	sbarrier.arrive $0xFFFF  }
.LBB2_4:
0x75: {  	s17 =	sshll.u32 s8, $0xA  }
0x76: {  	s18 =	sadd.s32 s16, s17  }
0x77: {  	s18 =	sshrl.u32 s18, $0x3  }
0x78: {  	s19 =	sadd.s32 s1, s18  }
0x79: {  	[tilespmem:s28], [sflag:$0x2] =	stream.linear.gather [hbm4b:s19+s7], $0x400, $0x38;
	[tilespmem:$0x1E000] =	vst v63  }
0x7a: {  	_ =	swait.ge [sflag:s24], $0x400  }
0x7b: {  	[sflag:s24] =	ssyncset.done $0x0  }
0x7c: {  	s18 =	sadd.s32 s9, s18;
	[sflag:s24] =	ssyncadd.s32 $0xFFFFFC00  }
0x7d: {  	[tilespmem:s29], [sflag:$0x2] =	stream.linear.gather [hbm4b:s18+s7], $0x400, $0x38;
	[tilespmem:$0x1E000] =	vst v63  }
0x7e: {  	_ =	swait.ge [sflag:s24], $0x400  }
0x7f: {  	[sflag:s24] =	ssyncset.done $0x0  }
0x80: {  	s18 =	simm.s32 $0x0;
	[sflag:s24] =	ssyncadd.s32 $0xFFFFFC00  }
.LBB2_5:
0x81: {  	s19 =	sshll.u32 s18, $0x7  }
0x82: {  	v2 =	vld [tilespmem:s19+$0x4F00]  }
0x83: {  	v3 =	vld [tilespmem:s19+$0x5300];
	_ =	sdelay $0x5  }
0x84: {  	s20 =	simm.s32 $0x0  }
0x85: {  	v4 =	vld.idx.msk [tilespmem:v2+s20+$0x0], $0xffff  }
0x86: {  	v3 =	vld.idx.msk [tilespmem:v3+s26+$0x0], $0xffff;
	_ =	sdelay $0x4  }
0x87: {  	v3 =	vadd.f32 v3, v4;
	_ =	sdelay $0x1  }
0x88: {  	v4 =	vmul.f32 $2.000000030e-01, v3;
	_ =	sdelay $0x1  }
0x89: {  	v3 =	vmax.f32 v3, v4  }
0x8a: {  	v3 =	vmul.f32 $1.442695020e+00, v3;
	_ =	sdelay $0x1  }
0x8b: {  	(erf) = vpow2.f32 v3;
	_ =	sdelay $0x3  }
0x8c: {  	v3 =	vld [tilespmem:s19+$0x4F10]  }
0x8d: {  	v4 =	vld [tilespmem:s19+$0x5310];
	_ =	sdelay $0x1  }
0x8e: {  	s21 =	sor.u32 s17, s19  }
0x8f: {  	s21 =	sadd.s32 s16, s21  }
0x90: {  	p0 =	slt.u32 s21, $0x50910;
	v2 =	vadd.s32 v0, v2;
	v5 =	vpop (erf)  }
0x91: {  	[tilespmem:s19+$0x4F00] =	vst v2;
	v5 =	vpsel !p0, $0x0, v5  }
0x92: {  	[tilespmem:s19+$0x5700] =	vst v5  }
0x93: {  	v2 =	vld.idx.msk [tilespmem:v3+s20+$0x0], $0xffff  }
0x94: {  	v4 =	vld.idx.msk [tilespmem:v4+s26+$0x0], $0xffff;
	_ =	sdelay $0x4  }
0x95: {  	v2 =	vadd.f32 v4, v2;
	_ =	sdelay $0x1  }
0x96: {  	v4 =	vmul.f32 $2.000000030e-01, v2;
	_ =	sdelay $0x1  }
0x97: {  	v2 =	vmax.f32 v2, v4  }
0x98: {  	v2 =	vmul.f32 $1.442695020e+00, v2;
	_ =	sdelay $0x1  }
0x99: {  	(erf) = vpow2.f32 v2;
	_ =	sdelay $0x3  }
0x9a: {  	v2 =	vld [tilespmem:s19+$0x4F20]  }
0x9b: {  	v4 =	vld [tilespmem:s19+$0x5320];
	_ =	sdelay $0x2  }
0x9c: {  	s22 =	sor.u32 $0x10, s21  }
0x9d: {  	p6 =	slt.u32 s22, $0x50910;
	v3 =	vadd.s32 v0, v3;
	v5 =	vpop (erf)  }
0x9e: {  	[tilespmem:s19+$0x4F10] =	vst v3;
	v5 =	vpsel !p6, $0x0, v5  }
0x9f: {  	[tilespmem:s19+$0x5710] =	vst v5  }
0xa0: {  	v3 =	vld.idx.msk [tilespmem:v2+s20+$0x0], $0xffff  }
0xa1: {  	v4 =	vld.idx.msk [tilespmem:v4+s26+$0x0], $0xffff;
	_ =	sdelay $0x4  }
0xa2: {  	v3 =	vadd.f32 v4, v3;
	_ =	sdelay $0x1  }
0xa3: {  	v4 =	vmul.f32 $2.000000030e-01, v3;
	_ =	sdelay $0x1  }
0xa4: {  	v3 =	vmax.f32 v3, v4  }
0xa5: {  	v3 =	vmul.f32 $1.442695020e+00, v3;
	_ =	sdelay $0x1  }
0xa6: {  	(erf) = vpow2.f32 v3;
	_ =	sdelay $0x3  }
0xa7: {  	v3 =	vld [tilespmem:s19+$0x4F30]  }
0xa8: {  	v4 =	vld [tilespmem:s19+$0x5330];
	_ =	sdelay $0x2  }
0xa9: {  	s10 =	sor.u32 $0x20, s21  }
0xaa: {  	p1 =	slt.u32 s10, $0x50910;
	v2 =	vadd.s32 v0, v2;
	v5 =	vpop (erf)  }
0xab: {  	[tilespmem:s19+$0x4F20] =	vst v2;
	v5 =	vpsel !p1, $0x0, v5  }
0xac: {  	[tilespmem:s19+$0x5720] =	vst v5  }
0xad: {  	v2 =	vld.idx.msk [tilespmem:v3+s20+$0x0], $0xffff  }
0xae: {  	v4 =	vld.idx.msk [tilespmem:v4+s26+$0x0], $0xffff;
	_ =	sdelay $0x4  }
0xaf: {  	v2 =	vadd.f32 v4, v2;
	_ =	sdelay $0x1  }
0xb0: {  	v4 =	vmul.f32 $2.000000030e-01, v2;
	_ =	sdelay $0x1  }
0xb1: {  	v2 =	vmax.f32 v2, v4  }
0xb2: {  	v2 =	vmul.f32 $1.442695020e+00, v2;
	_ =	sdelay $0x1  }
0xb3: {  	(erf) = vpow2.f32 v2;
	_ =	sdelay $0x3  }
0xb4: {  	v2 =	vld [tilespmem:s19+$0x4F40]  }
0xb5: {  	v4 =	vld [tilespmem:s19+$0x5340];
	_ =	sdelay $0x2  }
0xb6: {  	s10 =	sor.u32 $0x30, s21  }
0xb7: {  	p2 =	slt.u32 s10, $0x50910;
	v3 =	vadd.s32 v0, v3;
	v5 =	vpop (erf)  }
0xb8: {  	[tilespmem:s19+$0x4F30] =	vst v3;
	v5 =	vpsel !p2, $0x0, v5  }
0xb9: {  	[tilespmem:s19+$0x5730] =	vst v5  }
0xba: {  	v3 =	vld.idx.msk [tilespmem:v2+s20+$0x0], $0xffff  }
0xbb: {  	v4 =	vld.idx.msk [tilespmem:v4+s26+$0x0], $0xffff;
	_ =	sdelay $0x4  }
0xbc: {  	v3 =	vadd.f32 v4, v3;
	_ =	sdelay $0x1  }
0xbd: {  	v4 =	vmul.f32 $2.000000030e-01, v3;
	_ =	sdelay $0x1  }
0xbe: {  	v3 =	vmax.f32 v3, v4  }
0xbf: {  	v3 =	vmul.f32 $1.442695020e+00, v3;
	_ =	sdelay $0x1  }
0xc0: {  	(erf) = vpow2.f32 v3;
	_ =	sdelay $0x3  }
0xc1: {  	v3 =	vld [tilespmem:s19+$0x4F50]  }
0xc2: {  	v4 =	vld [tilespmem:s19+$0x5350];
	_ =	sdelay $0x2  }
0xc3: {  	s10 =	sor.u32 $0x40, s21  }
0xc4: {  	p3 =	slt.u32 s10, $0x50910;
	v2 =	vadd.s32 v0, v2;
	v5 =	vpop (erf)  }
0xc5: {  	[tilespmem:s19+$0x4F40] =	vst v2;
	v5 =	vpsel !p3, $0x0, v5  }
0xc6: {  	[tilespmem:s19+$0x5740] =	vst v5  }
0xc7: {  	v2 =	vld.idx.msk [tilespmem:v3+s20+$0x0], $0xffff  }
0xc8: {  	v4 =	vld.idx.msk [tilespmem:v4+s26+$0x0], $0xffff;
	_ =	sdelay $0x4  }
0xc9: {  	v2 =	vadd.f32 v4, v2;
	_ =	sdelay $0x1  }
0xca: {  	v4 =	vmul.f32 $2.000000030e-01, v2;
	_ =	sdelay $0x1  }
0xcb: {  	v2 =	vmax.f32 v2, v4  }
0xcc: {  	v2 =	vmul.f32 $1.442695020e+00, v2;
	_ =	sdelay $0x1  }
0xcd: {  	(erf) = vpow2.f32 v2;
	_ =	sdelay $0x3  }
0xce: {  	v2 =	vld [tilespmem:s19+$0x4F60]  }
0xcf: {  	v4 =	vld [tilespmem:s19+$0x5360];
	_ =	sdelay $0x2  }
0xd0: {  	s10 =	sor.u32 $0x50, s21  }
0xd1: {  	p4 =	slt.u32 s10, $0x50910;
	v3 =	vadd.s32 v0, v3;
	v5 =	vpop (erf)  }
0xd2: {  	[tilespmem:s19+$0x4F50] =	vst v3;
	v5 =	vpsel !p4, $0x0, v5  }
0xd3: {  	[tilespmem:s19+$0x5750] =	vst v5  }
0xd4: {  	v3 =	vld.idx.msk [tilespmem:v2+s20+$0x0], $0xffff  }
0xd5: {  	v4 =	vld.idx.msk [tilespmem:v4+s26+$0x0], $0xffff;
	_ =	sdelay $0x4  }
0xd6: {  	v3 =	vadd.f32 v4, v3;
	_ =	sdelay $0x1  }
0xd7: {  	v4 =	vmul.f32 $2.000000030e-01, v3;
	_ =	sdelay $0x1  }
0xd8: {  	v3 =	vmax.f32 v3, v4  }
0xd9: {  	v3 =	vmul.f32 $1.442695020e+00, v3;
	_ =	sdelay $0x1  }
0xda: {  	(erf) = vpow2.f32 v3;
	_ =	sdelay $0x3  }
0xdb: {  	v3 =	vld [tilespmem:s19+$0x4F70]  }
0xdc: {  	v4 =	vld [tilespmem:s19+$0x5370];
	_ =	sdelay $0x2  }
0xdd: {  	s10 =	sor.u32 $0x60, s21  }
0xde: {  	p5 =	slt.u32 s10, $0x50910;
	v2 =	vadd.s32 v0, v2;
	v5 =	vpop (erf)  }
0xdf: {  	[tilespmem:s19+$0x4F60] =	vst v2;
	v5 =	vpsel !p5, $0x0, v5  }
0xe0: {  	[tilespmem:s19+$0x5760] =	vst v5  }
0xe1: {  	v2 =	vld.idx.msk [tilespmem:v3+s20+$0x0], $0xffff  }
0xe2: {  	v4 =	vld.idx.msk [tilespmem:v4+s26+$0x0], $0xffff;
	_ =	sdelay $0x4  }
0xe3: {  	v2 =	vadd.f32 v4, v2;
	_ =	sdelay $0x1  }
0xe4: {  	v4 =	vmul.f32 $2.000000030e-01, v2;
	_ =	sdelay $0x1  }
0xe5: {  	v2 =	vmax.f32 v2, v4  }
0xe6: {  	v2 =	vmul.f32 $1.442695020e+00, v2;
	_ =	sdelay $0x1  }
0xe7: {  	(erf) = vpow2.f32 v2;
	_ =	sdelay $0x7  }
0xe8: {  	s21 =	sor.u32 $0x70, s21  }
0xe9: {  	p6 =	slt.u32 s21, $0x50910;
	v2 =	vpop (erf)  }
0xea: {  	v2 =	vpsel !p6, $0x0, v2  }
0xeb: {  	[tilespmem:s19+$0x5770] =	vst v2;
	v2 =	vadd.s32 v0, v3  }
0xec: {  	s10 =	sadd.s32 $0x5700, s19;
	s21 =	sadd.s32 $0x5300, s19;
	[tilespmem:s19+$0x4F70] =	vst v2  }
0xed: {  	[spmem:s3] =	stream.indirect.scatter.add.f32 [tilespmem:s10], [sflag:$0x2], $0x1, s21, s30, $0xb8;
	[tilespmem:$0x1E000] =	vst v63  }
0xee: {  	_ =	swait.ge [sflag:s24], $0x80  }
0xef: {  	v3 =	vmov s20;
	[sflag:s24] =	ssyncset.done $0x0  }
0xf0: {  	s22 =	sadd.s32 $0x4F00, s19;
	v2 =	vmov s19;
	v3 =	vand.u32 $0x7F, v3;
	[sflag:s24] =	ssyncadd.s32 $0xFFFFFF80  }
0xf1: {  	v3 =	vadd.s32 v2, v3;
	[tilespmem:s23], [sflag:$0x1] =	stream.indirect.gather [hbm4b:s6+s30], $0x80, s22, s30, $0xb8;
	[tilespmem:$0x1E000] =	vst v63  }
0xf2: {  	v3 =	vbroadcast v3, $0x0;
	_ =	swait.ge [sflag:s31], $0x4000  }
0xf3: {  	[sflag:s31] =	ssyncset.done $0x0  }
0xf4: {  	s19 =	simm.s32 $0x5B40;
	[sflag:s31] =	ssyncadd.s32 $0xFFFFC000  }
0xf5: {  	v7 =	vld [tilespmem:s19+$0x30]  }
0xf6: {  	v10 =	vld [tilespmem:s19+$0x10]  }
0xf7: {  	v8 =	vld [tilespmem:s19+$0xFFFFFFC0]  }
0xf8: {  	v4 =	vld.idx.msk [tilespmem:v3+s0+$0x0], $0xffff  }
0xf9: {  	v13 =	vld [tilespmem:s19+$0xFFFFFFE0]  }
0xfa: {  	v3 =	vld [tilespmem:s19+$0xFFFFFFF0]  }
0xfb: {  	v5 =	vld [tilespmem:s19+$0x20]  }
0xfc: {  	v6 =	vld [tilespmem:s19+$0xFFFFFFD0]  }
0xfd: {  	v11 =	vmul.f32 v7, v4;
	v7 =	vld [tilespmem:s19+$0x0]  }
0xfe: {  	s10 =	simm.s32 $0x1;
	v9 =	vmul.f32 v8, v4  }
0xff: {  	s20 =	simm.s32 $0x5B40;
	v12 =	vmov s10;
	s22 =	simm.s32 $0x2;
	v8 =	vmul.f32 v13, v4;
	v10 =	vmul.f32 v10, v4  }
.LBB2_6:
0x100: {  	p0 =	sne.s32 s22, $0x7F  }
0x101: {  	v12 =	vand.u32 $0x7F, v12;
	v6 =	vmul.f32 v6, v4;
	v5 =	vmul.f32 v5, v4;
	[tilespmem:s19+$0x30] =	vst v11;
	s20 =	sadd.s32 $0x80, s20;
	s10 =	smov.u32 s22;
	s22 =	sadd.s32 $0x1, s22  }
0x102: {  	v11 =	vadd.s32 v2, v12;
	[tilespmem:s19+$0xFFFFFFC0] =	vst v9;
	v9 =	vmul.f32 v3, v4;
	v4 =	vmul.f32 v7, v4  }
0x103: {  	v7 =	vbroadcast v11, $0x0;
	[tilespmem:s19+$0x10] =	vst v10  }
0x104: {  	[tilespmem:s19+$0xFFFFFFE0] =	vst v8  }
0x105: {  	v3 =	vld [tilespmem:s20+$0xFFFFFFF0];
	[tilespmem:s19+$0xFFFFFFF0] =	vst v9  }
0x106: {  	v8 =	vld [tilespmem:s20+$0x30];
	[tilespmem:s19+$0x0] =	vst v4  }
0x107: {  	v10 =	vld [tilespmem:s20+$0x10];
	[tilespmem:s19+$0x20] =	vst v5  }
0x108: {  	v9 =	vld [tilespmem:s20+$0xFFFFFFC0];
	[tilespmem:s19+$0xFFFFFFD0] =	vst v6;
	s19 =	smov.u32 s20  }
0x109: {  	v4 =	vld.idx.msk [tilespmem:v7+s0+$0x0], $0xffff  }
0x10a: {  	v13 =	vld [tilespmem:s20+$0xFFFFFFE0]  }
0x10b: {  	v5 =	vld [tilespmem:s20+$0x20]  }
.Ltmp1:
0x10c: {  	v6 =	vld [tilespmem:s20+$0xFFFFFFD0];
	(pc) =	sbr.rel @p0 .LBB2_6-.Ltmp1, $3  }
0x10d: {  	v7 =	vld [tilespmem:s20+$0x0];
	_ =	sdelay $0x1  }
0x10e: {  	v9 =	vmul.f32 v9, v4;
	v11 =	vmul.f32 v8, v4  }
0x10f: {  	v12 =	vmov s10;
	v10 =	vmul.f32 v10, v4;
	v8 =	vmul.f32 v13, v4  }
0x110: {  	[tilespmem:s19+$0x30] =	vst v11;
	v56 =	vand.u32 $0x7F, v12  }
0x111: {  	[tilespmem:s19+$0xFFFFFFC0] =	vst v9;
	v2 =	vadd.s32 v2, v56  }
0x112: {  	v3 =	vmul.f32 v3, v4;
	[tilespmem:s19+$0x10] =	vst v10;
	v2 =	vbroadcast v2, $0x0  }
0x113: {  	s10 =	sadd.s32 $0x80, s20;
	[tilespmem:s19+$0xFFFFFFE0] =	vst v8;
	v7 =	vmul.f32 v7, v4  }
0x114: {  	v57 =	vmul.f32 v6, v4;
	v8 =	vld [tilespmem:s10+$0xFFFFFFF0];
	[tilespmem:s19+$0xFFFFFFF0] =	vst v3  }
0x115: {  	v5 =	vmul.f32 v5, v4;
	v3 =	vld [tilespmem:s10+$0x30];
	[tilespmem:s19+$0x0] =	vst v7  }
0x116: {  	v59 =	vld [tilespmem:s10+$0xFFFFFFC0];
	[tilespmem:s19+$0xFFFFFFD0] =	vst v57  }
0x117: {  	v58 =	vld [tilespmem:s10+$0x10];
	[tilespmem:s19+$0x20] =	vst v5  }
0x118: {  	v2 =	vld.idx.msk [tilespmem:v2+s0+$0x0], $0xffff;
	_ =	sdelay $0x3  }
0x119: {  	v4 =	vld [tilespmem:s10+$0xFFFFFFE0]  }
0x11a: {  	v7 =	vld [tilespmem:s10+$0x0];
	v3 =	vmul.f32 v3, v2  }
0x11b: {  	v60 =	vld [tilespmem:s10+$0x20];
	v5 =	vmul.f32 v59, v2  }
0x11c: {  	v61 =	vld [tilespmem:s10+$0xFFFFFFD0];
	v6 =	vmul.f32 v58, v2;
	[tilespmem:s10+$0x30] =	vst v3  }
0x11d: {  	v62 =	vmul.f32 v8, v2;
	[tilespmem:s10+$0xFFFFFFC0] =	vst v5  }
0x11e: {  	v3 =	vmul.f32 v4, v2;
	[tilespmem:s10+$0x10] =	vst v6  }
0x11f: {  	v63 =	vmul.f32 v7, v2;
	[tilespmem:s10+$0xFFFFFFF0] =	vst v62  }
0x120: {  	[tilespmem:s10+$0xFFFFFFE0] =	vst v3;
	v3 =	vmul.f32 v60, v2  }
0x121: {  	s18 =	sadd.s32 $0x1, s18;
	[tilespmem:s10+$0x0] =	vst v63;
	v2 =	vmul.f32 v61, v2  }
0x122: {  	p0 =	sne.s32 s18, $0x8;
	[tilespmem:s10+$0x20] =	vst v3  }
.Ltmp2:
0x123: {  	[tilespmem:s10+$0xFFFFFFD0] =	vst v2;
	(pc) =	sbr.rel @p0 .LBB2_5-.Ltmp2, $4  }
0x124: {  	[spmem:s2] =	stream.indirect.scatter.add.f32 [tilespmem:s23], [sflag:$0x2], $0x80, s21, s30, $0xb8;
	[tilespmem:$0x1E000] =	vst v63  }
0x125: {  	_ =	swait.ge [sflag:s24], $0x4000  }
0x126: {  	[sflag:s24] =	ssyncset.done $0x0  }
0x127: {  	[sflag:s24] =	ssyncadd.s32 $0xFFFFC000  }
0x128: {  	s8 =	sadd.s32 $0x1, s8  }
0x129: {  	p0 =	sne.s32 s8, $0x15  }
.Ltmp3:
0x12a: {  	_ = 	snop;
	(pc) =	sbr.rel @p0 .LBB2_4-.Ltmp3, $1  }
0x12b: {  	_ =	sdelay $0x3  }
0x12c: {  	[bflag:$0x0] =	sbarrier.arrive $0xFFFF  }
0x12d: {  	[tilespmem:s25], [sflag:$0x2] =	stream.linear.gather [spmem:s15], $0x280, $0x38;
	[tilespmem:$0x1E000] =	vst v63  }
0x12e: {  	_ =	swait.ge [sflag:s24], $0x280  }
0x12f: {  	[sflag:s24] =	ssyncset.done $0x0  }
0x130: {  	s7 =	simm.s32 $0x0;
	s8 =	simm.s32 $0x40;
	[sflag:s24] =	ssyncadd.s32 $0xFFFFFD80  }
.LBB2_10:
0x131: {  	p0 =	sne.s32 s8, $0x9C0;
	v2 =	vld [tilespmem:s7+$0x9B00];
	_ =	sdelay $0x4  }
0x132: {  	(erf) = vrcp.f32 v2;
	_ =	sdelay $0x5  }
.Ltmp4:
0x133: {  	(pc) =	sbr.rel @p0 .LBB2_10-.Ltmp4, $3  }
0x134: {  	_ =	sdelay $0x1  }
0x135: {  	v2 =	vpop (erf)  }
0x136: {  	[tilespmem:s7+$0x9B00] =	vst v2;
	s7 =	sshra.s32 s8, $0x2;
	s8 =	sadd.s32 $0x40, s8  }
0x137: {  	v2 =	vld [tilespmem:s7+$0x9B00];
	_ =	sdelay $0x4  }
0x138: {  	(erf) = vrcp.f32 v2;
	_ =	sdelay $0x8  }
0x139: {  	v2 =	vpop (erf)  }
0x13a: {  	s21 =	rddreg [dreg:$0x7];
	[tilespmem:s7+$0x9B00] =	vst v2  }
0x13b: {  	[tilespmem:s23], [sflag:$0x2] =	stream.linear.gather [spmem:s21], $0x4000, $0x38;
	[tilespmem:$0x1E000] =	vst v63  }
0x13c: {  	s22 =	simm.s32 $0x0;
	_ =	swait.ge [sflag:s24], $0x4000  }
0x13d: {  	v2 =	vmov s22;
	[sflag:s24] =	ssyncset.done $0x0  }
0x13e: {  	s7 =	simm.s32 $0x5B40;
	[sflag:s24] =	ssyncadd.s32 $0xFFFFC000  }
0x13f: {  	v6 =	vld [tilespmem:s7+$0x30]  }
0x140: {  	v9 =	vld [tilespmem:s7+$0x10]  }
0x141: {  	v7 =	vld [tilespmem:s7+$0xFFFFFFC0]  }
0x142: {  	v3 =	vld.idx.msk [tilespmem:v2+s25+$0x0], $0xffff  }
0x143: {  	v11 =	vld [tilespmem:s7+$0xFFFFFFE0]  }
0x144: {  	v2 =	vld [tilespmem:s7+$0xFFFFFFF0]  }
0x145: {  	v4 =	vld [tilespmem:s7+$0x20]  }
0x146: {  	v5 =	vld [tilespmem:s7+$0xFFFFFFD0]  }
0x147: {  	v10 =	vmul.f32 v6, v3;
	v6 =	vld [tilespmem:s7+$0x0]  }
0x148: {  	v8 =	vmul.f32 v7, v3  }
0x149: {  	s8 =	simm.s32 $0x1;
	s17 =	simm.s32 $0x5B40;
	v7 =	vmul.f32 v11, v3;
	v9 =	vmul.f32 v9, v3  }
.LBB2_12:
0x14a: {  	p0 =	sne.s32 s8, $0x7F  }
0x14b: {  	v5 =	vmul.f32 v5, v3;
	v4 =	vmul.f32 v4, v3;
	[tilespmem:s7+$0x30] =	vst v10;
	s17 =	sadd.s32 $0x80, s17;
	s10 =	smov.u32 s8;
	s8 =	sadd.s32 $0x1, s8  }
0x14c: {  	[tilespmem:s7+$0xFFFFFFC0] =	vst v8;
	v8 =	vmul.f32 v2, v3;
	v3 =	vmul.f32 v6, v3  }
0x14d: {  	[tilespmem:s7+$0x10] =	vst v9  }
0x14e: {  	v6 =	vmov s10;
	[tilespmem:s7+$0xFFFFFFE0] =	vst v7  }
0x14f: {  	v2 =	vld [tilespmem:s17+$0xFFFFFFF0];
	[tilespmem:s7+$0xFFFFFFF0] =	vst v8  }
0x150: {  	v7 =	vld [tilespmem:s17+$0x30];
	[tilespmem:s7+$0x0] =	vst v3  }
0x151: {  	v9 =	vld [tilespmem:s17+$0x10];
	[tilespmem:s7+$0x20] =	vst v4  }
0x152: {  	v8 =	vld [tilespmem:s17+$0xFFFFFFC0];
	[tilespmem:s7+$0xFFFFFFD0] =	vst v5;
	s7 =	smov.u32 s17  }
0x153: {  	v3 =	vld.idx.msk [tilespmem:v6+s25+$0x0], $0xffff  }
0x154: {  	v11 =	vld [tilespmem:s17+$0xFFFFFFE0]  }
0x155: {  	v4 =	vld [tilespmem:s17+$0x20]  }
.Ltmp5:
0x156: {  	v5 =	vld [tilespmem:s17+$0xFFFFFFD0];
	(pc) =	sbr.rel @p0 .LBB2_12-.Ltmp5, $3  }
0x157: {  	v6 =	vld [tilespmem:s17+$0x0];
	_ =	sdelay $0x1  }
0x158: {  	v8 =	vmul.f32 v8, v3;
	v10 =	vmul.f32 v7, v3  }
0x159: {  	v9 =	vmul.f32 v9, v3;
	v7 =	vmul.f32 v11, v3  }
0x15a: {  	[tilespmem:s7+$0x30] =	vst v10  }
0x15b: {  	[tilespmem:s7+$0xFFFFFFC0] =	vst v8  }
0x15c: {  	v2 =	vmul.f32 v2, v3;
	[tilespmem:s7+$0x10] =	vst v9  }
0x15d: {  	v4 =	vmul.f32 v4, v3;
	[tilespmem:s7+$0xFFFFFFE0] =	vst v7  }
0x15e: {  	v6 =	vmul.f32 v6, v3;
	[tilespmem:s7+$0xFFFFFFF0] =	vst v2  }
0x15f: {  	v2 =	vmul.f32 v5, v3;
	[tilespmem:s7+$0x20] =	vst v4  }
0x160: {  	[tilespmem:s7+$0x0] =	vst v6  }
0x161: {  	s21 =	rddreg [dreg:$0x8];
	[tilespmem:s7+$0xFFFFFFD0] =	vst v2  }
0x162: {  	[hbm4b:s21+s4] =	stream.linear.scatter [tilespmem:s23], [sflag:$0x2], $0x4000, $0x38;
	[tilespmem:$0x1E000] =	vst v63  }
0x163: {  	_ =	swait.ge [sflag:s24], $0x4000  }
0x164: {  	[sflag:s24] =	ssyncset.done $0x0  }
0x165: {  	[sflag:s24] =	ssyncadd.s32 $0xFFFFC000  }
0x166: {  	[tilespmem:s23], [sflag:$0x2] =	stream.linear.gather [spmem:s11], $0x4000, $0x38;
	[tilespmem:$0x1E000] =	vst v63  }
0x167: {  	s22 =	simm.s32 $0x80;
	_ =	swait.ge [sflag:s24], $0x4000  }
0x168: {  	v2 =	vmov s22;
	[sflag:s24] =	ssyncset.done $0x0  }
0x169: {  	s7 =	simm.s32 $0x5B40;
	[sflag:s24] =	ssyncadd.s32 $0xFFFFC000  }
0x16a: {  	v6 =	vld [tilespmem:s7+$0x30]  }
0x16b: {  	v9 =	vld [tilespmem:s7+$0x10]  }
0x16c: {  	v7 =	vld [tilespmem:s7+$0xFFFFFFC0]  }
0x16d: {  	v3 =	vld.idx.msk [tilespmem:v2+s25+$0x0], $0xffff  }
0x16e: {  	v11 =	vld [tilespmem:s7+$0xFFFFFFE0]  }
0x16f: {  	v2 =	vld [tilespmem:s7+$0xFFFFFFF0]  }
0x170: {  	v4 =	vld [tilespmem:s7+$0x20]  }
0x171: {  	v5 =	vld [tilespmem:s7+$0xFFFFFFD0]  }
0x172: {  	v10 =	vmul.f32 v6, v3;
	v6 =	vld [tilespmem:s7+$0x0]  }
0x173: {  	v8 =	vmul.f32 v7, v3  }
0x174: {  	s8 =	simm.s32 $0x81;
	s17 =	simm.s32 $0x5B40;
	v7 =	vmul.f32 v11, v3;
	v9 =	vmul.f32 v9, v3  }
.LBB2_14:
0x175: {  	p0 =	sne.s32 s8, $0xFF  }
0x176: {  	v5 =	vmul.f32 v5, v3;
	v4 =	vmul.f32 v4, v3;
	[tilespmem:s7+$0x30] =	vst v10;
	s17 =	sadd.s32 $0x80, s17;
	s10 =	smov.u32 s8;
	s8 =	sadd.s32 $0x1, s8  }
0x177: {  	[tilespmem:s7+$0xFFFFFFC0] =	vst v8;
	v8 =	vmul.f32 v2, v3;
	v3 =	vmul.f32 v6, v3  }
0x178: {  	[tilespmem:s7+$0x10] =	vst v9  }
0x179: {  	v6 =	vmov s10;
	[tilespmem:s7+$0xFFFFFFE0] =	vst v7  }
0x17a: {  	v2 =	vld [tilespmem:s17+$0xFFFFFFF0];
	[tilespmem:s7+$0xFFFFFFF0] =	vst v8  }
0x17b: {  	v7 =	vld [tilespmem:s17+$0x30];
	[tilespmem:s7+$0x0] =	vst v3  }
0x17c: {  	v9 =	vld [tilespmem:s17+$0x10];
	[tilespmem:s7+$0x20] =	vst v4  }
0x17d: {  	v8 =	vld [tilespmem:s17+$0xFFFFFFC0];
	[tilespmem:s7+$0xFFFFFFD0] =	vst v5;
	s7 =	smov.u32 s17  }
0x17e: {  	v3 =	vld.idx.msk [tilespmem:v6+s25+$0x0], $0xffff  }
0x17f: {  	v11 =	vld [tilespmem:s17+$0xFFFFFFE0]  }
0x180: {  	v4 =	vld [tilespmem:s17+$0x20]  }
.Ltmp6:
0x181: {  	v5 =	vld [tilespmem:s17+$0xFFFFFFD0];
	(pc) =	sbr.rel @p0 .LBB2_14-.Ltmp6, $3  }
0x182: {  	v6 =	vld [tilespmem:s17+$0x0];
	_ =	sdelay $0x1  }
0x183: {  	v8 =	vmul.f32 v8, v3;
	v10 =	vmul.f32 v7, v3  }
0x184: {  	v9 =	vmul.f32 v9, v3;
	v7 =	vmul.f32 v11, v3  }
0x185: {  	[tilespmem:s7+$0x30] =	vst v10  }
0x186: {  	[tilespmem:s7+$0xFFFFFFC0] =	vst v8  }
0x187: {  	v2 =	vmul.f32 v2, v3;
	[tilespmem:s7+$0x10] =	vst v9  }
0x188: {  	v4 =	vmul.f32 v4, v3;
	[tilespmem:s7+$0xFFFFFFE0] =	vst v7  }
0x189: {  	v6 =	vmul.f32 v6, v3;
	[tilespmem:s7+$0xFFFFFFF0] =	vst v2  }
0x18a: {  	v2 =	vmul.f32 v5, v3;
	[tilespmem:s7+$0x20] =	vst v4  }
0x18b: {  	[tilespmem:s7+$0x0] =	vst v6  }
0x18c: {  	s21 =	rddreg [dreg:$0x9];
	[tilespmem:s7+$0xFFFFFFD0] =	vst v2  }
0x18d: {  	[hbm4b:s21+s4] =	stream.linear.scatter [tilespmem:s23], [sflag:$0x2], $0x4000, $0x38;
	[tilespmem:$0x1E000] =	vst v63  }
0x18e: {  	_ =	swait.ge [sflag:s24], $0x4000  }
0x18f: {  	[sflag:s24] =	ssyncset.done $0x0  }
0x190: {  	[sflag:s24] =	ssyncadd.s32 $0xFFFFC000  }
0x191: {  	[tilespmem:s23], [sflag:$0x2] =	stream.linear.gather [spmem:s12], $0x4000, $0x38;
	[tilespmem:$0x1E000] =	vst v63  }
0x192: {  	s22 =	simm.s32 $0x100;
	_ =	swait.ge [sflag:s24], $0x4000  }
0x193: {  	v2 =	vmov s22;
	[sflag:s24] =	ssyncset.done $0x0  }
0x194: {  	s7 =	simm.s32 $0x5B40;
	[sflag:s24] =	ssyncadd.s32 $0xFFFFC000  }
0x195: {  	v6 =	vld [tilespmem:s7+$0x30]  }
0x196: {  	v9 =	vld [tilespmem:s7+$0x10]  }
0x197: {  	v7 =	vld [tilespmem:s7+$0xFFFFFFC0]  }
0x198: {  	v3 =	vld.idx.msk [tilespmem:v2+s25+$0x0], $0xffff  }
0x199: {  	v11 =	vld [tilespmem:s7+$0xFFFFFFE0]  }
0x19a: {  	v2 =	vld [tilespmem:s7+$0xFFFFFFF0]  }
0x19b: {  	v4 =	vld [tilespmem:s7+$0x20]  }
0x19c: {  	v5 =	vld [tilespmem:s7+$0xFFFFFFD0]  }
0x19d: {  	v10 =	vmul.f32 v6, v3;
	v6 =	vld [tilespmem:s7+$0x0]  }
0x19e: {  	v8 =	vmul.f32 v7, v3  }
0x19f: {  	s8 =	simm.s32 $0x101;
	s17 =	simm.s32 $0x5B40;
	v7 =	vmul.f32 v11, v3;
	v9 =	vmul.f32 v9, v3  }
.LBB2_16:
0x1a0: {  	p0 =	sne.s32 s8, $0x17F  }
0x1a1: {  	v5 =	vmul.f32 v5, v3;
	v4 =	vmul.f32 v4, v3;
	[tilespmem:s7+$0x30] =	vst v10;
	s17 =	sadd.s32 $0x80, s17;
	s10 =	smov.u32 s8;
	s8 =	sadd.s32 $0x1, s8  }
0x1a2: {  	[tilespmem:s7+$0xFFFFFFC0] =	vst v8;
	v8 =	vmul.f32 v2, v3;
	v3 =	vmul.f32 v6, v3  }
0x1a3: {  	[tilespmem:s7+$0x10] =	vst v9  }
0x1a4: {  	v6 =	vmov s10;
	[tilespmem:s7+$0xFFFFFFE0] =	vst v7  }
0x1a5: {  	v2 =	vld [tilespmem:s17+$0xFFFFFFF0];
	[tilespmem:s7+$0xFFFFFFF0] =	vst v8  }
0x1a6: {  	v7 =	vld [tilespmem:s17+$0x30];
	[tilespmem:s7+$0x0] =	vst v3  }
0x1a7: {  	v9 =	vld [tilespmem:s17+$0x10];
	[tilespmem:s7+$0x20] =	vst v4  }
0x1a8: {  	v8 =	vld [tilespmem:s17+$0xFFFFFFC0];
	[tilespmem:s7+$0xFFFFFFD0] =	vst v5;
	s7 =	smov.u32 s17  }
0x1a9: {  	v3 =	vld.idx.msk [tilespmem:v6+s25+$0x0], $0xffff  }
0x1aa: {  	v11 =	vld [tilespmem:s17+$0xFFFFFFE0]  }
0x1ab: {  	v4 =	vld [tilespmem:s17+$0x20]  }
.Ltmp7:
0x1ac: {  	v5 =	vld [tilespmem:s17+$0xFFFFFFD0];
	(pc) =	sbr.rel @p0 .LBB2_16-.Ltmp7, $3  }
0x1ad: {  	v6 =	vld [tilespmem:s17+$0x0];
	_ =	sdelay $0x1  }
0x1ae: {  	v8 =	vmul.f32 v8, v3;
	v10 =	vmul.f32 v7, v3  }
0x1af: {  	v9 =	vmul.f32 v9, v3;
	v7 =	vmul.f32 v11, v3  }
0x1b0: {  	[tilespmem:s7+$0x30] =	vst v10  }
0x1b1: {  	[tilespmem:s7+$0xFFFFFFC0] =	vst v8  }
0x1b2: {  	v2 =	vmul.f32 v2, v3;
	[tilespmem:s7+$0x10] =	vst v9  }
0x1b3: {  	v4 =	vmul.f32 v4, v3;
	[tilespmem:s7+$0xFFFFFFE0] =	vst v7  }
0x1b4: {  	v6 =	vmul.f32 v6, v3;
	[tilespmem:s7+$0xFFFFFFF0] =	vst v2  }
0x1b5: {  	v2 =	vmul.f32 v5, v3;
	[tilespmem:s7+$0x20] =	vst v4  }
0x1b6: {  	[tilespmem:s7+$0x0] =	vst v6  }
0x1b7: {  	s21 =	rddreg [dreg:$0xa];
	[tilespmem:s7+$0xFFFFFFD0] =	vst v2  }
0x1b8: {  	[hbm4b:s21+s4] =	stream.linear.scatter [tilespmem:s23], [sflag:$0x2], $0x4000, $0x38;
	[tilespmem:$0x1E000] =	vst v63  }
0x1b9: {  	_ =	swait.ge [sflag:s24], $0x4000  }
0x1ba: {  	[sflag:s24] =	ssyncset.done $0x0  }
0x1bb: {  	[sflag:s24] =	ssyncadd.s32 $0xFFFFC000  }
0x1bc: {  	[tilespmem:s23], [sflag:$0x2] =	stream.linear.gather [spmem:s13], $0x4000, $0x38;
	[tilespmem:$0x1E000] =	vst v63  }
0x1bd: {  	s22 =	simm.s32 $0x180;
	_ =	swait.ge [sflag:s24], $0x4000  }
0x1be: {  	v2 =	vmov s22;
	[sflag:s24] =	ssyncset.done $0x0  }
0x1bf: {  	s7 =	simm.s32 $0x5B40;
	[sflag:s24] =	ssyncadd.s32 $0xFFFFC000  }
0x1c0: {  	v6 =	vld [tilespmem:s7+$0x30]  }
0x1c1: {  	v9 =	vld [tilespmem:s7+$0x10]  }
0x1c2: {  	v7 =	vld [tilespmem:s7+$0xFFFFFFC0]  }
0x1c3: {  	v3 =	vld.idx.msk [tilespmem:v2+s25+$0x0], $0xffff  }
0x1c4: {  	v11 =	vld [tilespmem:s7+$0xFFFFFFE0]  }
0x1c5: {  	v2 =	vld [tilespmem:s7+$0xFFFFFFF0]  }
0x1c6: {  	v4 =	vld [tilespmem:s7+$0x20]  }
0x1c7: {  	v5 =	vld [tilespmem:s7+$0xFFFFFFD0]  }
0x1c8: {  	v10 =	vmul.f32 v6, v3;
	v6 =	vld [tilespmem:s7+$0x0]  }
0x1c9: {  	v8 =	vmul.f32 v7, v3  }
0x1ca: {  	s8 =	simm.s32 $0x181;
	s17 =	simm.s32 $0x5B40;
	v7 =	vmul.f32 v11, v3;
	v9 =	vmul.f32 v9, v3  }
.LBB2_18:
0x1cb: {  	p0 =	sne.s32 s8, $0x1FF  }
0x1cc: {  	v5 =	vmul.f32 v5, v3;
	v4 =	vmul.f32 v4, v3;
	[tilespmem:s7+$0x30] =	vst v10;
	s17 =	sadd.s32 $0x80, s17;
	s10 =	smov.u32 s8;
	s8 =	sadd.s32 $0x1, s8  }
0x1cd: {  	[tilespmem:s7+$0xFFFFFFC0] =	vst v8;
	v8 =	vmul.f32 v2, v3;
	v3 =	vmul.f32 v6, v3  }
0x1ce: {  	[tilespmem:s7+$0x10] =	vst v9  }
0x1cf: {  	v6 =	vmov s10;
	[tilespmem:s7+$0xFFFFFFE0] =	vst v7  }
0x1d0: {  	v2 =	vld [tilespmem:s17+$0xFFFFFFF0];
	[tilespmem:s7+$0xFFFFFFF0] =	vst v8  }
0x1d1: {  	v7 =	vld [tilespmem:s17+$0x30];
	[tilespmem:s7+$0x0] =	vst v3  }
0x1d2: {  	v9 =	vld [tilespmem:s17+$0x10];
	[tilespmem:s7+$0x20] =	vst v4  }
0x1d3: {  	v8 =	vld [tilespmem:s17+$0xFFFFFFC0];
	[tilespmem:s7+$0xFFFFFFD0] =	vst v5;
	s7 =	smov.u32 s17  }
0x1d4: {  	v3 =	vld.idx.msk [tilespmem:v6+s25+$0x0], $0xffff  }
0x1d5: {  	v11 =	vld [tilespmem:s17+$0xFFFFFFE0]  }
0x1d6: {  	v4 =	vld [tilespmem:s17+$0x20]  }
.Ltmp8:
0x1d7: {  	v5 =	vld [tilespmem:s17+$0xFFFFFFD0];
	(pc) =	sbr.rel @p0 .LBB2_18-.Ltmp8, $3  }
0x1d8: {  	v6 =	vld [tilespmem:s17+$0x0];
	_ =	sdelay $0x1  }
0x1d9: {  	v8 =	vmul.f32 v8, v3;
	v10 =	vmul.f32 v7, v3  }
0x1da: {  	v9 =	vmul.f32 v9, v3;
	v7 =	vmul.f32 v11, v3  }
0x1db: {  	[tilespmem:s7+$0x30] =	vst v10  }
0x1dc: {  	[tilespmem:s7+$0xFFFFFFC0] =	vst v8  }
0x1dd: {  	v2 =	vmul.f32 v2, v3;
	[tilespmem:s7+$0x10] =	vst v9  }
0x1de: {  	v4 =	vmul.f32 v4, v3;
	[tilespmem:s7+$0xFFFFFFE0] =	vst v7  }
0x1df: {  	v6 =	vmul.f32 v6, v3;
	[tilespmem:s7+$0xFFFFFFF0] =	vst v2  }
0x1e0: {  	v2 =	vmul.f32 v5, v3;
	[tilespmem:s7+$0x20] =	vst v4  }
0x1e1: {  	[tilespmem:s7+$0x0] =	vst v6  }
0x1e2: {  	s21 =	rddreg [dreg:$0xb];
	[tilespmem:s7+$0xFFFFFFD0] =	vst v2  }
0x1e3: {  	[hbm4b:s21+s4] =	stream.linear.scatter [tilespmem:s23], [sflag:$0x2], $0x4000, $0x38;
	[tilespmem:$0x1E000] =	vst v63  }
0x1e4: {  	_ =	swait.ge [sflag:s24], $0x4000  }
0x1e5: {  	[sflag:s24] =	ssyncset.done $0x0  }
0x1e6: {  	[sflag:s24] =	ssyncadd.s32 $0xFFFFC000  }
0x1e7: {  	[tilespmem:s23], [sflag:$0x2] =	stream.linear.gather [spmem:s14], $0x4000, $0x38;
	[tilespmem:$0x1E000] =	vst v63  }
0x1e8: {  	s22 =	simm.s32 $0x200;
	_ =	swait.ge [sflag:s24], $0x4000  }
0x1e9: {  	v2 =	vmov s22;
	[sflag:s24] =	ssyncset.done $0x0  }
0x1ea: {  	s7 =	simm.s32 $0x5B40;
	[sflag:s24] =	ssyncadd.s32 $0xFFFFC000  }
0x1eb: {  	v6 =	vld [tilespmem:s7+$0x30]  }
0x1ec: {  	v9 =	vld [tilespmem:s7+$0x10]  }
0x1ed: {  	v7 =	vld [tilespmem:s7+$0xFFFFFFC0]  }
0x1ee: {  	v3 =	vld.idx.msk [tilespmem:v2+s25+$0x0], $0xffff  }
0x1ef: {  	v11 =	vld [tilespmem:s7+$0xFFFFFFE0]  }
0x1f0: {  	v2 =	vld [tilespmem:s7+$0xFFFFFFF0]  }
0x1f1: {  	v4 =	vld [tilespmem:s7+$0x20]  }
0x1f2: {  	v5 =	vld [tilespmem:s7+$0xFFFFFFD0]  }
0x1f3: {  	v10 =	vmul.f32 v6, v3;
	v6 =	vld [tilespmem:s7+$0x0]  }
0x1f4: {  	v8 =	vmul.f32 v7, v3  }
0x1f5: {  	s8 =	simm.s32 $0x201;
	s17 =	simm.s32 $0x5B40;
	v7 =	vmul.f32 v11, v3;
	v9 =	vmul.f32 v9, v3  }
.LBB2_20:
0x1f6: {  	p0 =	sne.s32 s8, $0x27F  }
0x1f7: {  	v5 =	vmul.f32 v5, v3;
	v4 =	vmul.f32 v4, v3;
	[tilespmem:s7+$0x30] =	vst v10;
	s17 =	sadd.s32 $0x80, s17;
	s10 =	smov.u32 s8;
	s8 =	sadd.s32 $0x1, s8  }
0x1f8: {  	[tilespmem:s7+$0xFFFFFFC0] =	vst v8;
	v8 =	vmul.f32 v2, v3;
	v3 =	vmul.f32 v6, v3  }
0x1f9: {  	[tilespmem:s7+$0x10] =	vst v9  }
0x1fa: {  	v6 =	vmov s10;
	[tilespmem:s7+$0xFFFFFFE0] =	vst v7  }
0x1fb: {  	v2 =	vld [tilespmem:s17+$0xFFFFFFF0];
	[tilespmem:s7+$0xFFFFFFF0] =	vst v8  }
0x1fc: {  	v7 =	vld [tilespmem:s17+$0x30];
	[tilespmem:s7+$0x0] =	vst v3  }
0x1fd: {  	v9 =	vld [tilespmem:s17+$0x10];
	[tilespmem:s7+$0x20] =	vst v4  }
0x1fe: {  	v8 =	vld [tilespmem:s17+$0xFFFFFFC0];
	[tilespmem:s7+$0xFFFFFFD0] =	vst v5;
	s7 =	smov.u32 s17  }
0x1ff: {  	v3 =	vld.idx.msk [tilespmem:v6+s25+$0x0], $0xffff  }
0x200: {  	v11 =	vld [tilespmem:s17+$0xFFFFFFE0]  }
0x201: {  	v4 =	vld [tilespmem:s17+$0x20]  }
.Ltmp9:
0x202: {  	v5 =	vld [tilespmem:s17+$0xFFFFFFD0];
	(pc) =	sbr.rel @p0 .LBB2_20-.Ltmp9, $3  }
0x203: {  	v6 =	vld [tilespmem:s17+$0x0];
	_ =	sdelay $0x1  }
0x204: {  	v8 =	vmul.f32 v8, v3;
	v10 =	vmul.f32 v7, v3  }
0x205: {  	v9 =	vmul.f32 v9, v3;
	v7 =	vmul.f32 v11, v3  }
0x206: {  	[tilespmem:s7+$0x30] =	vst v10  }
0x207: {  	[tilespmem:s7+$0xFFFFFFC0] =	vst v8  }
0x208: {  	v2 =	vmul.f32 v2, v3;
	[tilespmem:s7+$0x10] =	vst v9  }
0x209: {  	v4 =	vmul.f32 v4, v3;
	[tilespmem:s7+$0xFFFFFFE0] =	vst v7  }
0x20a: {  	v6 =	vmul.f32 v6, v3;
	[tilespmem:s7+$0xFFFFFFF0] =	vst v2  }
0x20b: {  	v2 =	vmul.f32 v5, v3;
	[tilespmem:s7+$0x20] =	vst v4  }
0x20c: {  	[tilespmem:s7+$0x0] =	vst v6  }
0x20d: {  	s21 =	rddreg [dreg:$0xc];
	[tilespmem:s7+$0xFFFFFFD0] =	vst v2  }
0x20e: {  	[hbm4b:s21+s4] =	stream.linear.scatter [tilespmem:s23], [sflag:$0x2], $0x4000, $0x38;
	[tilespmem:$0x1E000] =	vst v63  }
0x20f: {  	_ =	swait.ge [sflag:s24], $0x4000  }
0x210: {  	s5 =	sadd.s32 $0x1, s5;
	s22 =	rddreg [dreg:$0xd]  }
0x211: {  	p0 =	sne.s32 s5, s22  }
.Ltmp10:
0x212: {  	_ = 	snop;
	(pc) =	sbr.rel @p0 .LBB2_1-.Ltmp10, $3  }
0x213: {  	_ =	sdelay $0x1  }
0x214: {  	[sflag:s24] =	ssyncset.done $0x0  }
0x215: {  	[sflag:s24] =	ssyncadd.s32 $0xFFFFC000  }
0x216: {  	_ =	sfence.sel $0x180000  }
0x217: {  	[bflag:$0x0] =	sbarrier.arrive $0xFFFF  }
0x218: {  	_ =	strace $0x90000047  }
0x219: {  	s0 =	stileid.u32;
	[bflag:$0x2] =	sbarrier.arrive $0xFFFF  }
0x21a: {  	p0 =	sne.s32 s0, $0x0;
	s0 =	rddreg [dreg:$0x4]  }
0x21b: {  	s0 =	sadd.s32 @!p0 $0x100000, s0  }
0x21c: {  	[sflag:s0] =	ssyncadd.tile.s32 @!p0 $0x1;
	_ =	shalt  }
.Lfunc_end2:
_tile_overlayer_lowered:
.L_overlay_start_2:
0x21d: {  	(tag) =	ssettag $0x2  }
0x21e: {  	s0 =	rddreg [dreg:$0x0];
	s2 =	stileid.u32  }
0x21f: {  	s1 =	rddreg [dreg:$0x1];
	p0 =	sne.s32 s2, $0x0  }
0x220: {  	s3 =	rddreg [dreg:$0x2];
	[bflag:$0x3] =	sbarrier.arrive $0xFFFF;
	s2 =	simm.s32 @!p0 $0x1C02  }
0x221: {  	[timem:s3], [sflag:s2] =	dma.local @!p0 [hbm:s0], s1  }
0x222: {  	s0 =	simm.s32 @!p0 $0x2  }
0x223: {  	_ =	swait.ge @!p0 [sflag:s0], s1  }
0x224: {  	s1 =	ssub.s32 @!p0 $0x0, s1;
	[sflag:s0] =	ssyncset.done @!p0 $0x0  }
0x225: {  	[sflag:s0] =	ssyncadd.s32 @!p0 s1  }
0x226: {  	[bflag:$0x3] =	sbarrier.arrive $0xFFFF  }
0x227: {  	_ =	shalt  }

</sc_bundles>
